<compile_context>
chip_gen: v7x
topology: tpu7x:2x2x1
jax: 0.10.2.dev20260603
libtpu: 0.0.44.dev20260713+nightly
codegen_flags: <defaults>
</compile_context>

<pallas_src>
import functools
import math

import jax
import jax.numpy as jnp
from jax import lax
from jax.experimental import pallas as pl
from jax.experimental.pallas import tpu as pltpu
from jax.experimental.pallas import tpu_sc as plsc

_H, _N, _D = 4, 10000, 128
_B, _S = 1024, 128
_SENT = 8
_NC, _NS = 2, 16
_NW = _NC * _NS
_BPW = _B // _NW
_L = 16
_NG = _S // _L
_NK = _D // _L


def _lanesum(x, lane_iota):
    for sh in (8, 4, 2, 1):
        x = x + x.at[lane_iota ^ sh].get(mode="promise_in_bounds")
    return x


def _sc_body(sidx, pos, aidx, uvec, emb, fld, adjf, out,
             aidx_v, anchor_v, field_v, sidx_v, rows_v, pos_v, lab_v,
             u_v, out_v):
    lane_iota = lax.iota(jnp.int32, _L)
    wid = lax.axis_index("s") * _NC + lax.axis_index("c")
    base = wid * _BPW
    pltpu.sync_copy(uvec, u_v)
    u16 = u_v[...]
    zeros = jnp.zeros((_L,), jnp.float32)

    def edge_body(j, pvec, eg):
        b = base + eg * _L + j
        pltpu.sync_copy(aidx.at[b], aidx_v)
        pltpu.sync_copy(emb.at[aidx_v], anchor_v)
        pltpu.sync_copy(fld.at[aidx_v], field_v)

        def head_body(h, softacc):
            z_vec = zeros
            n_vec = zeros
            for side in range(2):
                r = h * 2 + side
                pltpu.sync_copy(sidx.at[b, h, side], sidx_v)
                pltpu.sync_copy(emb.at[sidx_v], rows_v)
                pltpu.sync_copy(pos.at[b, h, side], pos_v)
                pltpu.sync_copy(adjf.at[pos_v], lab_v)

                a_vecs = [anchor_v[r, pl.ds(_L * k, _L)] for k in range(_NK)]
                f_vecs = [field_v[r, pl.ds(_L * k, _L)] for k in range(_NK)]

                def group_body(grp, carry):
                    z_c, n_c = carry

                    def samp_body(sj, sc):
                        agv, fgv = sc
                        s = grp * _L + sj
                        ag = zeros
                        fg = zeros
                        for k in range(_NK):
                            g = rows_v[s, pl.ds(_L * k, _L)]
                            diff = a_vecs[k] - g
                            ag = ag + diff * diff
                            fg = fg + diff * f_vecs[k]
                        sag = _lanesum(ag, lane_iota)
                        sfg = _lanesum(fg, lane_iota)
                        m = lane_iota == sj
                        agv = jnp.where(m, sag, agv)
                        fgv = jnp.where(m, sfg, fgv)
                        return agv, fgv

                    d2v, dfv = lax.fori_loop(0, _L, samp_body,
                                             (zeros, zeros))
                    y = jnp.full((_L,), 2.0 ** -6, jnp.float32)
                    for kk in range(-5, 7):
                        y = jnp.where(d2v >= 4.0 ** kk,
                                      jnp.float32(2.0 ** kk), y)
                    for _ in range(4):
                        y = 0.5 * (y + d2v / y)
                    dist = jnp.where(d2v > 0.0, y, 0.0)
                    e = jnp.exp(-dist)
                    labv = lab_v[pl.ds(grp * _L, _L)]
                    logit = dfv + u16 * labv
                    return z_c + e, n_c + logit * e

                z_vec, n_vec = lax.fori_loop(0, _NG, group_body,
                                             (z_vec, n_vec))
            z_tot = _lanesum(z_vec, lane_iota) + _SENT * math.exp(-1.0)
            n_tot = _lanesum(n_vec, lane_iota)
            return softacc + n_tot / z_tot
        softacc = lax.fori_loop(0, _H, head_body, zeros)
        pred = softacc * (1.0 / _H)
        return jnp.where(lane_iota == j, pred, pvec)

    for eg in range(_BPW // _L):
        pvec = lax.fori_loop(0, _L, functools.partial(edge_body, eg=eg),
                             zeros)
        sig = 1.0 / (1.0 + jnp.exp(-pvec))
        out_v[pl.ds(eg * _L, _L)] = sig
    pltpu.sync_copy(out_v, out.at[pl.ds(base, _BPW)])


@jax.jit
def kernel(embeds, batch_edges, field, uncertainty, adj, samples_src,
           samples_tgt):
    src = batch_edges[0, :]
    dst = batch_edges[1, :]
    hoff = (jnp.arange(_H, dtype=jnp.int32) * _N)[:, None, None]
    sidx = jnp.stack([samples_src + hoff, samples_tgt + hoff],
                     axis=2).transpose(1, 0, 2, 3)
    p_src = samples_src * _N + src[None, :, None]
    p_tgt = dst[None, :, None] * _N + samples_tgt
    pos = jnp.stack([p_src, p_tgt], axis=2).transpose(1, 0, 2, 3)
    nodes = jnp.stack([src, dst], axis=1)
    aidx = ((jnp.arange(_H, dtype=jnp.int32) * _N)[None, :, None]
            + nodes[:, None, :]).reshape(_B, 2 * _H)
    uvec = jnp.broadcast_to(uncertainty.reshape(-1)[:1], (_L,))

    emb = embeds.reshape(_H * _N, _D)
    fld = field.reshape(_H * _N, _D)
    adjf = adj.reshape(_N * _N)

    mesh = plsc.VectorSubcoreMesh(core_axis_name="c", subcore_axis_name="s")
    run = functools.partial(
        pl.kernel,
        out_type=jax.ShapeDtypeStruct((_B,), jnp.float32),
        mesh=mesh,
        scratch_types=[
            pltpu.VMEM((2 * _H,), jnp.int32),
            pltpu.VMEM((2 * _H, _D), jnp.float32),
            pltpu.VMEM((2 * _H, _D), jnp.float32),
            pltpu.VMEM((_S,), jnp.int32),
            pltpu.VMEM((_S, _D), jnp.float32),
            pltpu.VMEM((_S,), jnp.int32),
            pltpu.VMEM((_S,), jnp.float32),
            pltpu.VMEM((_L,), jnp.float32),
            pltpu.VMEM((_BPW,), jnp.float32),
        ],
    )(_sc_body)
    return run(sidx, pos, aidx, uvec, emb, fld, adjf)

# --- scband reference (transcript-rebuilt; emitter-appended) ---
"""Pipeline reference for scband-madpredictor-21199958573258 (READ-ONLY COPY).

The authoritative reference and input builder live on the scoring server;
editing this copy changes nothing except your own understanding.
"""

import jax, jax.numpy as jnp
import numpy as np

H, N, D = 4, 10000, 128
B, S = 1024, 128
SENT = 8


def setup_inputs(seed: int = 0) -> dict:
    key = jax.random.key(seed)
    ks = jax.random.split(key, 6)
    embeds = jax.random.normal(ks[0], (H, N, D), dtype=jnp.float32)
    batch_edges = jax.random.randint(ks[1], (2, B), 0, N, dtype=jnp.int32)
    field = jax.random.uniform(ks[2], (H, N, D), dtype=jnp.float32)
    uncertainty = jnp.ones((1, 1), dtype=jnp.float32)
    adj = jax.random.uniform(ks[3], (N, N), dtype=jnp.float32)
    samples_src = jax.random.randint(ks[4], (H, B, S), 0, N, dtype=jnp.int32)
    samples_tgt = jax.random.randint(ks[5], (H, B, S), 0, N, dtype=jnp.int32)
    return {"embeds": embeds, "batch_edges": batch_edges, "field": field,
            "uncertainty": uncertainty, "adj": adj,
            "samples_src": samples_src, "samples_tgt": samples_tgt}


def _build_logits(embeds, field, uncertainty, adj, nodes_, samples, node_type):
    # gather sampled reference embeddings per head: (H, B, S, D)
    gathered = jax.vmap(lambda e, s: e[s])(embeds, samples)
    anchor = embeds[:, nodes_]                       # (H, B, D)
    diff = anchor[:, :, None, :] - gathered          # (H, B, S, D)
    if node_type == 'source':
        label = uncertainty * adj[samples, nodes_[None, :, None]]
    else:
        label = uncertainty * adj[nodes_[None, :, None], samples]
    # (diff.unsqueeze(3) @ field[:, nodes].unsqueeze(2).unsqueeze(4)) -> dot over D
    logits = jnp.einsum('hbsd,hbd->hbs', diff, field[:, nodes_]) + label
    return logits, diff


def reference(embeds, batch_edges, field, uncertainty, adj, samples_src, samples_tgt):
    src = batch_edges[0, :]
    dst = batch_edges[1, :]
    n_batch = batch_edges.shape[1]
    src_logits, src_diff = _build_logits(embeds, field, uncertainty, adj, src, samples_src, 'source')
    tgt_logits, tgt_diff = _build_logits(embeds, field, uncertainty, adj, dst, samples_tgt, 'target')
    logits = jnp.concatenate((src_logits, tgt_logits), axis=2)            # (H, B, 2S)
    dist = jnp.linalg.norm(jnp.concatenate((src_diff, tgt_diff), axis=2), axis=3)  # (H, B, 2S)
    # aggregate_references with soft sentinels
    logits = jnp.concatenate((logits, jnp.zeros((H, n_batch, SENT), dtype=logits.dtype)), axis=2)
    dist = jnp.concatenate((dist, jnp.ones((H, n_batch, SENT), dtype=dist.dtype)), axis=2)
    softmin_ = jnp.sum(logits * jax.nn.softmax(1.0 - dist, axis=2), axis=2)  # (H, B)
    preds = softmin_.mean(axis=0)
    return jax.nn.sigmoid(preds).ravel()

if __name__ == "__main__":
    import jax
    _d = setup_inputs()
    print(jax.jit(kernel)(*tuple(_d.values())))

</pallas_src>

<mosaic_0001>
#map = affine_map<(d0, d1) -> (0, 0, 0, 0)>
#map1 = affine_map<(d0, d1) -> (0, 0)>
#map2 = affine_map<(d0, d1) -> (0)>
module attributes {stable_mosaic.version = 14 : i64} {
  func.func @_sc_body(%arg0: i32, %arg1: i32, %arg2: memref<1024x4x2x128xi32, #tpu.memory_space<hbm>>, %arg3: memref<1024x4x2x128xi32, #tpu.memory_space<hbm>>, %arg4: memref<1024x8xi32, #tpu.memory_space<hbm>>, %arg5: memref<16xf32, #tpu.memory_space<hbm>>, %arg6: memref<40000x128xf32, #tpu.memory_space<hbm>>, %arg7: memref<40000x128xf32, #tpu.memory_space<hbm>>, %arg8: memref<100000000xf32, #tpu.memory_space<hbm>>, %arg9: memref<1024xf32, #tpu.memory_space<hbm>>, %arg10: memref<8xi32, #tpu.memory_space<vmem>>, %arg11: memref<8x128xf32, #tpu.memory_space<vmem>>, %arg12: memref<8x128xf32, #tpu.memory_space<vmem>>, %arg13: memref<128xi32, #tpu.memory_space<vmem>>, %arg14: memref<128x128xf32, #tpu.memory_space<vmem>>, %arg15: memref<128xi32, #tpu.memory_space<vmem>>, %arg16: memref<128xf32, #tpu.memory_space<vmem>>, %arg17: memref<16xf32, #tpu.memory_space<vmem>>, %arg18: memref<32xf32, #tpu.memory_space<vmem>>) attributes {dimension_semantics = [#tpu.dimension_semantics<core_parallel>, #tpu.dimension_semantics<subcore_parallel>], iteration_bounds = array<i64: 2, 16>, scalar_prefetch = 0 : i64, scratch_operands = 9 : i64, tpu.core_type = #tpu.core_type<sc_vector_subcore>, window_params = [{transform_indices = #map}, {transform_indices = #map}, {transform_indices = #map1}, {transform_indices = #map2}, {transform_indices = #map1}, {transform_indices = #map1}, {transform_indices = #map2}, {transform_indices = #map2}]} {
    %iota3A = tpu.iota {dimensions = array<i32: 0>} : vector<16xi32>
    %mul3A = arith.constant 2 : i32
    %mul3A_0 = arith.muli %arg1, %mul3A : i32
    %add3A = arith.addi %mul3A_0, %arg0 : i32
    %mul3A_1 = arith.constant 32 : i32
    %mul3A_2 = arith.muli %add3A, %mul3A_1 : i32
    "tpu.region"() ({
      %run_scoped3A = tpu.sem_alloc : memref<!tpu.dma_semaphore, #tpu.memory_space<semaphore_mem>>
      tpu.enqueue_dma source(%arg5 : memref<16xf32, #tpu.memory_space<hbm>>) target(%arg17 : memref<16xf32, #tpu.memory_space<vmem>>) target_semaphore(%run_scoped3A : memref<!tpu.dma_semaphore, #tpu.memory_space<semaphore_mem>>)
      tpu.wait_dma2 semaphore(%run_scoped3A : memref<!tpu.dma_semaphore, #tpu.memory_space<semaphore_mem>>) src(%arg5 : memref<16xf32, #tpu.memory_space<hbm>>) dst(%arg17 : memref<16xf32, #tpu.memory_space<vmem>>)
      tpu.yield
    }) : () -> ()
    %get3A = arith.constant 0 : index
    %get3A_3 = tpu.vector_load %arg17[%get3A] {strides = array<i32>} : memref<16xf32, #tpu.memory_space<vmem>>, vector<16xf32>,
    %get3A_4 = vector.shape_cast %get3A_3 : vector<16xf32> to vector<16xf32>
    %broadcast_in_dim3A = arith.constant 0.000000e+00 : f32
    %broadcast_in_dim3A_5 = vector.broadcast %broadcast_in_dim3A : f32 to vector<16xf32>
    %scan3A = arith.constant 0 : i32
    %scan3A_6 = arith.constant 16 : i32
    %scan3A_7 = arith.addi %scan3A, %scan3A_6 : i32
    %scan3A_8 = arith.constant 1 : i32
    %scan3A_9 = scf.for %scan3A_41 = %scan3A to %scan3A_7 step %scan3A_8 iter_args(%scan3A_42 = %broadcast_in_dim3A_5) -> (vector<16xf32>)  : i32 {
      %add3A_43 = arith.constant 0 : i32
      %add3A_44 = arith.addi %mul3A_2, %add3A_43 : i32
      %add3A_45 = arith.addi %add3A_44, %scan3A_41 : i32
      "tpu.region"() ({
        %run_scoped3A = tpu.sem_alloc : memref<!tpu.dma_semaphore, #tpu.memory_space<semaphore_mem>>
        %dma_start3A = arith.constant 0 : i32
        %dma_start3A_56 = tpu.memref_slice %arg4[%add3A_45, %dma_start3A] : memref<1024x8xi32, #tpu.memory_space<hbm>> -> memref<1x8xi32, #tpu.memory_space<hbm>>
        %dma_start3A_57 = tpu.memref_squeeze %dma_start3A_56 : memref<1x8xi32, #tpu.memory_space<hbm>> -> memref<8xi32, #tpu.memory_space<hbm>>
        %dma_start3A_58 = arith.constant 0 : i32
        %dma_start3A_59 = tpu.memref_slice %arg4[%add3A_45, %dma_start3A_58] : memref<1024x8xi32, #tpu.memory_space<hbm>> -> memref<1x8xi32, #tpu.memory_space<hbm>>
        %dma_start3A_60 = tpu.memref_squeeze %dma_start3A_59 : memref<1x8xi32, #tpu.memory_space<hbm>> -> memref<8xi32, #tpu.memory_space<hbm>>
        tpu.enqueue_dma source(%dma_start3A_60 : memref<8xi32, #tpu.memory_space<hbm>>) target(%arg10 : memref<8xi32, #tpu.memory_space<vmem>>) target_semaphore(%run_scoped3A : memref<!tpu.dma_semaphore, #tpu.memory_space<semaphore_mem>>)
        %dma_wait3A = arith.constant 0 : i32
        %dma_wait3A_61 = tpu.memref_slice %arg4[%add3A_45, %dma_wait3A] : memref<1024x8xi32, #tpu.memory_space<hbm>> -> memref<1x8xi32, #tpu.memory_space<hbm>>
        %dma_wait3A_62 = tpu.memref_squeeze %dma_wait3A_61 : memref<1x8xi32, #tpu.memory_space<hbm>> -> memref<8xi32, #tpu.memory_space<hbm>>
        %dma_wait3A_63 = arith.constant 0 : i32
        %dma_wait3A_64 = tpu.memref_slice %arg4[%add3A_45, %dma_wait3A_63] : memref<1024x8xi32, #tpu.memory_space<hbm>> -> memref<1x8xi32, #tpu.memory_space<hbm>>
        %dma_wait3A_65 = tpu.memref_squeeze %dma_wait3A_64 : memref<1x8xi32, #tpu.memory_space<hbm>> -> memref<8xi32, #tpu.memory_space<hbm>>
        tpu.wait_dma2 semaphore(%run_scoped3A : memref<!tpu.dma_semaphore, #tpu.memory_space<semaphore_mem>>) src(%dma_wait3A_65 : memref<8xi32, #tpu.memory_space<hbm>>) dst(%arg10 : memref<8xi32, #tpu.memory_space<vmem>>)
        tpu.yield
      }) : () -> ()
      "tpu.region"() ({
        %run_scoped3A = tpu.sem_alloc : memref<!tpu.dma_semaphore, #tpu.memory_space<semaphore_mem>>
        %dma_start3A = arith.constant 0 : i32
        %dma_start3A_56 = arith.constant 0 : i32
        %dma_start3A_57 = tpu.memref_slice %arg6[%dma_start3A, %dma_start3A_56] : memref<40000x128xf32, #tpu.memory_space<hbm>> -> memref<40000x128xf32, #tpu.memory_space<hbm>>
        tpu.enqueue_indirect_dma source(%dma_start3A_57 : memref<40000x128xf32, #tpu.memory_space<hbm>>) target(%arg11 : memref<8x128xf32, #tpu.memory_space<vmem>>) offsets(%arg10 : memref<8xi32, #tpu.memory_space<vmem>>) semaphore(%run_scoped3A : memref<!tpu.dma_semaphore, #tpu.memory_space<semaphore_mem>>)
        %dma_wait3A = arith.constant 0 : i32
        %dma_wait3A_58 = arith.constant 0 : i32
        %dma_wait3A_59 = tpu.memref_slice %arg6[%dma_wait3A, %dma_wait3A_58] : memref<40000x128xf32, #tpu.memory_space<hbm>> -> memref<40000x128xf32, #tpu.memory_space<hbm>>
        tpu.wait_indirect_dma semaphore(%run_scoped3A : memref<!tpu.dma_semaphore, #tpu.memory_space<semaphore_mem>>) src(%dma_wait3A_59 : memref<40000x128xf32, #tpu.memory_space<hbm>>) dst(%arg11 : memref<8x128xf32, #tpu.memory_space<vmem>>)
        tpu.yield
      }) : () -> ()
      "tpu.region"() ({
        %run_scoped3A = tpu.sem_alloc : memref<!tpu.dma_semaphore, #tpu.memory_space<semaphore_mem>>
        %dma_start3A = arith.constant 0 : i32
        %dma_start3A_56 = arith.constant 0 : i32
        %dma_start3A_57 = tpu.memref_slice %arg7[%dma_start3A, %dma_start3A_56] : memref<40000x128xf32, #tpu.memory_space<hbm>> -> memref<40000x128xf32, #tpu.memory_space<hbm>>
        tpu.enqueue_indirect_dma source(%dma_start3A_57 : memref<40000x128xf32, #tpu.memory_space<hbm>>) target(%arg12 : memref<8x128xf32, #tpu.memory_space<vmem>>) offsets(%arg10 : memref<8xi32, #tpu.memory_space<vmem>>) semaphore(%run_scoped3A : memref<!tpu.dma_semaphore, #tpu.memory_space<semaphore_mem>>)
        %dma_wait3A = arith.constant 0 : i32
        %dma_wait3A_58 = arith.constant 0 : i32
        %dma_wait3A_59 = tpu.memref_slice %arg7[%dma_wait3A, %dma_wait3A_58] : memref<40000x128xf32, #tpu.memory_space<hbm>> -> memref<40000x128xf32, #tpu.memory_space<hbm>>
        tpu.wait_indirect_dma semaphore(%run_scoped3A : memref<!tpu.dma_semaphore, #tpu.memory_space<semaphore_mem>>) src(%dma_wait3A_59 : memref<40000x128xf32, #tpu.memory_space<hbm>>) dst(%arg12 : memref<8x128xf32, #tpu.memory_space<vmem>>)
        tpu.yield
      }) : () -> ()
      %scan3A_46 = arith.constant 0 : i32
      %scan3A_47 = arith.constant 4 : i32
      %scan3A_48 = arith.addi %scan3A_46, %scan3A_47 : i32
      %scan3A_49 = arith.constant 1 : i32
      %scan3A_50 = scf.for %scan3A_56 = %scan3A_46 to %scan3A_48 step %scan3A_49 iter_args(%scan3A_57 = %broadcast_in_dim3A_5) -> (vector<16xf32>)  : i32 {
        %mul3A_58 = arith.constant 2 : i32
        %mul3A_59 = arith.muli %scan3A_56, %mul3A_58 : i32
        %add3A_60 = arith.constant 0 : i32
        %add3A_61 = arith.addi %mul3A_59, %add3A_60 : i32
        %run_scoped3A = arith.constant 0 : i32
        "tpu.region"() ({
          %run_scoped3A_323 = tpu.sem_alloc : memref<!tpu.dma_semaphore, #tpu.memory_space<semaphore_mem>>
          %dma_start3A = arith.constant 0 : i32
          %dma_start3A_324 = tpu.memref_slice %arg2[%add3A_45, %scan3A_56, %run_scoped3A, %dma_start3A] : memref<1024x4x2x128xi32, #tpu.memory_space<hbm>> -> memref<1x1x1x128xi32, #tpu.memory_space<hbm>>
          %dma_start3A_325 = tpu.memref_squeeze %dma_start3A_324 : memref<1x1x1x128xi32, #tpu.memory_space<hbm>> -> memref<128xi32, #tpu.memory_space<hbm>>
          %dma_start3A_326 = arith.constant 0 : i32
          %dma_start3A_327 = tpu.memref_slice %arg2[%add3A_45, %scan3A_56, %run_scoped3A, %dma_start3A_326] : memref<1024x4x2x128xi32, #tpu.memory_space<hbm>> -> memref<1x1x1x128xi32, #tpu.memory_space<hbm>>
          %dma_start3A_328 = tpu.memref_squeeze %dma_start3A_327 : memref<1x1x1x128xi32, #tpu.memory_space<hbm>> -> memref<128xi32, #tpu.memory_space<hbm>>
          tpu.enqueue_dma source(%dma_start3A_328 : memref<128xi32, #tpu.memory_space<hbm>>) target(%arg13 : memref<128xi32, #tpu.memory_space<vmem>>) target_semaphore(%run_scoped3A_323 : memref<!tpu.dma_semaphore, #tpu.memory_space<semaphore_mem>>)
          %dma_wait3A = arith.constant 0 : i32
          %dma_wait3A_329 = tpu.memref_slice %arg2[%add3A_45, %scan3A_56, %run_scoped3A, %dma_wait3A] : memref<1024x4x2x128xi32, #tpu.memory_space<hbm>> -> memref<1x1x1x128xi32, #tpu.memory_space<hbm>>
          %dma_wait3A_330 = tpu.memref_squeeze %dma_wait3A_329 : memref<1x1x1x128xi32, #tpu.memory_space<hbm>> -> memref<128xi32, #tpu.memory_space<hbm>>
          %dma_wait3A_331 = arith.constant 0 : i32
          %dma_wait3A_332 = tpu.memref_slice %arg2[%add3A_45, %scan3A_56, %run_scoped3A, %dma_wait3A_331] : memref<1024x4x2x128xi32, #tpu.memory_space<hbm>> -> memref<1x1x1x128xi32, #tpu.memory_space<hbm>>
          %dma_wait3A_333 = tpu.memref_squeeze %dma_wait3A_332 : memref<1x1x1x128xi32, #tpu.memory_space<hbm>> -> memref<128xi32, #tpu.memory_space<hbm>>
          tpu.wait_dma2 semaphore(%run_scoped3A_323 : memref<!tpu.dma_semaphore, #tpu.memory_space<semaphore_mem>>) src(%dma_wait3A_333 : memref<128xi32, #tpu.memory_space<hbm>>) dst(%arg13 : memref<128xi32, #tpu.memory_space<vmem>>)
          tpu.yield
        }) : () -> ()
        "tpu.region"() ({
          %run_scoped3A_323 = tpu.sem_alloc : memref<!tpu.dma_semaphore, #tpu.memory_space<semaphore_mem>>
          %dma_start3A = arith.constant 0 : i32
          %dma_start3A_324 = arith.constant 0 : i32
          %dma_start3A_325 = tpu.memref_slice %arg6[%dma_start3A, %dma_start3A_324] : memref<40000x128xf32, #tpu.memory_space<hbm>> -> memref<40000x128xf32, #tpu.memory_space<hbm>>
          tpu.enqueue_indirect_dma source(%dma_start3A_325 : memref<40000x128xf32, #tpu.memory_space<hbm>>) target(%arg14 : memref<128x128xf32, #tpu.memory_space<vmem>>) offsets(%arg13 : memref<128xi32, #tpu.memory_space<vmem>>) semaphore(%run_scoped3A_323 : memref<!tpu.dma_semaphore, #tpu.memory_space<semaphore_mem>>)
          %dma_wait3A = arith.constant 0 : i32
          %dma_wait3A_326 = arith.constant 0 : i32
          %dma_wait3A_327 = tpu.memref_slice %arg6[%dma_wait3A, %dma_wait3A_326] : memref<40000x128xf32, #tpu.memory_space<hbm>> -> memref<40000x128xf32, #tpu.memory_space<hbm>>
          tpu.wait_indirect_dma semaphore(%run_scoped3A_323 : memref<!tpu.dma_semaphore, #tpu.memory_space<semaphore_mem>>) src(%dma_wait3A_327 : memref<40000x128xf32, #tpu.memory_space<hbm>>) dst(%arg14 : memref<128x128xf32, #tpu.memory_space<vmem>>)
          tpu.yield
        }) : () -> ()
        %run_scoped3A_62 = arith.constant 0 : i32
        "tpu.region"() ({
          %run_scoped3A_323 = tpu.sem_alloc : memref<!tpu.dma_semaphore, #tpu.memory_space<semaphore_mem>>
          %dma_start3A = arith.constant 0 : i32
          %dma_start3A_324 = tpu.memref_slice %arg3[%add3A_45, %scan3A_56, %run_scoped3A_62, %dma_start3A] : memref<1024x4x2x128xi32, #tpu.memory_space<hbm>> -> memref<1x1x1x128xi32, #tpu.memory_space<hbm>>
          %dma_start3A_325 = tpu.memref_squeeze %dma_start3A_324 : memref<1x1x1x128xi32, #tpu.memory_space<hbm>> -> memref<128xi32, #tpu.memory_space<hbm>>
          %dma_start3A_326 = arith.constant 0 : i32
          %dma_start3A_327 = tpu.memref_slice %arg3[%add3A_45, %scan3A_56, %run_scoped3A_62, %dma_start3A_326] : memref<1024x4x2x128xi32, #tpu.memory_space<hbm>> -> memref<1x1x1x128xi32, #tpu.memory_space<hbm>>
          %dma_start3A_328 = tpu.memref_squeeze %dma_start3A_327 : memref<1x1x1x128xi32, #tpu.memory_space<hbm>> -> memref<128xi32, #tpu.memory_space<hbm>>
          tpu.enqueue_dma source(%dma_start3A_328 : memref<128xi32, #tpu.memory_space<hbm>>) target(%arg15 : memref<128xi32, #tpu.memory_space<vmem>>) target_semaphore(%run_scoped3A_323 : memref<!tpu.dma_semaphore, #tpu.memory_space<semaphore_mem>>)
          %dma_wait3A = arith.constant 0 : i32
          %dma_wait3A_329 = tpu.memref_slice %arg3[%add3A_45, %scan3A_56, %run_scoped3A_62, %dma_wait3A] : memref<1024x4x2x128xi32, #tpu.memory_space<hbm>> -> memref<1x1x1x128xi32, #tpu.memory_space<hbm>>
          %dma_wait3A_330 = tpu.memref_squeeze %dma_wait3A_329 : memref<1x1x1x128xi32, #tpu.memory_space<hbm>> -> memref<128xi32, #tpu.memory_space<hbm>>
          %dma_wait3A_331 = arith.constant 0 : i32
          %dma_wait3A_332 = tpu.memref_slice %arg3[%add3A_45, %scan3A_56, %run_scoped3A_62, %dma_wait3A_331] : memref<1024x4x2x128xi32, #tpu.memory_space<hbm>> -> memref<1x1x1x128xi32, #tpu.memory_space<hbm>>
          %dma_wait3A_333 = tpu.memref_squeeze %dma_wait3A_332 : memref<1x1x1x128xi32, #tpu.memory_space<hbm>> -> memref<128xi32, #tpu.memory_space<hbm>>
          tpu.wait_dma2 semaphore(%run_scoped3A_323 : memref<!tpu.dma_semaphore, #tpu.memory_space<semaphore_mem>>) src(%dma_wait3A_333 : memref<128xi32, #tpu.memory_space<hbm>>) dst(%arg15 : memref<128xi32, #tpu.memory_space<vmem>>)
          tpu.yield
        }) : () -> ()
        "tpu.region"() ({
          %run_scoped3A_323 = tpu.sem_alloc : memref<!tpu.dma_semaphore, #tpu.memory_space<semaphore_mem>>
          %dma_start3A = arith.constant 0 : i32
          %dma_start3A_324 = tpu.memref_slice %arg8[%dma_start3A] : memref<100000000xf32, #tpu.memory_space<hbm>> -> memref<100000000xf32, #tpu.memory_space<hbm>>
          tpu.enqueue_indirect_dma source(%dma_start3A_324 : memref<100000000xf32, #tpu.memory_space<hbm>>) target(%arg16 : memref<128xf32, #tpu.memory_space<vmem>>) offsets(%arg15 : memref<128xi32, #tpu.memory_space<vmem>>) semaphore(%run_scoped3A_323 : memref<!tpu.dma_semaphore, #tpu.memory_space<semaphore_mem>>)
          %dma_wait3A = arith.constant 0 : i32
          %dma_wait3A_325 = tpu.memref_slice %arg8[%dma_wait3A] : memref<100000000xf32, #tpu.memory_space<hbm>> -> memref<100000000xf32, #tpu.memory_space<hbm>>
          tpu.wait_indirect_dma semaphore(%run_scoped3A_323 : memref<!tpu.dma_semaphore, #tpu.memory_space<semaphore_mem>>) src(%dma_wait3A_325 : memref<100000000xf32, #tpu.memory_space<hbm>>) dst(%arg16 : memref<128xf32, #tpu.memory_space<vmem>>)
          tpu.yield
        }) : () -> ()
        %get3A_63 = arith.index_cast %add3A_61 : i32 to index
        %get3A_64 = arith.constant 0 : index
        %get3A_65 = tpu.vector_load %arg11[%get3A_63, %get3A_64] {strides = array<i32>} : memref<8x128xf32, #tpu.memory_space<vmem>>, vector<1x16xf32>,
        %get3A_66 = vector.shape_cast %get3A_65 : vector<1x16xf32> to vector<16xf32>
        %get3A_67 = arith.index_cast %add3A_61 : i32 to index
        %get3A_68 = arith.constant 16 : index
        %get3A_69 = tpu.vector_load %arg11[%get3A_67, %get3A_68] {strides = array<i32>} : memref<8x128xf32, #tpu.memory_space<vmem>>, vector<1x16xf32>,
        %get3A_70 = vector.shape_cast %get3A_69 : vector<1x16xf32> to vector<16xf32>
        %get3A_71 = arith.index_cast %add3A_61 : i32 to index
        %get3A_72 = arith.constant 32 : index
        %get3A_73 = tpu.vector_load %arg11[%get3A_71, %get3A_72] {strides = array<i32>} : memref<8x128xf32, #tpu.memory_space<vmem>>, vector<1x16xf32>,
        %get3A_74 = vector.shape_cast %get3A_73 : vector<1x16xf32> to vector<16xf32>
        %get3A_75 = arith.index_cast %add3A_61 : i32 to index
        %get3A_76 = arith.constant 48 : index
        %get3A_77 = tpu.vector_load %arg11[%get3A_75, %get3A_76] {strides = array<i32>} : memref<8x128xf32, #tpu.memory_space<vmem>>, vector<1x16xf32>,
        %get3A_78 = vector.shape_cast %get3A_77 : vector<1x16xf32> to vector<16xf32>
        %get3A_79 = arith.index_cast %add3A_61 : i32 to index
        %get3A_80 = arith.constant 64 : index
        %get3A_81 = tpu.vector_load %arg11[%get3A_79, %get3A_80] {strides = array<i32>} : memref<8x128xf32, #tpu.memory_space<vmem>>, vector<1x16xf32>,
        %get3A_82 = vector.shape_cast %get3A_81 : vector<1x16xf32> to vector<16xf32>
        %get3A_83 = arith.index_cast %add3A_61 : i32 to index
        %get3A_84 = arith.constant 80 : index
        %get3A_85 = tpu.vector_load %arg11[%get3A_83, %get3A_84] {strides = array<i32>} : memref<8x128xf32, #tpu.memory_space<vmem>>, vector<1x16xf32>,
        %get3A_86 = vector.shape_cast %get3A_85 : vector<1x16xf32> to vector<16xf32>
        %get3A_87 = arith.index_cast %add3A_61 : i32 to index
        %get3A_88 = arith.constant 96 : index
        %get3A_89 = tpu.vector_load %arg11[%get3A_87, %get3A_88] {strides = array<i32>} : memref<8x128xf32, #tpu.memory_space<vmem>>, vector<1x16xf32>,
        %get3A_90 = vector.shape_cast %get3A_89 : vector<1x16xf32> to vector<16xf32>
        %get3A_91 = arith.index_cast %add3A_61 : i32 to index
        %get3A_92 = arith.constant 112 : index
        %get3A_93 = tpu.vector_load %arg11[%get3A_91, %get3A_92] {strides = array<i32>} : memref<8x128xf32, #tpu.memory_space<vmem>>, vector<1x16xf32>,
        %get3A_94 = vector.shape_cast %get3A_93 : vector<1x16xf32> to vector<16xf32>
        %get3A_95 = arith.index_cast %add3A_61 : i32 to index
        %get3A_96 = arith.constant 0 : index
        %get3A_97 = tpu.vector_load %arg12[%get3A_95, %get3A_96] {strides = array<i32>} : memref<8x128xf32, #tpu.memory_space<vmem>>, vector<1x16xf32>,
        %get3A_98 = vector.shape_cast %get3A_97 : vector<1x16xf32> to vector<16xf32>
        %get3A_99 = arith.index_cast %add3A_61 : i32 to index
        %get3A_100 = arith.constant 16 : index
        %get3A_101 = tpu.vector_load %arg12[%get3A_99, %get3A_100] {strides = array<i32>} : memref<8x128xf32, #tpu.memory_space<vmem>>, vector<1x16xf32>,
        %get3A_102 = vector.shape_cast %get3A_101 : vector<1x16xf32> to vector<16xf32>
        %get3A_103 = arith.index_cast %add3A_61 : i32 to index
        %get3A_104 = arith.constant 32 : index
        %get3A_105 = tpu.vector_load %arg12[%get3A_103, %get3A_104] {strides = array<i32>} : memref<8x128xf32, #tpu.memory_space<vmem>>, vector<1x16xf32>,
        %get3A_106 = vector.shape_cast %get3A_105 : vector<1x16xf32> to vector<16xf32>
        %get3A_107 = arith.index_cast %add3A_61 : i32 to index
        %get3A_108 = arith.constant 48 : index
        %get3A_109 = tpu.vector_load %arg12[%get3A_107, %get3A_108] {strides = array<i32>} : memref<8x128xf32, #tpu.memory_space<vmem>>, vector<1x16xf32>,
        %get3A_110 = vector.shape_cast %get3A_109 : vector<1x16xf32> to vector<16xf32>
        %get3A_111 = arith.index_cast %add3A_61 : i32 to index
        %get3A_112 = arith.constant 64 : index
        %get3A_113 = tpu.vector_load %arg12[%get3A_111, %get3A_112] {strides = array<i32>} : memref<8x128xf32, #tpu.memory_space<vmem>>, vector<1x16xf32>,
        %get3A_114 = vector.shape_cast %get3A_113 : vector<1x16xf32> to vector<16xf32>
        %get3A_115 = arith.index_cast %add3A_61 : i32 to index
        %get3A_116 = arith.constant 80 : index
        %get3A_117 = tpu.vector_load %arg12[%get3A_115, %get3A_116] {strides = array<i32>} : memref<8x128xf32, #tpu.memory_space<vmem>>, vector<1x16xf32>,
        %get3A_118 = vector.shape_cast %get3A_117 : vector<1x16xf32> to vector<16xf32>
        %get3A_119 = arith.index_cast %add3A_61 : i32 to index
        %get3A_120 = arith.constant 96 : index
        %get3A_121 = tpu.vector_load %arg12[%get3A_119, %get3A_120] {strides = array<i32>} : memref<8x128xf32, #tpu.memory_space<vmem>>, vector<1x16xf32>,
        %get3A_122 = vector.shape_cast %get3A_121 : vector<1x16xf32> to vector<16xf32>
        %get3A_123 = arith.index_cast %add3A_61 : i32 to index
        %get3A_124 = arith.constant 112 : index
        %get3A_125 = tpu.vector_load %arg12[%get3A_123, %get3A_124] {strides = array<i32>} : memref<8x128xf32, #tpu.memory_space<vmem>>, vector<1x16xf32>,
        %get3A_126 = vector.shape_cast %get3A_125 : vector<1x16xf32> to vector<16xf32>
        %scan3A_127 = arith.constant 0 : i32
        %scan3A_128 = arith.constant 8 : i32
        %scan3A_129 = arith.addi %scan3A_127, %scan3A_128 : i32
        %scan3A_130 = arith.constant 1 : i32
        %scan3A_131:2 = scf.for %scan3A_323 = %scan3A_127 to %scan3A_129 step %scan3A_130 iter_args(%scan3A_324 = %broadcast_in_dim3A_5, %scan3A_325 = %broadcast_in_dim3A_5) -> (vector<16xf32>, vector<16xf32>)  : i32 {
          %scan3A_326 = arith.constant 0 : i32
          %scan3A_327 = arith.constant 16 : i32
          %scan3A_328 = arith.addi %scan3A_326, %scan3A_327 : i32
          %scan3A_329 = arith.constant 1 : i32
          %scan3A_330:2 = scf.for %scan3A_443 = %scan3A_326 to %scan3A_328 step %scan3A_329 iter_args(%scan3A_444 = %broadcast_in_dim3A_5, %scan3A_445 = %broadcast_in_dim3A_5) -> (vector<16xf32>, vector<16xf32>)  : i32 {
            %mul3A_446 = arith.constant 16 : i32
            %mul3A_447 = arith.muli %scan3A_323, %mul3A_446 : i32
            %add3A_448 = arith.addi %mul3A_447, %scan3A_443 : i32
            %get3A_449 = arith.index_cast %add3A_448 : i32 to index
            %get3A_450 = arith.constant 0 : index
            %get3A_451 = tpu.vector_load %arg14[%get3A_449, %get3A_450] {strides = array<i32>} : memref<128x128xf32, #tpu.memory_space<vmem>>, vector<1x16xf32>,
            %get3A_452 = vector.shape_cast %get3A_451 : vector<1x16xf32> to vector<16xf32>
            %sub3A = arith.subf %get3A_66, %get3A_452 : vector<16xf32>
            %mul3A_453 = arith.mulf %sub3A, %sub3A : vector<16xf32>
            %add3A_454 = arith.addf %broadcast_in_dim3A_5, %mul3A_453 : vector<16xf32>
            %mul3A_455 = arith.mulf %sub3A, %get3A_98 : vector<16xf32>
            %add3A_456 = arith.addf %broadcast_in_dim3A_5, %mul3A_455 : vector<16xf32>
            %get3A_457 = arith.index_cast %add3A_448 : i32 to index
            %get3A_458 = arith.constant 16 : index
            %get3A_459 = tpu.vector_load %arg14[%get3A_457, %get3A_458] {strides = array<i32>} : memref<128x128xf32, #tpu.memory_space<vmem>>, vector<1x16xf32>,
            %get3A_460 = vector.shape_cast %get3A_459 : vector<1x16xf32> to vector<16xf32>
            %sub3A_461 = arith.subf %get3A_70, %get3A_460 : vector<16xf32>
            %mul3A_462 = arith.mulf %sub3A_461, %sub3A_461 : vector<16xf32>
            %add3A_463 = arith.addf %add3A_454, %mul3A_462 : vector<16xf32>
            %mul3A_464 = arith.mulf %sub3A_461, %get3A_102 : vector<16xf32>
            %add3A_465 = arith.addf %add3A_456, %mul3A_464 : vector<16xf32>
            %get3A_466 = arith.index_cast %add3A_448 : i32 to index
            %get3A_467 = arith.constant 32 : index
            %get3A_468 = tpu.vector_load %arg14[%get3A_466, %get3A_467] {strides = array<i32>} : memref<128x128xf32, #tpu.memory_space<vmem>>, vector<1x16xf32>,
            %get3A_469 = vector.shape_cast %get3A_468 : vector<1x16xf32> to vector<16xf32>
            %sub3A_470 = arith.subf %get3A_74, %get3A_469 : vector<16xf32>
            %mul3A_471 = arith.mulf %sub3A_470, %sub3A_470 : vector<16xf32>
            %add3A_472 = arith.addf %add3A_463, %mul3A_471 : vector<16xf32>
            %mul3A_473 = arith.mulf %sub3A_470, %get3A_106 : vector<16xf32>
            %add3A_474 = arith.addf %add3A_465, %mul3A_473 : vector<16xf32>
            %get3A_475 = arith.index_cast %add3A_448 : i32 to index
            %get3A_476 = arith.constant 48 : index
            %get3A_477 = tpu.vector_load %arg14[%get3A_475, %get3A_476] {strides = array<i32>} : memref<128x128xf32, #tpu.memory_space<vmem>>, vector<1x16xf32>,
            %get3A_478 = vector.shape_cast %get3A_477 : vector<1x16xf32> to vector<16xf32>
            %sub3A_479 = arith.subf %get3A_78, %get3A_478 : vector<16xf32>
            %mul3A_480 = arith.mulf %sub3A_479, %sub3A_479 : vector<16xf32>
            %add3A_481 = arith.addf %add3A_472, %mul3A_480 : vector<16xf32>
            %mul3A_482 = arith.mulf %sub3A_479, %get3A_110 : vector<16xf32>
            %add3A_483 = arith.addf %add3A_474, %mul3A_482 : vector<16xf32>
            %get3A_484 = arith.index_cast %add3A_448 : i32 to index
            %get3A_485 = arith.constant 64 : index
            %get3A_486 = tpu.vector_load %arg14[%get3A_484, %get3A_485] {strides = array<i32>} : memref<128x128xf32, #tpu.memory_space<vmem>>, vector<1x16xf32>,
            %get3A_487 = vector.shape_cast %get3A_486 : vector<1x16xf32> to vector<16xf32>
            %sub3A_488 = arith.subf %get3A_82, %get3A_487 : vector<16xf32>
            %mul3A_489 = arith.mulf %sub3A_488, %sub3A_488 : vector<16xf32>
            %add3A_490 = arith.addf %add3A_481, %mul3A_489 : vector<16xf32>
            %mul3A_491 = arith.mulf %sub3A_488, %get3A_114 : vector<16xf32>
            %add3A_492 = arith.addf %add3A_483, %mul3A_491 : vector<16xf32>
            %get3A_493 = arith.index_cast %add3A_448 : i32 to index
            %get3A_494 = arith.constant 80 : index
            %get3A_495 = tpu.vector_load %arg14[%get3A_493, %get3A_494] {strides = array<i32>} : memref<128x128xf32, #tpu.memory_space<vmem>>, vector<1x16xf32>,
            %get3A_496 = vector.shape_cast %get3A_495 : vector<1x16xf32> to vector<16xf32>
            %sub3A_497 = arith.subf %get3A_86, %get3A_496 : vector<16xf32>
            %mul3A_498 = arith.mulf %sub3A_497, %sub3A_497 : vector<16xf32>
            %add3A_499 = arith.addf %add3A_490, %mul3A_498 : vector<16xf32>
            %mul3A_500 = arith.mulf %sub3A_497, %get3A_118 : vector<16xf32>
            %add3A_501 = arith.addf %add3A_492, %mul3A_500 : vector<16xf32>
            %get3A_502 = arith.index_cast %add3A_448 : i32 to index
            %get3A_503 = arith.constant 96 : index
            %get3A_504 = tpu.vector_load %arg14[%get3A_502, %get3A_503] {strides = array<i32>} : memref<128x128xf32, #tpu.memory_space<vmem>>, vector<1x16xf32>,
            %get3A_505 = vector.shape_cast %get3A_504 : vector<1x16xf32> to vector<16xf32>
            %sub3A_506 = arith.subf %get3A_90, %get3A_505 : vector<16xf32>
            %mul3A_507 = arith.mulf %sub3A_506, %sub3A_506 : vector<16xf32>
            %add3A_508 = arith.addf %add3A_499, %mul3A_507 : vector<16xf32>
            %mul3A_509 = arith.mulf %sub3A_506, %get3A_122 : vector<16xf32>
            %add3A_510 = arith.addf %add3A_501, %mul3A_509 : vector<16xf32>
            %get3A_511 = arith.index_cast %add3A_448 : i32 to index
            %get3A_512 = arith.constant 112 : index
            %get3A_513 = tpu.vector_load %arg14[%get3A_511, %get3A_512] {strides = array<i32>} : memref<128x128xf32, #tpu.memory_space<vmem>>, vector<1x16xf32>,
            %get3A_514 = vector.shape_cast %get3A_513 : vector<1x16xf32> to vector<16xf32>
            %sub3A_515 = arith.subf %get3A_94, %get3A_514 : vector<16xf32>
            %mul3A_516 = arith.mulf %sub3A_515, %sub3A_515 : vector<16xf32>
            %add3A_517 = arith.addf %add3A_508, %mul3A_516 : vector<16xf32>
            %mul3A_518 = arith.mulf %sub3A_515, %get3A_126 : vector<16xf32>
            %add3A_519 = arith.addf %add3A_510, %mul3A_518 : vector<16xf32>
            %xor3A_520 = arith.constant 8 : i32
            %xor3A_521 = vector.broadcast %xor3A_520 : i32 to vector<16xi32>
            %xor3A_522 = arith.xori %iota3A, %xor3A_521 : vector<16xi32>
            %lt3A_523 = arith.constant 0 : i32
            %lt3A_524 = vector.broadcast %lt3A_523 : i32 to vector<16xi32>
            %lt3A_525 = arith.cmpi slt, %xor3A_522, %lt3A_524 : vector<16xi32>
            %add3A_526 = arith.constant 16 : i32
            %add3A_527 = vector.broadcast %add3A_526 : i32 to vector<16xi32>
            %add3A_528 = arith.addi %xor3A_522, %add3A_527 : vector<16xi32>
            %select_n3A_529 = arith.select %lt3A_525, %add3A_528, %xor3A_522 : vector<16xi1>, vector<16xi32>
            %broadcast_in_dim3A_530 = vector.shape_cast %select_n3A_529 : vector<16xi32> to vector<16x1xi32>
            %gather3A_531 = vector.shape_cast %broadcast_in_dim3A_530 : vector<16x1xi32> to vector<16xi32>
            %gather3A_532 = tpu.dynamic_gather %add3A_517[%gather3A_531] in [0] : vector<16xf32>, vector<16xi32> -> vector<16xf32>
            %add3A_533 = arith.addf %add3A_517, %gather3A_532 : vector<16xf32>
            %xor3A_534 = arith.constant 4 : i32
            %xor3A_535 = vector.broadcast %xor3A_534 : i32 to vector<16xi32>
            %xor3A_536 = arith.xori %iota3A, %xor3A_535 : vector<16xi32>
            %lt3A_537 = arith.constant 0 : i32
            %lt3A_538 = vector.broadcast %lt3A_537 : i32 to vector<16xi32>
            %lt3A_539 = arith.cmpi slt, %xor3A_536, %lt3A_538 : vector<16xi32>
            %add3A_540 = arith.constant 16 : i32
            %add3A_541 = vector.broadcast %add3A_540 : i32 to vector<16xi32>
            %add3A_542 = arith.addi %xor3A_536, %add3A_541 : vector<16xi32>
            %select_n3A_543 = arith.select %lt3A_539, %add3A_542, %xor3A_536 : vector<16xi1>, vector<16xi32>
            %broadcast_in_dim3A_544 = vector.shape_cast %select_n3A_543 : vector<16xi32> to vector<16x1xi32>
            %gather3A_545 = vector.shape_cast %broadcast_in_dim3A_544 : vector<16x1xi32> to vector<16xi32>
            %gather3A_546 = tpu.dynamic_gather %add3A_533[%gather3A_545] in [0] : vector<16xf32>, vector<16xi32> -> vector<16xf32>
            %add3A_547 = arith.addf %add3A_533, %gather3A_546 : vector<16xf32>
            %xor3A_548 = arith.constant 2 : i32
            %xor3A_549 = vector.broadcast %xor3A_548 : i32 to vector<16xi32>
            %xor3A_550 = arith.xori %iota3A, %xor3A_549 : vector<16xi32>
            %lt3A_551 = arith.constant 0 : i32
            %lt3A_552 = vector.broadcast %lt3A_551 : i32 to vector<16xi32>
            %lt3A_553 = arith.cmpi slt, %xor3A_550, %lt3A_552 : vector<16xi32>
            %add3A_554 = arith.constant 16 : i32
            %add3A_555 = vector.broadcast %add3A_554 : i32 to vector<16xi32>
            %add3A_556 = arith.addi %xor3A_550, %add3A_555 : vector<16xi32>
            %select_n3A_557 = arith.select %lt3A_553, %add3A_556, %xor3A_550 : vector<16xi1>, vector<16xi32>
            %broadcast_in_dim3A_558 = vector.shape_cast %select_n3A_557 : vector<16xi32> to vector<16x1xi32>
            %gather3A_559 = vector.shape_cast %broadcast_in_dim3A_558 : vector<16x1xi32> to vector<16xi32>
            %gather3A_560 = tpu.dynamic_gather %add3A_547[%gather3A_559] in [0] : vector<16xf32>, vector<16xi32> -> vector<16xf32>
            %add3A_561 = arith.addf %add3A_547, %gather3A_560 : vector<16xf32>
            %xor3A_562 = arith.constant 1 : i32
            %xor3A_563 = vector.broadcast %xor3A_562 : i32 to vector<16xi32>
            %xor3A_564 = arith.xori %iota3A, %xor3A_563 : vector<16xi32>
            %lt3A_565 = arith.constant 0 : i32
            %lt3A_566 = vector.broadcast %lt3A_565 : i32 to vector<16xi32>
            %lt3A_567 = arith.cmpi slt, %xor3A_564, %lt3A_566 : vector<16xi32>
            %add3A_568 = arith.constant 16 : i32
            %add3A_569 = vector.broadcast %add3A_568 : i32 to vector<16xi32>
            %add3A_570 = arith.addi %xor3A_564, %add3A_569 : vector<16xi32>
            %select_n3A_571 = arith.select %lt3A_567, %add3A_570, %xor3A_564 : vector<16xi1>, vector<16xi32>
            %broadcast_in_dim3A_572 = vector.shape_cast %select_n3A_571 : vector<16xi32> to vector<16x1xi32>
            %gather3A_573 = vector.shape_cast %broadcast_in_dim3A_572 : vector<16x1xi32> to vector<16xi32>
            %gather3A_574 = tpu.dynamic_gather %add3A_561[%gather3A_573] in [0] : vector<16xf32>, vector<16xi32> -> vector<16xf32>
            %add3A_575 = arith.addf %add3A_561, %gather3A_574 : vector<16xf32>
            %xor3A_576 = arith.constant 8 : i32
            %xor3A_577 = vector.broadcast %xor3A_576 : i32 to vector<16xi32>
            %xor3A_578 = arith.xori %iota3A, %xor3A_577 : vector<16xi32>
            %lt3A_579 = arith.constant 0 : i32
            %lt3A_580 = vector.broadcast %lt3A_579 : i32 to vector<16xi32>
            %lt3A_581 = arith.cmpi slt, %xor3A_578, %lt3A_580 : vector<16xi32>
            %add3A_582 = arith.constant 16 : i32
            %add3A_583 = vector.broadcast %add3A_582 : i32 to vector<16xi32>
            %add3A_584 = arith.addi %xor3A_578, %add3A_583 : vector<16xi32>
            %select_n3A_585 = arith.select %lt3A_581, %add3A_584, %xor3A_578 : vector<16xi1>, vector<16xi32>
            %broadcast_in_dim3A_586 = vector.shape_cast %select_n3A_585 : vector<16xi32> to vector<16x1xi32>
            %gather3A_587 = vector.shape_cast %broadcast_in_dim3A_586 : vector<16x1xi32> to vector<16xi32>
            %gather3A_588 = tpu.dynamic_gather %add3A_519[%gather3A_587] in [0] : vector<16xf32>, vector<16xi32> -> vector<16xf32>
            %add3A_589 = arith.addf %add3A_519, %gather3A_588 : vector<16xf32>
            %xor3A_590 = arith.constant 4 : i32
            %xor3A_591 = vector.broadcast %xor3A_590 : i32 to vector<16xi32>
            %xor3A_592 = arith.xori %iota3A, %xor3A_591 : vector<16xi32>
            %lt3A_593 = arith.constant 0 : i32
            %lt3A_594 = vector.broadcast %lt3A_593 : i32 to vector<16xi32>
            %lt3A_595 = arith.cmpi slt, %xor3A_592, %lt3A_594 : vector<16xi32>
            %add3A_596 = arith.constant 16 : i32
            %add3A_597 = vector.broadcast %add3A_596 : i32 to vector<16xi32>
            %add3A_598 = arith.addi %xor3A_592, %add3A_597 : vector<16xi32>
            %select_n3A_599 = arith.select %lt3A_595, %add3A_598, %xor3A_592 : vector<16xi1>, vector<16xi32>
            %broadcast_in_dim3A_600 = vector.shape_cast %select_n3A_599 : vector<16xi32> to vector<16x1xi32>
            %gather3A_601 = vector.shape_cast %broadcast_in_dim3A_600 : vector<16x1xi32> to vector<16xi32>
            %gather3A_602 = tpu.dynamic_gather %add3A_589[%gather3A_601] in [0] : vector<16xf32>, vector<16xi32> -> vector<16xf32>
            %add3A_603 = arith.addf %add3A_589, %gather3A_602 : vector<16xf32>
            %xor3A_604 = arith.constant 2 : i32
            %xor3A_605 = vector.broadcast %xor3A_604 : i32 to vector<16xi32>
            %xor3A_606 = arith.xori %iota3A, %xor3A_605 : vector<16xi32>
            %lt3A_607 = arith.constant 0 : i32
            %lt3A_608 = vector.broadcast %lt3A_607 : i32 to vector<16xi32>
            %lt3A_609 = arith.cmpi slt, %xor3A_606, %lt3A_608 : vector<16xi32>
            %add3A_610 = arith.constant 16 : i32
            %add3A_611 = vector.broadcast %add3A_610 : i32 to vector<16xi32>
            %add3A_612 = arith.addi %xor3A_606, %add3A_611 : vector<16xi32>
            %select_n3A_613 = arith.select %lt3A_609, %add3A_612, %xor3A_606 : vector<16xi1>, vector<16xi32>
            %broadcast_in_dim3A_614 = vector.shape_cast %select_n3A_613 : vector<16xi32> to vector<16x1xi32>
            %gather3A_615 = vector.shape_cast %broadcast_in_dim3A_614 : vector<16x1xi32> to vector<16xi32>
            %gather3A_616 = tpu.dynamic_gather %add3A_603[%gather3A_615] in [0] : vector<16xf32>, vector<16xi32> -> vector<16xf32>
            %add3A_617 = arith.addf %add3A_603, %gather3A_616 : vector<16xf32>
            %xor3A_618 = arith.constant 1 : i32
            %xor3A_619 = vector.broadcast %xor3A_618 : i32 to vector<16xi32>
            %xor3A_620 = arith.xori %iota3A, %xor3A_619 : vector<16xi32>
            %lt3A_621 = arith.constant 0 : i32
            %lt3A_622 = vector.broadcast %lt3A_621 : i32 to vector<16xi32>
            %lt3A_623 = arith.cmpi slt, %xor3A_620, %lt3A_622 : vector<16xi32>
            %add3A_624 = arith.constant 16 : i32
            %add3A_625 = vector.broadcast %add3A_624 : i32 to vector<16xi32>
            %add3A_626 = arith.addi %xor3A_620, %add3A_625 : vector<16xi32>
            %select_n3A_627 = arith.select %lt3A_623, %add3A_626, %xor3A_620 : vector<16xi1>, vector<16xi32>
            %broadcast_in_dim3A_628 = vector.shape_cast %select_n3A_627 : vector<16xi32> to vector<16x1xi32>
            %gather3A_629 = vector.shape_cast %broadcast_in_dim3A_628 : vector<16x1xi32> to vector<16xi32>
            %gather3A_630 = tpu.dynamic_gather %add3A_617[%gather3A_629] in [0] : vector<16xf32>, vector<16xi32> -> vector<16xf32>
            %add3A_631 = arith.addf %add3A_617, %gather3A_630 : vector<16xf32>
            %eq3A_632 = vector.broadcast %scan3A_443 : i32 to vector<16xi32>
            %eq3A_633 = arith.cmpi eq, %iota3A, %eq3A_632 : vector<16xi32>
            %select_n3A_634 = arith.select %eq3A_633, %add3A_575, %scan3A_444 : vector<16xi1>, vector<16xf32>
            %select_n3A_635 = arith.select %eq3A_633, %add3A_631, %scan3A_445 : vector<16xi1>, vector<16xf32>
            scf.yield %select_n3A_634, %select_n3A_635 : vector<16xf32>, vector<16xf32>
          }
          %scan3A_331 = arith.constant 16 : i32
          %broadcast_in_dim3A_332 = arith.constant 1.562500e-02 : f32
          %broadcast_in_dim3A_333 = vector.broadcast %broadcast_in_dim3A_332 : f32 to vector<16xf32>
          %ge3A = arith.constant 9.765625E-4 : f32
          %ge3A_334 = vector.broadcast %ge3A : f32 to vector<16xf32>
          %ge3A_335 = arith.cmpf oge, %scan3A_330#0, %ge3A_334 : vector<16xf32>
          %jit3A = arith.constant 3.125000e-02 : f32
          %broadcast_in_dim3A_336 = vector.broadcast %jit3A : f32 to vector<16xf32>
          %select_n3A_337 = arith.select %ge3A_335, %broadcast_in_dim3A_336, %broadcast_in_dim3A_333 : vector<16xi1>, vector<16xf32>
          %ge3A_338 = arith.constant 3.906250e-03 : f32
          %ge3A_339 = vector.broadcast %ge3A_338 : f32 to vector<16xf32>
          %ge3A_340 = arith.cmpf oge, %scan3A_330#0, %ge3A_339 : vector<16xf32>
          %jit3A_341 = arith.constant 6.250000e-02 : f32
          %broadcast_in_dim3A_342 = vector.broadcast %jit3A_341 : f32 to vector<16xf32>
          %select_n3A_343 = arith.select %ge3A_340, %broadcast_in_dim3A_342, %select_n3A_337 : vector<16xi1>, vector<16xf32>
          %ge3A_344 = arith.constant 1.562500e-02 : f32
          %ge3A_345 = vector.broadcast %ge3A_344 : f32 to vector<16xf32>
          %ge3A_346 = arith.cmpf oge, %scan3A_330#0, %ge3A_345 : vector<16xf32>
          %jit3A_347 = arith.constant 1.250000e-01 : f32
          %broadcast_in_dim3A_348 = vector.broadcast %jit3A_347 : f32 to vector<16xf32>
          %select_n3A_349 = arith.select %ge3A_346, %broadcast_in_dim3A_348, %select_n3A_343 : vector<16xi1>, vector<16xf32>
          %ge3A_350 = arith.constant 6.250000e-02 : f32
          %ge3A_351 = vector.broadcast %ge3A_350 : f32 to vector<16xf32>
          %ge3A_352 = arith.cmpf oge, %scan3A_330#0, %ge3A_351 : vector<16xf32>
          %jit3A_353 = arith.constant 2.500000e-01 : f32
          %broadcast_in_dim3A_354 = vector.broadcast %jit3A_353 : f32 to vector<16xf32>
          %select_n3A_355 = arith.select %ge3A_352, %broadcast_in_dim3A_354, %select_n3A_349 : vector<16xi1>, vector<16xf32>
          %ge3A_356 = arith.constant 2.500000e-01 : f32
          %ge3A_357 = vector.broadcast %ge3A_356 : f32 to vector<16xf32>
          %ge3A_358 = arith.cmpf oge, %scan3A_330#0, %ge3A_357 : vector<16xf32>
          %jit3A_359 = arith.constant 5.000000e-01 : f32
          %broadcast_in_dim3A_360 = vector.broadcast %jit3A_359 : f32 to vector<16xf32>
          %select_n3A_361 = arith.select %ge3A_358, %broadcast_in_dim3A_360, %select_n3A_355 : vector<16xi1>, vector<16xf32>
          %ge3A_362 = arith.constant 1.000000e+00 : f32
          %ge3A_363 = vector.broadcast %ge3A_362 : f32 to vector<16xf32>
          %ge3A_364 = arith.cmpf oge, %scan3A_330#0, %ge3A_363 : vector<16xf32>
          %jit3A_365 = arith.constant 1.000000e+00 : f32
          %broadcast_in_dim3A_366 = vector.broadcast %jit3A_365 : f32 to vector<16xf32>
          %select_n3A_367 = arith.select %ge3A_364, %broadcast_in_dim3A_366, %select_n3A_361 : vector<16xi1>, vector<16xf32>
          %ge3A_368 = arith.constant 4.000000e+00 : f32
          %ge3A_369 = vector.broadcast %ge3A_368 : f32 to vector<16xf32>
          %ge3A_370 = arith.cmpf oge, %scan3A_330#0, %ge3A_369 : vector<16xf32>
          %jit3A_371 = arith.constant 2.000000e+00 : f32
          %broadcast_in_dim3A_372 = vector.broadcast %jit3A_371 : f32 to vector<16xf32>
          %select_n3A_373 = arith.select %ge3A_370, %broadcast_in_dim3A_372, %select_n3A_367 : vector<16xi1>, vector<16xf32>
          %ge3A_374 = arith.constant 1.600000e+01 : f32
          %ge3A_375 = vector.broadcast %ge3A_374 : f32 to vector<16xf32>
          %ge3A_376 = arith.cmpf oge, %scan3A_330#0, %ge3A_375 : vector<16xf32>
          %jit3A_377 = arith.constant 4.000000e+00 : f32
          %broadcast_in_dim3A_378 = vector.broadcast %jit3A_377 : f32 to vector<16xf32>
          %select_n3A_379 = arith.select %ge3A_376, %broadcast_in_dim3A_378, %select_n3A_373 : vector<16xi1>, vector<16xf32>
          %ge3A_380 = arith.constant 6.400000e+01 : f32
          %ge3A_381 = vector.broadcast %ge3A_380 : f32 to vector<16xf32>
          %ge3A_382 = arith.cmpf oge, %scan3A_330#0, %ge3A_381 : vector<16xf32>
          %jit3A_383 = arith.constant 8.000000e+00 : f32
          %broadcast_in_dim3A_384 = vector.broadcast %jit3A_383 : f32 to vector<16xf32>
          %select_n3A_385 = arith.select %ge3A_382, %broadcast_in_dim3A_384, %select_n3A_379 : vector<16xi1>, vector<16xf32>
          %ge3A_386 = arith.constant 2.560000e+02 : f32
          %ge3A_387 = vector.broadcast %ge3A_386 : f32 to vector<16xf32>
          %ge3A_388 = arith.cmpf oge, %scan3A_330#0, %ge3A_387 : vector<16xf32>
          %jit3A_389 = arith.constant 1.600000e+01 : f32
          %broadcast_in_dim3A_390 = vector.broadcast %jit3A_389 : f32 to vector<16xf32>
          %select_n3A_391 = arith.select %ge3A_388, %broadcast_in_dim3A_390, %select_n3A_385 : vector<16xi1>, vector<16xf32>
          %ge3A_392 = arith.constant 1.024000e+03 : f32
          %ge3A_393 = vector.broadcast %ge3A_392 : f32 to vector<16xf32>
          %ge3A_394 = arith.cmpf oge, %scan3A_330#0, %ge3A_393 : vector<16xf32>
          %jit3A_395 = arith.constant 3.200000e+01 : f32
          %broadcast_in_dim3A_396 = vector.broadcast %jit3A_395 : f32 to vector<16xf32>
          %select_n3A_397 = arith.select %ge3A_394, %broadcast_in_dim3A_396, %select_n3A_391 : vector<16xi1>, vector<16xf32>
          %ge3A_398 = arith.constant 4.096000e+03 : f32
          %ge3A_399 = vector.broadcast %ge3A_398 : f32 to vector<16xf32>
          %ge3A_400 = arith.cmpf oge, %scan3A_330#0, %ge3A_399 : vector<16xf32>
          %jit3A_401 = arith.constant 6.400000e+01 : f32
          %broadcast_in_dim3A_402 = vector.broadcast %jit3A_401 : f32 to vector<16xf32>
          %select_n3A_403 = arith.select %ge3A_400, %broadcast_in_dim3A_402, %select_n3A_397 : vector<16xi1>, vector<16xf32>
          %div3A_404 = arith.divf %scan3A_330#0, %select_n3A_403 : vector<16xf32>
          %add3A_405 = arith.addf %select_n3A_403, %div3A_404 : vector<16xf32>
          %mul3A_406 = arith.constant 5.000000e-01 : f32
          %mul3A_407 = vector.broadcast %mul3A_406 : f32 to vector<16xf32>
          %mul3A_408 = arith.mulf %mul3A_407, %add3A_405 : vector<16xf32>
          %div3A_409 = arith.divf %scan3A_330#0, %mul3A_408 : vector<16xf32>
          %add3A_410 = arith.addf %mul3A_408, %div3A_409 : vector<16xf32>
          %mul3A_411 = arith.constant 5.000000e-01 : f32
          %mul3A_412 = vector.broadcast %mul3A_411 : f32 to vector<16xf32>
          %mul3A_413 = arith.mulf %mul3A_412, %add3A_410 : vector<16xf32>
          %div3A_414 = arith.divf %scan3A_330#0, %mul3A_413 : vector<16xf32>
          %add3A_415 = arith.addf %mul3A_413, %div3A_414 : vector<16xf32>
          %mul3A_416 = arith.constant 5.000000e-01 : f32
          %mul3A_417 = vector.broadcast %mul3A_416 : f32 to vector<16xf32>
          %mul3A_418 = arith.mulf %mul3A_417, %add3A_415 : vector<16xf32>
          %div3A_419 = arith.divf %scan3A_330#0, %mul3A_418 : vector<16xf32>
          %add3A_420 = arith.addf %mul3A_418, %div3A_419 : vector<16xf32>
          %mul3A_421 = arith.constant 5.000000e-01 : f32
          %mul3A_422 = vector.broadcast %mul3A_421 : f32 to vector<16xf32>
          %mul3A_423 = arith.mulf %mul3A_422, %add3A_420 : vector<16xf32>
          %gt3A = arith.constant 0.000000e+00 : f32
          %gt3A_424 = vector.broadcast %gt3A : f32 to vector<16xf32>
          %gt3A_425 = arith.cmpf ogt, %scan3A_330#0, %gt3A_424 : vector<16xf32>
          %jit3A_426 = arith.constant 0.000000e+00 : f32
          %broadcast_in_dim3A_427 = vector.broadcast %jit3A_426 : f32 to vector<16xf32>
          %select_n3A_428 = arith.select %gt3A_425, %mul3A_423, %broadcast_in_dim3A_427 : vector<16xi1>, vector<16xf32>
          %neg3A_429 = arith.constant 0.000000e+00 : f32
          %neg3A_430 = vector.broadcast %neg3A_429 : f32 to vector<16xf32>
          %neg3A_431 = arith.subf %neg3A_430, %select_n3A_428 : vector<16xf32>
          %exp3A_432 = math.exp %neg3A_431 : vector<16xf32>
          %mul3A_433 = arith.constant 16 : i32
          %mul3A_434 = arith.muli %scan3A_323, %mul3A_433 : i32
          %get3A_435 = arith.index_cast %mul3A_434 : i32 to index
          %get3A_436 = tpu.vector_load %arg16[%get3A_435] {strides = array<i32>} : memref<128xf32, #tpu.memory_space<vmem>>, vector<16xf32>,
          %get3A_437 = vector.shape_cast %get3A_436 : vector<16xf32> to vector<16xf32>
          %mul3A_438 = arith.mulf %get3A_4, %get3A_437 : vector<16xf32>
          %add3A_439 = arith.addf %scan3A_330#1, %mul3A_438 : vector<16xf32>
          %add3A_440 = arith.addf %scan3A_324, %exp3A_432 : vector<16xf32>
          %mul3A_441 = arith.mulf %add3A_439, %exp3A_432 : vector<16xf32>
          %add3A_442 = arith.addf %scan3A_325, %mul3A_441 : vector<16xf32>
          scf.yield %add3A_440, %add3A_442 : vector<16xf32>, vector<16xf32>
        }
        %scan3A_132 = arith.constant 8 : i32
        %mul3A_133 = arith.constant 2 : i32
        %mul3A_134 = arith.muli %scan3A_56, %mul3A_133 : i32
        %add3A_135 = arith.constant 1 : i32
        %add3A_136 = arith.addi %mul3A_134, %add3A_135 : i32
        %run_scoped3A_137 = arith.constant 1 : i32
        "tpu.region"() ({
          %run_scoped3A_323 = tpu.sem_alloc : memref<!tpu.dma_semaphore, #tpu.memory_space<semaphore_mem>>
          %dma_start3A = arith.constant 0 : i32
          %dma_start3A_324 = tpu.memref_slice %arg2[%add3A_45, %scan3A_56, %run_scoped3A_137, %dma_start3A] : memref<1024x4x2x128xi32, #tpu.memory_space<hbm>> -> memref<1x1x1x128xi32, #tpu.memory_space<hbm>>
          %dma_start3A_325 = tpu.memref_squeeze %dma_start3A_324 : memref<1x1x1x128xi32, #tpu.memory_space<hbm>> -> memref<128xi32, #tpu.memory_space<hbm>>
          %dma_start3A_326 = arith.constant 0 : i32
          %dma_start3A_327 = tpu.memref_slice %arg2[%add3A_45, %scan3A_56, %run_scoped3A_137, %dma_start3A_326] : memref<1024x4x2x128xi32, #tpu.memory_space<hbm>> -> memref<1x1x1x128xi32, #tpu.memory_space<hbm>>
          %dma_start3A_328 = tpu.memref_squeeze %dma_start3A_327 : memref<1x1x1x128xi32, #tpu.memory_space<hbm>> -> memref<128xi32, #tpu.memory_space<hbm>>
          tpu.enqueue_dma source(%dma_start3A_328 : memref<128xi32, #tpu.memory_space<hbm>>) target(%arg13 : memref<128xi32, #tpu.memory_space<vmem>>) target_semaphore(%run_scoped3A_323 : memref<!tpu.dma_semaphore, #tpu.memory_space<semaphore_mem>>)
          %dma_wait3A = arith.constant 0 : i32
          %dma_wait3A_329 = tpu.memref_slice %arg2[%add3A_45, %scan3A_56, %run_scoped3A_137, %dma_wait3A] : memref<1024x4x2x128xi32, #tpu.memory_space<hbm>> -> memref<1x1x1x128xi32, #tpu.memory_space<hbm>>
          %dma_wait3A_330 = tpu.memref_squeeze %dma_wait3A_329 : memref<1x1x1x128xi32, #tpu.memory_space<hbm>> -> memref<128xi32, #tpu.memory_space<hbm>>
          %dma_wait3A_331 = arith.constant 0 : i32
          %dma_wait3A_332 = tpu.memref_slice %arg2[%add3A_45, %scan3A_56, %run_scoped3A_137, %dma_wait3A_331] : memref<1024x4x2x128xi32, #tpu.memory_space<hbm>> -> memref<1x1x1x128xi32, #tpu.memory_space<hbm>>
          %dma_wait3A_333 = tpu.memref_squeeze %dma_wait3A_332 : memref<1x1x1x128xi32, #tpu.memory_space<hbm>> -> memref<128xi32, #tpu.memory_space<hbm>>
          tpu.wait_dma2 semaphore(%run_scoped3A_323 : memref<!tpu.dma_semaphore, #tpu.memory_space<semaphore_mem>>) src(%dma_wait3A_333 : memref<128xi32, #tpu.memory_space<hbm>>) dst(%arg13 : memref<128xi32, #tpu.memory_space<vmem>>)
          tpu.yield
        }) : () -> ()
        "tpu.region"() ({
          %run_scoped3A_323 = tpu.sem_alloc : memref<!tpu.dma_semaphore, #tpu.memory_space<semaphore_mem>>
          %dma_start3A = arith.constant 0 : i32
          %dma_start3A_324 = arith.constant 0 : i32
          %dma_start3A_325 = tpu.memref_slice %arg6[%dma_start3A, %dma_start3A_324] : memref<40000x128xf32, #tpu.memory_space<hbm>> -> memref<40000x128xf32, #tpu.memory_space<hbm>>
          tpu.enqueue_indirect_dma source(%dma_start3A_325 : memref<40000x128xf32, #tpu.memory_space<hbm>>) target(%arg14 : memref<128x128xf32, #tpu.memory_space<vmem>>) offsets(%arg13 : memref<128xi32, #tpu.memory_space<vmem>>) semaphore(%run_scoped3A_323 : memref<!tpu.dma_semaphore, #tpu.memory_space<semaphore_mem>>)
          %dma_wait3A = arith.constant 0 : i32
          %dma_wait3A_326 = arith.constant 0 : i32
          %dma_wait3A_327 = tpu.memref_slice %arg6[%dma_wait3A, %dma_wait3A_326] : memref<40000x128xf32, #tpu.memory_space<hbm>> -> memref<40000x128xf32, #tpu.memory_space<hbm>>
          tpu.wait_indirect_dma semaphore(%run_scoped3A_323 : memref<!tpu.dma_semaphore, #tpu.memory_space<semaphore_mem>>) src(%dma_wait3A_327 : memref<40000x128xf32, #tpu.memory_space<hbm>>) dst(%arg14 : memref<128x128xf32, #tpu.memory_space<vmem>>)
          tpu.yield
        }) : () -> ()
        %run_scoped3A_138 = arith.constant 1 : i32
        "tpu.region"() ({
          %run_scoped3A_323 = tpu.sem_alloc : memref<!tpu.dma_semaphore, #tpu.memory_space<semaphore_mem>>
          %dma_start3A = arith.constant 0 : i32
          %dma_start3A_324 = tpu.memref_slice %arg3[%add3A_45, %scan3A_56, %run_scoped3A_138, %dma_start3A] : memref<1024x4x2x128xi32, #tpu.memory_space<hbm>> -> memref<1x1x1x128xi32, #tpu.memory_space<hbm>>
          %dma_start3A_325 = tpu.memref_squeeze %dma_start3A_324 : memref<1x1x1x128xi32, #tpu.memory_space<hbm>> -> memref<128xi32, #tpu.memory_space<hbm>>
          %dma_start3A_326 = arith.constant 0 : i32
          %dma_start3A_327 = tpu.memref_slice %arg3[%add3A_45, %scan3A_56, %run_scoped3A_138, %dma_start3A_326] : memref<1024x4x2x128xi32, #tpu.memory_space<hbm>> -> memref<1x1x1x128xi32, #tpu.memory_space<hbm>>
          %dma_start3A_328 = tpu.memref_squeeze %dma_start3A_327 : memref<1x1x1x128xi32, #tpu.memory_space<hbm>> -> memref<128xi32, #tpu.memory_space<hbm>>
          tpu.enqueue_dma source(%dma_start3A_328 : memref<128xi32, #tpu.memory_space<hbm>>) target(%arg15 : memref<128xi32, #tpu.memory_space<vmem>>) target_semaphore(%run_scoped3A_323 : memref<!tpu.dma_semaphore, #tpu.memory_space<semaphore_mem>>)
          %dma_wait3A = arith.constant 0 : i32
          %dma_wait3A_329 = tpu.memref_slice %arg3[%add3A_45, %scan3A_56, %run_scoped3A_138, %dma_wait3A] : memref<1024x4x2x128xi32, #tpu.memory_space<hbm>> -> memref<1x1x1x128xi32, #tpu.memory_space<hbm>>
          %dma_wait3A_330 = tpu.memref_squeeze %dma_wait3A_329 : memref<1x1x1x128xi32, #tpu.memory_space<hbm>> -> memref<128xi32, #tpu.memory_space<hbm>>
          %dma_wait3A_331 = arith.constant 0 : i32
          %dma_wait3A_332 = tpu.memref_slice %arg3[%add3A_45, %scan3A_56, %run_scoped3A_138, %dma_wait3A_331] : memref<1024x4x2x128xi32, #tpu.memory_space<hbm>> -> memref<1x1x1x128xi32, #tpu.memory_space<hbm>>
          %dma_wait3A_333 = tpu.memref_squeeze %dma_wait3A_332 : memref<1x1x1x128xi32, #tpu.memory_space<hbm>> -> memref<128xi32, #tpu.memory_space<hbm>>
          tpu.wait_dma2 semaphore(%run_scoped3A_323 : memref<!tpu.dma_semaphore, #tpu.memory_space<semaphore_mem>>) src(%dma_wait3A_333 : memref<128xi32, #tpu.memory_space<hbm>>) dst(%arg15 : memref<128xi32, #tpu.memory_space<vmem>>)
          tpu.yield
        }) : () -> ()
        "tpu.region"() ({
          %run_scoped3A_323 = tpu.sem_alloc : memref<!tpu.dma_semaphore, #tpu.memory_space<semaphore_mem>>
          %dma_start3A = arith.constant 0 : i32
          %dma_start3A_324 = tpu.memref_slice %arg8[%dma_start3A] : memref<100000000xf32, #tpu.memory_space<hbm>> -> memref<100000000xf32, #tpu.memory_space<hbm>>
          tpu.enqueue_indirect_dma source(%dma_start3A_324 : memref<100000000xf32, #tpu.memory_space<hbm>>) target(%arg16 : memref<128xf32, #tpu.memory_space<vmem>>) offsets(%arg15 : memref<128xi32, #tpu.memory_space<vmem>>) semaphore(%run_scoped3A_323 : memref<!tpu.dma_semaphore, #tpu.memory_space<semaphore_mem>>)
          %dma_wait3A = arith.constant 0 : i32
          %dma_wait3A_325 = tpu.memref_slice %arg8[%dma_wait3A] : memref<100000000xf32, #tpu.memory_space<hbm>> -> memref<100000000xf32, #tpu.memory_space<hbm>>
          tpu.wait_indirect_dma semaphore(%run_scoped3A_323 : memref<!tpu.dma_semaphore, #tpu.memory_space<semaphore_mem>>) src(%dma_wait3A_325 : memref<100000000xf32, #tpu.memory_space<hbm>>) dst(%arg16 : memref<128xf32, #tpu.memory_space<vmem>>)
          tpu.yield
        }) : () -> ()
        %get3A_139 = arith.index_cast %add3A_136 : i32 to index
        %get3A_140 = arith.constant 0 : index
        %get3A_141 = tpu.vector_load %arg11[%get3A_139, %get3A_140] {strides = array<i32>} : memref<8x128xf32, #tpu.memory_space<vmem>>, vector<1x16xf32>,
        %get3A_142 = vector.shape_cast %get3A_141 : vector<1x16xf32> to vector<16xf32>
        %get3A_143 = arith.index_cast %add3A_136 : i32 to index
        %get3A_144 = arith.constant 16 : index
        %get3A_145 = tpu.vector_load %arg11[%get3A_143, %get3A_144] {strides = array<i32>} : memref<8x128xf32, #tpu.memory_space<vmem>>, vector<1x16xf32>,
        %get3A_146 = vector.shape_cast %get3A_145 : vector<1x16xf32> to vector<16xf32>
        %get3A_147 = arith.index_cast %add3A_136 : i32 to index
        %get3A_148 = arith.constant 32 : index
        %get3A_149 = tpu.vector_load %arg11[%get3A_147, %get3A_148] {strides = array<i32>} : memref<8x128xf32, #tpu.memory_space<vmem>>, vector<1x16xf32>,
        %get3A_150 = vector.shape_cast %get3A_149 : vector<1x16xf32> to vector<16xf32>
        %get3A_151 = arith.index_cast %add3A_136 : i32 to index
        %get3A_152 = arith.constant 48 : index
        %get3A_153 = tpu.vector_load %arg11[%get3A_151, %get3A_152] {strides = array<i32>} : memref<8x128xf32, #tpu.memory_space<vmem>>, vector<1x16xf32>,
        %get3A_154 = vector.shape_cast %get3A_153 : vector<1x16xf32> to vector<16xf32>
        %get3A_155 = arith.index_cast %add3A_136 : i32 to index
        %get3A_156 = arith.constant 64 : index
        %get3A_157 = tpu.vector_load %arg11[%get3A_155, %get3A_156] {strides = array<i32>} : memref<8x128xf32, #tpu.memory_space<vmem>>, vector<1x16xf32>,
        %get3A_158 = vector.shape_cast %get3A_157 : vector<1x16xf32> to vector<16xf32>
        %get3A_159 = arith.index_cast %add3A_136 : i32 to index
        %get3A_160 = arith.constant 80 : index
        %get3A_161 = tpu.vector_load %arg11[%get3A_159, %get3A_160] {strides = array<i32>} : memref<8x128xf32, #tpu.memory_space<vmem>>, vector<1x16xf32>,
        %get3A_162 = vector.shape_cast %get3A_161 : vector<1x16xf32> to vector<16xf32>
        %get3A_163 = arith.index_cast %add3A_136 : i32 to index
        %get3A_164 = arith.constant 96 : index
        %get3A_165 = tpu.vector_load %arg11[%get3A_163, %get3A_164] {strides = array<i32>} : memref<8x128xf32, #tpu.memory_space<vmem>>, vector<1x16xf32>,
        %get3A_166 = vector.shape_cast %get3A_165 : vector<1x16xf32> to vector<16xf32>
        %get3A_167 = arith.index_cast %add3A_136 : i32 to index
        %get3A_168 = arith.constant 112 : index
        %get3A_169 = tpu.vector_load %arg11[%get3A_167, %get3A_168] {strides = array<i32>} : memref<8x128xf32, #tpu.memory_space<vmem>>, vector<1x16xf32>,
        %get3A_170 = vector.shape_cast %get3A_169 : vector<1x16xf32> to vector<16xf32>
        %get3A_171 = arith.index_cast %add3A_136 : i32 to index
        %get3A_172 = arith.constant 0 : index
        %get3A_173 = tpu.vector_load %arg12[%get3A_171, %get3A_172] {strides = array<i32>} : memref<8x128xf32, #tpu.memory_space<vmem>>, vector<1x16xf32>,
        %get3A_174 = vector.shape_cast %get3A_173 : vector<1x16xf32> to vector<16xf32>
        %get3A_175 = arith.index_cast %add3A_136 : i32 to index
        %get3A_176 = arith.constant 16 : index
        %get3A_177 = tpu.vector_load %arg12[%get3A_175, %get3A_176] {strides = array<i32>} : memref<8x128xf32, #tpu.memory_space<vmem>>, vector<1x16xf32>,
        %get3A_178 = vector.shape_cast %get3A_177 : vector<1x16xf32> to vector<16xf32>
        %get3A_179 = arith.index_cast %add3A_136 : i32 to index
        %get3A_180 = arith.constant 32 : index
        %get3A_181 = tpu.vector_load %arg12[%get3A_179, %get3A_180] {strides = array<i32>} : memref<8x128xf32, #tpu.memory_space<vmem>>, vector<1x16xf32>,
        %get3A_182 = vector.shape_cast %get3A_181 : vector<1x16xf32> to vector<16xf32>
        %get3A_183 = arith.index_cast %add3A_136 : i32 to index
        %get3A_184 = arith.constant 48 : index
        %get3A_185 = tpu.vector_load %arg12[%get3A_183, %get3A_184] {strides = array<i32>} : memref<8x128xf32, #tpu.memory_space<vmem>>, vector<1x16xf32>,
        %get3A_186 = vector.shape_cast %get3A_185 : vector<1x16xf32> to vector<16xf32>
        %get3A_187 = arith.index_cast %add3A_136 : i32 to index
        %get3A_188 = arith.constant 64 : index
        %get3A_189 = tpu.vector_load %arg12[%get3A_187, %get3A_188] {strides = array<i32>} : memref<8x128xf32, #tpu.memory_space<vmem>>, vector<1x16xf32>,
        %get3A_190 = vector.shape_cast %get3A_189 : vector<1x16xf32> to vector<16xf32>
        %get3A_191 = arith.index_cast %add3A_136 : i32 to index
        %get3A_192 = arith.constant 80 : index
        %get3A_193 = tpu.vector_load %arg12[%get3A_191, %get3A_192] {strides = array<i32>} : memref<8x128xf32, #tpu.memory_space<vmem>>, vector<1x16xf32>,
        %get3A_194 = vector.shape_cast %get3A_193 : vector<1x16xf32> to vector<16xf32>
        %get3A_195 = arith.index_cast %add3A_136 : i32 to index
        %get3A_196 = arith.constant 96 : index
        %get3A_197 = tpu.vector_load %arg12[%get3A_195, %get3A_196] {strides = array<i32>} : memref<8x128xf32, #tpu.memory_space<vmem>>, vector<1x16xf32>,
        %get3A_198 = vector.shape_cast %get3A_197 : vector<1x16xf32> to vector<16xf32>
        %get3A_199 = arith.index_cast %add3A_136 : i32 to index
        %get3A_200 = arith.constant 112 : index
        %get3A_201 = tpu.vector_load %arg12[%get3A_199, %get3A_200] {strides = array<i32>} : memref<8x128xf32, #tpu.memory_space<vmem>>, vector<1x16xf32>,
        %get3A_202 = vector.shape_cast %get3A_201 : vector<1x16xf32> to vector<16xf32>
        %scan3A_203 = arith.constant 0 : i32
        %scan3A_204 = arith.constant 8 : i32
        %scan3A_205 = arith.addi %scan3A_203, %scan3A_204 : i32
        %scan3A_206 = arith.constant 1 : i32
        %scan3A_207:2 = scf.for %scan3A_323 = %scan3A_203 to %scan3A_205 step %scan3A_206 iter_args(%scan3A_324 = %scan3A_131#0, %scan3A_325 = %scan3A_131#1) -> (vector<16xf32>, vector<16xf32>)  : i32 {
          %scan3A_326 = arith.constant 0 : i32
          %scan3A_327 = arith.constant 16 : i32
          %scan3A_328 = arith.addi %scan3A_326, %scan3A_327 : i32
          %scan3A_329 = arith.constant 1 : i32
          %scan3A_330:2 = scf.for %scan3A_443 = %scan3A_326 to %scan3A_328 step %scan3A_329 iter_args(%scan3A_444 = %broadcast_in_dim3A_5, %scan3A_445 = %broadcast_in_dim3A_5) -> (vector<16xf32>, vector<16xf32>)  : i32 {
            %mul3A_446 = arith.constant 16 : i32
            %mul3A_447 = arith.muli %scan3A_323, %mul3A_446 : i32
            %add3A_448 = arith.addi %mul3A_447, %scan3A_443 : i32
            %get3A_449 = arith.index_cast %add3A_448 : i32 to index
            %get3A_450 = arith.constant 0 : index
            %get3A_451 = tpu.vector_load %arg14[%get3A_449, %get3A_450] {strides = array<i32>} : memref<128x128xf32, #tpu.memory_space<vmem>>, vector<1x16xf32>,
            %get3A_452 = vector.shape_cast %get3A_451 : vector<1x16xf32> to vector<16xf32>
            %sub3A = arith.subf %get3A_142, %get3A_452 : vector<16xf32>
            %mul3A_453 = arith.mulf %sub3A, %sub3A : vector<16xf32>
            %add3A_454 = arith.addf %broadcast_in_dim3A_5, %mul3A_453 : vector<16xf32>
            %mul3A_455 = arith.mulf %sub3A, %get3A_174 : vector<16xf32>
            %add3A_456 = arith.addf %broadcast_in_dim3A_5, %mul3A_455 : vector<16xf32>
            %get3A_457 = arith.index_cast %add3A_448 : i32 to index
            %get3A_458 = arith.constant 16 : index
            %get3A_459 = tpu.vector_load %arg14[%get3A_457, %get3A_458] {strides = array<i32>} : memref<128x128xf32, #tpu.memory_space<vmem>>, vector<1x16xf32>,
            %get3A_460 = vector.shape_cast %get3A_459 : vector<1x16xf32> to vector<16xf32>
            %sub3A_461 = arith.subf %get3A_146, %get3A_460 : vector<16xf32>
            %mul3A_462 = arith.mulf %sub3A_461, %sub3A_461 : vector<16xf32>
            %add3A_463 = arith.addf %add3A_454, %mul3A_462 : vector<16xf32>
            %mul3A_464 = arith.mulf %sub3A_461, %get3A_178 : vector<16xf32>
            %add3A_465 = arith.addf %add3A_456, %mul3A_464 : vector<16xf32>
            %get3A_466 = arith.index_cast %add3A_448 : i32 to index
            %get3A_467 = arith.constant 32 : index
            %get3A_468 = tpu.vector_load %arg14[%get3A_466, %get3A_467] {strides = array<i32>} : memref<128x128xf32, #tpu.memory_space<vmem>>, vector<1x16xf32>,
            %get3A_469 = vector.shape_cast %get3A_468 : vector<1x16xf32> to vector<16xf32>
            %sub3A_470 = arith.subf %get3A_150, %get3A_469 : vector<16xf32>
            %mul3A_471 = arith.mulf %sub3A_470, %sub3A_470 : vector<16xf32>
            %add3A_472 = arith.addf %add3A_463, %mul3A_471 : vector<16xf32>
            %mul3A_473 = arith.mulf %sub3A_470, %get3A_182 : vector<16xf32>
            %add3A_474 = arith.addf %add3A_465, %mul3A_473 : vector<16xf32>
            %get3A_475 = arith.index_cast %add3A_448 : i32 to index
            %get3A_476 = arith.constant 48 : index
            %get3A_477 = tpu.vector_load %arg14[%get3A_475, %get3A_476] {strides = array<i32>} : memref<128x128xf32, #tpu.memory_space<vmem>>, vector<1x16xf32>,
            %get3A_478 = vector.shape_cast %get3A_477 : vector<1x16xf32> to vector<16xf32>
            %sub3A_479 = arith.subf %get3A_154, %get3A_478 : vector<16xf32>
            %mul3A_480 = arith.mulf %sub3A_479, %sub3A_479 : vector<16xf32>
            %add3A_481 = arith.addf %add3A_472, %mul3A_480 : vector<16xf32>
            %mul3A_482 = arith.mulf %sub3A_479, %get3A_186 : vector<16xf32>
            %add3A_483 = arith.addf %add3A_474, %mul3A_482 : vector<16xf32>
            %get3A_484 = arith.index_cast %add3A_448 : i32 to index
            %get3A_485 = arith.constant 64 : index
            %get3A_486 = tpu.vector_load %arg14[%get3A_484, %get3A_485] {strides = array<i32>} : memref<128x128xf32, #tpu.memory_space<vmem>>, vector<1x16xf32>,
            %get3A_487 = vector.shape_cast %get3A_486 : vector<1x16xf32> to vector<16xf32>
            %sub3A_488 = arith.subf %get3A_158, %get3A_487 : vector<16xf32>
            %mul3A_489 = arith.mulf %sub3A_488, %sub3A_488 : vector<16xf32>
            %add3A_490 = arith.addf %add3A_481, %mul3A_489 : vector<16xf32>
            %mul3A_491 = arith.mulf %sub3A_488, %get3A_190 : vector<16xf32>
            %add3A_492 = arith.addf %add3A_483, %mul3A_491 : vector<16xf32>
            %get3A_493 = arith.index_cast %add3A_448 : i32 to index
            %get3A_494 = arith.constant 80 : index
            %get3A_495 = tpu.vector_load %arg14[%get3A_493, %get3A_494] {strides = array<i32>} : memref<128x128xf32, #tpu.memory_space<vmem>>, vector<1x16xf32>,
            %get3A_496 = vector.shape_cast %get3A_495 : vector<1x16xf32> to vector<16xf32>
            %sub3A_497 = arith.subf %get3A_162, %get3A_496 : vector<16xf32>
            %mul3A_498 = arith.mulf %sub3A_497, %sub3A_497 : vector<16xf32>
            %add3A_499 = arith.addf %add3A_490, %mul3A_498 : vector<16xf32>
            %mul3A_500 = arith.mulf %sub3A_497, %get3A_194 : vector<16xf32>
            %add3A_501 = arith.addf %add3A_492, %mul3A_500 : vector<16xf32>
            %get3A_502 = arith.index_cast %add3A_448 : i32 to index
            %get3A_503 = arith.constant 96 : index
            %get3A_504 = tpu.vector_load %arg14[%get3A_502, %get3A_503] {strides = array<i32>} : memref<128x128xf32, #tpu.memory_space<vmem>>, vector<1x16xf32>,
            %get3A_505 = vector.shape_cast %get3A_504 : vector<1x16xf32> to vector<16xf32>
            %sub3A_506 = arith.subf %get3A_166, %get3A_505 : vector<16xf32>
            %mul3A_507 = arith.mulf %sub3A_506, %sub3A_506 : vector<16xf32>
            %add3A_508 = arith.addf %add3A_499, %mul3A_507 : vector<16xf32>
            %mul3A_509 = arith.mulf %sub3A_506, %get3A_198 : vector<16xf32>
            %add3A_510 = arith.addf %add3A_501, %mul3A_509 : vector<16xf32>
            %get3A_511 = arith.index_cast %add3A_448 : i32 to index
            %get3A_512 = arith.constant 112 : index
            %get3A_513 = tpu.vector_load %arg14[%get3A_511, %get3A_512] {strides = array<i32>} : memref<128x128xf32, #tpu.memory_space<vmem>>, vector<1x16xf32>,
            %get3A_514 = vector.shape_cast %get3A_513 : vector<1x16xf32> to vector<16xf32>
            %sub3A_515 = arith.subf %get3A_170, %get3A_514 : vector<16xf32>
            %mul3A_516 = arith.mulf %sub3A_515, %sub3A_515 : vector<16xf32>
            %add3A_517 = arith.addf %add3A_508, %mul3A_516 : vector<16xf32>
            %mul3A_518 = arith.mulf %sub3A_515, %get3A_202 : vector<16xf32>
            %add3A_519 = arith.addf %add3A_510, %mul3A_518 : vector<16xf32>
            %xor3A_520 = arith.constant 8 : i32
            %xor3A_521 = vector.broadcast %xor3A_520 : i32 to vector<16xi32>
            %xor3A_522 = arith.xori %iota3A, %xor3A_521 : vector<16xi32>
            %lt3A_523 = arith.constant 0 : i32
            %lt3A_524 = vector.broadcast %lt3A_523 : i32 to vector<16xi32>
            %lt3A_525 = arith.cmpi slt, %xor3A_522, %lt3A_524 : vector<16xi32>
            %add3A_526 = arith.constant 16 : i32
            %add3A_527 = vector.broadcast %add3A_526 : i32 to vector<16xi32>
            %add3A_528 = arith.addi %xor3A_522, %add3A_527 : vector<16xi32>
            %select_n3A_529 = arith.select %lt3A_525, %add3A_528, %xor3A_522 : vector<16xi1>, vector<16xi32>
            %broadcast_in_dim3A_530 = vector.shape_cast %select_n3A_529 : vector<16xi32> to vector<16x1xi32>
            %gather3A_531 = vector.shape_cast %broadcast_in_dim3A_530 : vector<16x1xi32> to vector<16xi32>
            %gather3A_532 = tpu.dynamic_gather %add3A_517[%gather3A_531] in [0] : vector<16xf32>, vector<16xi32> -> vector<16xf32>
            %add3A_533 = arith.addf %add3A_517, %gather3A_532 : vector<16xf32>
            %xor3A_534 = arith.constant 4 : i32
            %xor3A_535 = vector.broadcast %xor3A_534 : i32 to vector<16xi32>
            %xor3A_536 = arith.xori %iota3A, %xor3A_535 : vector<16xi32>
            %lt3A_537 = arith.constant 0 : i32
            %lt3A_538 = vector.broadcast %lt3A_537 : i32 to vector<16xi32>
            %lt3A_539 = arith.cmpi slt, %xor3A_536, %lt3A_538 : vector<16xi32>
            %add3A_540 = arith.constant 16 : i32
            %add3A_541 = vector.broadcast %add3A_540 : i32 to vector<16xi32>
            %add3A_542 = arith.addi %xor3A_536, %add3A_541 : vector<16xi32>
            %select_n3A_543 = arith.select %lt3A_539, %add3A_542, %xor3A_536 : vector<16xi1>, vector<16xi32>
            %broadcast_in_dim3A_544 = vector.shape_cast %select_n3A_543 : vector<16xi32> to vector<16x1xi32>
            %gather3A_545 = vector.shape_cast %broadcast_in_dim3A_544 : vector<16x1xi32> to vector<16xi32>
            %gather3A_546 = tpu.dynamic_gather %add3A_533[%gather3A_545] in [0] : vector<16xf32>, vector<16xi32> -> vector<16xf32>
            %add3A_547 = arith.addf %add3A_533, %gather3A_546 : vector<16xf32>
            %xor3A_548 = arith.constant 2 : i32
            %xor3A_549 = vector.broadcast %xor3A_548 : i32 to vector<16xi32>
            %xor3A_550 = arith.xori %iota3A, %xor3A_549 : vector<16xi32>
            %lt3A_551 = arith.constant 0 : i32
            %lt3A_552 = vector.broadcast %lt3A_551 : i32 to vector<16xi32>
            %lt3A_553 = arith.cmpi slt, %xor3A_550, %lt3A_552 : vector<16xi32>
            %add3A_554 = arith.constant 16 : i32
            %add3A_555 = vector.broadcast %add3A_554 : i32 to vector<16xi32>
            %add3A_556 = arith.addi %xor3A_550, %add3A_555 : vector<16xi32>
            %select_n3A_557 = arith.select %lt3A_553, %add3A_556, %xor3A_550 : vector<16xi1>, vector<16xi32>
            %broadcast_in_dim3A_558 = vector.shape_cast %select_n3A_557 : vector<16xi32> to vector<16x1xi32>
            %gather3A_559 = vector.shape_cast %broadcast_in_dim3A_558 : vector<16x1xi32> to vector<16xi32>
            %gather3A_560 = tpu.dynamic_gather %add3A_547[%gather3A_559] in [0] : vector<16xf32>, vector<16xi32> -> vector<16xf32>
            %add3A_561 = arith.addf %add3A_547, %gather3A_560 : vector<16xf32>
            %xor3A_562 = arith.constant 1 : i32
            %xor3A_563 = vector.broadcast %xor3A_562 : i32 to vector<16xi32>
            %xor3A_564 = arith.xori %iota3A, %xor3A_563 : vector<16xi32>
            %lt3A_565 = arith.constant 0 : i32
            %lt3A_566 = vector.broadcast %lt3A_565 : i32 to vector<16xi32>
            %lt3A_567 = arith.cmpi slt, %xor3A_564, %lt3A_566 : vector<16xi32>
            %add3A_568 = arith.constant 16 : i32
            %add3A_569 = vector.broadcast %add3A_568 : i32 to vector<16xi32>
            %add3A_570 = arith.addi %xor3A_564, %add3A_569 : vector<16xi32>
            %select_n3A_571 = arith.select %lt3A_567, %add3A_570, %xor3A_564 : vector<16xi1>, vector<16xi32>
            %broadcast_in_dim3A_572 = vector.shape_cast %select_n3A_571 : vector<16xi32> to vector<16x1xi32>
            %gather3A_573 = vector.shape_cast %broadcast_in_dim3A_572 : vector<16x1xi32> to vector<16xi32>
            %gather3A_574 = tpu.dynamic_gather %add3A_561[%gather3A_573] in [0] : vector<16xf32>, vector<16xi32> -> vector<16xf32>
            %add3A_575 = arith.addf %add3A_561, %gather3A_574 : vector<16xf32>
            %xor3A_576 = arith.constant 8 : i32
            %xor3A_577 = vector.broadcast %xor3A_576 : i32 to vector<16xi32>
            %xor3A_578 = arith.xori %iota3A, %xor3A_577 : vector<16xi32>
            %lt3A_579 = arith.constant 0 : i32
            %lt3A_580 = vector.broadcast %lt3A_579 : i32 to vector<16xi32>
            %lt3A_581 = arith.cmpi slt, %xor3A_578, %lt3A_580 : vector<16xi32>
            %add3A_582 = arith.constant 16 : i32
            %add3A_583 = vector.broadcast %add3A_582 : i32 to vector<16xi32>
            %add3A_584 = arith.addi %xor3A_578, %add3A_583 : vector<16xi32>
            %select_n3A_585 = arith.select %lt3A_581, %add3A_584, %xor3A_578 : vector<16xi1>, vector<16xi32>
            %broadcast_in_dim3A_586 = vector.shape_cast %select_n3A_585 : vector<16xi32> to vector<16x1xi32>
            %gather3A_587 = vector.shape_cast %broadcast_in_dim3A_586 : vector<16x1xi32> to vector<16xi32>
            %gather3A_588 = tpu.dynamic_gather %add3A_519[%gather3A_587] in [0] : vector<16xf32>, vector<16xi32> -> vector<16xf32>
            %add3A_589 = arith.addf %add3A_519, %gather3A_588 : vector<16xf32>
            %xor3A_590 = arith.constant 4 : i32
            %xor3A_591 = vector.broadcast %xor3A_590 : i32 to vector<16xi32>
            %xor3A_592 = arith.xori %iota3A, %xor3A_591 : vector<16xi32>
            %lt3A_593 = arith.constant 0 : i32
            %lt3A_594 = vector.broadcast %lt3A_593 : i32 to vector<16xi32>
            %lt3A_595 = arith.cmpi slt, %xor3A_592, %lt3A_594 : vector<16xi32>
            %add3A_596 = arith.constant 16 : i32
            %add3A_597 = vector.broadcast %add3A_596 : i32 to vector<16xi32>
            %add3A_598 = arith.addi %xor3A_592, %add3A_597 : vector<16xi32>
            %select_n3A_599 = arith.select %lt3A_595, %add3A_598, %xor3A_592 : vector<16xi1>, vector<16xi32>
            %broadcast_in_dim3A_600 = vector.shape_cast %select_n3A_599 : vector<16xi32> to vector<16x1xi32>
            %gather3A_601 = vector.shape_cast %broadcast_in_dim3A_600 : vector<16x1xi32> to vector<16xi32>
            %gather3A_602 = tpu.dynamic_gather %add3A_589[%gather3A_601] in [0] : vector<16xf32>, vector<16xi32> -> vector<16xf32>
            %add3A_603 = arith.addf %add3A_589, %gather3A_602 : vector<16xf32>
            %xor3A_604 = arith.constant 2 : i32
            %xor3A_605 = vector.broadcast %xor3A_604 : i32 to vector<16xi32>
            %xor3A_606 = arith.xori %iota3A, %xor3A_605 : vector<16xi32>
            %lt3A_607 = arith.constant 0 : i32
            %lt3A_608 = vector.broadcast %lt3A_607 : i32 to vector<16xi32>
            %lt3A_609 = arith.cmpi slt, %xor3A_606, %lt3A_608 : vector<16xi32>
            %add3A_610 = arith.constant 16 : i32
            %add3A_611 = vector.broadcast %add3A_610 : i32 to vector<16xi32>
            %add3A_612 = arith.addi %xor3A_606, %add3A_611 : vector<16xi32>
            %select_n3A_613 = arith.select %lt3A_609, %add3A_612, %xor3A_606 : vector<16xi1>, vector<16xi32>
            %broadcast_in_dim3A_614 = vector.shape_cast %select_n3A_613 : vector<16xi32> to vector<16x1xi32>
            %gather3A_615 = vector.shape_cast %broadcast_in_dim3A_614 : vector<16x1xi32> to vector<16xi32>
            %gather3A_616 = tpu.dynamic_gather %add3A_603[%gather3A_615] in [0] : vector<16xf32>, vector<16xi32> -> vector<16xf32>
            %add3A_617 = arith.addf %add3A_603, %gather3A_616 : vector<16xf32>
            %xor3A_618 = arith.constant 1 : i32
            %xor3A_619 = vector.broadcast %xor3A_618 : i32 to vector<16xi32>
            %xor3A_620 = arith.xori %iota3A, %xor3A_619 : vector<16xi32>
            %lt3A_621 = arith.constant 0 : i32
            %lt3A_622 = vector.broadcast %lt3A_621 : i32 to vector<16xi32>
            %lt3A_623 = arith.cmpi slt, %xor3A_620, %lt3A_622 : vector<16xi32>
            %add3A_624 = arith.constant 16 : i32
            %add3A_625 = vector.broadcast %add3A_624 : i32 to vector<16xi32>
            %add3A_626 = arith.addi %xor3A_620, %add3A_625 : vector<16xi32>
            %select_n3A_627 = arith.select %lt3A_623, %add3A_626, %xor3A_620 : vector<16xi1>, vector<16xi32>
            %broadcast_in_dim3A_628 = vector.shape_cast %select_n3A_627 : vector<16xi32> to vector<16x1xi32>
            %gather3A_629 = vector.shape_cast %broadcast_in_dim3A_628 : vector<16x1xi32> to vector<16xi32>
            %gather3A_630 = tpu.dynamic_gather %add3A_617[%gather3A_629] in [0] : vector<16xf32>, vector<16xi32> -> vector<16xf32>
            %add3A_631 = arith.addf %add3A_617, %gather3A_630 : vector<16xf32>
            %eq3A_632 = vector.broadcast %scan3A_443 : i32 to vector<16xi32>
            %eq3A_633 = arith.cmpi eq, %iota3A, %eq3A_632 : vector<16xi32>
            %select_n3A_634 = arith.select %eq3A_633, %add3A_575, %scan3A_444 : vector<16xi1>, vector<16xf32>
            %select_n3A_635 = arith.select %eq3A_633, %add3A_631, %scan3A_445 : vector<16xi1>, vector<16xf32>
            scf.yield %select_n3A_634, %select_n3A_635 : vector<16xf32>, vector<16xf32>
          }
          %scan3A_331 = arith.constant 16 : i32
          %broadcast_in_dim3A_332 = arith.constant 1.562500e-02 : f32
          %broadcast_in_dim3A_333 = vector.broadcast %broadcast_in_dim3A_332 : f32 to vector<16xf32>
          %ge3A = arith.constant 9.765625E-4 : f32
          %ge3A_334 = vector.broadcast %ge3A : f32 to vector<16xf32>
          %ge3A_335 = arith.cmpf oge, %scan3A_330#0, %ge3A_334 : vector<16xf32>
          %jit3A = arith.constant 3.125000e-02 : f32
          %broadcast_in_dim3A_336 = vector.broadcast %jit3A : f32 to vector<16xf32>
          %select_n3A_337 = arith.select %ge3A_335, %broadcast_in_dim3A_336, %broadcast_in_dim3A_333 : vector<16xi1>, vector<16xf32>
          %ge3A_338 = arith.constant 3.906250e-03 : f32
          %ge3A_339 = vector.broadcast %ge3A_338 : f32 to vector<16xf32>
          %ge3A_340 = arith.cmpf oge, %scan3A_330#0, %ge3A_339 : vector<16xf32>
          %jit3A_341 = arith.constant 6.250000e-02 : f32
          %broadcast_in_dim3A_342 = vector.broadcast %jit3A_341 : f32 to vector<16xf32>
          %select_n3A_343 = arith.select %ge3A_340, %broadcast_in_dim3A_342, %select_n3A_337 : vector<16xi1>, vector<16xf32>
          %ge3A_344 = arith.constant 1.562500e-02 : f32
          %ge3A_345 = vector.broadcast %ge3A_344 : f32 to vector<16xf32>
          %ge3A_346 = arith.cmpf oge, %scan3A_330#0, %ge3A_345 : vector<16xf32>
          %jit3A_347 = arith.constant 1.250000e-01 : f32
          %broadcast_in_dim3A_348 = vector.broadcast %jit3A_347 : f32 to vector<16xf32>
          %select_n3A_349 = arith.select %ge3A_346, %broadcast_in_dim3A_348, %select_n3A_343 : vector<16xi1>, vector<16xf32>
          %ge3A_350 = arith.constant 6.250000e-02 : f32
          %ge3A_351 = vector.broadcast %ge3A_350 : f32 to vector<16xf32>
          %ge3A_352 = arith.cmpf oge, %scan3A_330#0, %ge3A_351 : vector<16xf32>
          %jit3A_353 = arith.constant 2.500000e-01 : f32
          %broadcast_in_dim3A_354 = vector.broadcast %jit3A_353 : f32 to vector<16xf32>
          %select_n3A_355 = arith.select %ge3A_352, %broadcast_in_dim3A_354, %select_n3A_349 : vector<16xi1>, vector<16xf32>
          %ge3A_356 = arith.constant 2.500000e-01 : f32
          %ge3A_357 = vector.broadcast %ge3A_356 : f32 to vector<16xf32>
          %ge3A_358 = arith.cmpf oge, %scan3A_330#0, %ge3A_357 : vector<16xf32>
          %jit3A_359 = arith.constant 5.000000e-01 : f32
          %broadcast_in_dim3A_360 = vector.broadcast %jit3A_359 : f32 to vector<16xf32>
          %select_n3A_361 = arith.select %ge3A_358, %broadcast_in_dim3A_360, %select_n3A_355 : vector<16xi1>, vector<16xf32>
          %ge3A_362 = arith.constant 1.000000e+00 : f32
          %ge3A_363 = vector.broadcast %ge3A_362 : f32 to vector<16xf32>
          %ge3A_364 = arith.cmpf oge, %scan3A_330#0, %ge3A_363 : vector<16xf32>
          %jit3A_365 = arith.constant 1.000000e+00 : f32
          %broadcast_in_dim3A_366 = vector.broadcast %jit3A_365 : f32 to vector<16xf32>
          %select_n3A_367 = arith.select %ge3A_364, %broadcast_in_dim3A_366, %select_n3A_361 : vector<16xi1>, vector<16xf32>
          %ge3A_368 = arith.constant 4.000000e+00 : f32
          %ge3A_369 = vector.broadcast %ge3A_368 : f32 to vector<16xf32>
          %ge3A_370 = arith.cmpf oge, %scan3A_330#0, %ge3A_369 : vector<16xf32>
          %jit3A_371 = arith.constant 2.000000e+00 : f32
          %broadcast_in_dim3A_372 = vector.broadcast %jit3A_371 : f32 to vector<16xf32>
          %select_n3A_373 = arith.select %ge3A_370, %broadcast_in_dim3A_372, %select_n3A_367 : vector<16xi1>, vector<16xf32>
          %ge3A_374 = arith.constant 1.600000e+01 : f32
          %ge3A_375 = vector.broadcast %ge3A_374 : f32 to vector<16xf32>
          %ge3A_376 = arith.cmpf oge, %scan3A_330#0, %ge3A_375 : vector<16xf32>
          %jit3A_377 = arith.constant 4.000000e+00 : f32
          %broadcast_in_dim3A_378 = vector.broadcast %jit3A_377 : f32 to vector<16xf32>
          %select_n3A_379 = arith.select %ge3A_376, %broadcast_in_dim3A_378, %select_n3A_373 : vector<16xi1>, vector<16xf32>
          %ge3A_380 = arith.constant 6.400000e+01 : f32
          %ge3A_381 = vector.broadcast %ge3A_380 : f32 to vector<16xf32>
          %ge3A_382 = arith.cmpf oge, %scan3A_330#0, %ge3A_381 : vector<16xf32>
          %jit3A_383 = arith.constant 8.000000e+00 : f32
          %broadcast_in_dim3A_384 = vector.broadcast %jit3A_383 : f32 to vector<16xf32>
          %select_n3A_385 = arith.select %ge3A_382, %broadcast_in_dim3A_384, %select_n3A_379 : vector<16xi1>, vector<16xf32>
          %ge3A_386 = arith.constant 2.560000e+02 : f32
          %ge3A_387 = vector.broadcast %ge3A_386 : f32 to vector<16xf32>
          %ge3A_388 = arith.cmpf oge, %scan3A_330#0, %ge3A_387 : vector<16xf32>
          %jit3A_389 = arith.constant 1.600000e+01 : f32
          %broadcast_in_dim3A_390 = vector.broadcast %jit3A_389 : f32 to vector<16xf32>
          %select_n3A_391 = arith.select %ge3A_388, %broadcast_in_dim3A_390, %select_n3A_385 : vector<16xi1>, vector<16xf32>
          %ge3A_392 = arith.constant 1.024000e+03 : f32
          %ge3A_393 = vector.broadcast %ge3A_392 : f32 to vector<16xf32>
          %ge3A_394 = arith.cmpf oge, %scan3A_330#0, %ge3A_393 : vector<16xf32>
          %jit3A_395 = arith.constant 3.200000e+01 : f32
          %broadcast_in_dim3A_396 = vector.broadcast %jit3A_395 : f32 to vector<16xf32>
          %select_n3A_397 = arith.select %ge3A_394, %broadcast_in_dim3A_396, %select_n3A_391 : vector<16xi1>, vector<16xf32>
          %ge3A_398 = arith.constant 4.096000e+03 : f32
          %ge3A_399 = vector.broadcast %ge3A_398 : f32 to vector<16xf32>
          %ge3A_400 = arith.cmpf oge, %scan3A_330#0, %ge3A_399 : vector<16xf32>
          %jit3A_401 = arith.constant 6.400000e+01 : f32
          %broadcast_in_dim3A_402 = vector.broadcast %jit3A_401 : f32 to vector<16xf32>
          %select_n3A_403 = arith.select %ge3A_400, %broadcast_in_dim3A_402, %select_n3A_397 : vector<16xi1>, vector<16xf32>
          %div3A_404 = arith.divf %scan3A_330#0, %select_n3A_403 : vector<16xf32>
          %add3A_405 = arith.addf %select_n3A_403, %div3A_404 : vector<16xf32>
          %mul3A_406 = arith.constant 5.000000e-01 : f32
          %mul3A_407 = vector.broadcast %mul3A_406 : f32 to vector<16xf32>
          %mul3A_408 = arith.mulf %mul3A_407, %add3A_405 : vector<16xf32>
          %div3A_409 = arith.divf %scan3A_330#0, %mul3A_408 : vector<16xf32>
          %add3A_410 = arith.addf %mul3A_408, %div3A_409 : vector<16xf32>
          %mul3A_411 = arith.constant 5.000000e-01 : f32
          %mul3A_412 = vector.broadcast %mul3A_411 : f32 to vector<16xf32>
          %mul3A_413 = arith.mulf %mul3A_412, %add3A_410 : vector<16xf32>
          %div3A_414 = arith.divf %scan3A_330#0, %mul3A_413 : vector<16xf32>
          %add3A_415 = arith.addf %mul3A_413, %div3A_414 : vector<16xf32>
          %mul3A_416 = arith.constant 5.000000e-01 : f32
          %mul3A_417 = vector.broadcast %mul3A_416 : f32 to vector<16xf32>
          %mul3A_418 = arith.mulf %mul3A_417, %add3A_415 : vector<16xf32>
          %div3A_419 = arith.divf %scan3A_330#0, %mul3A_418 : vector<16xf32>
          %add3A_420 = arith.addf %mul3A_418, %div3A_419 : vector<16xf32>
          %mul3A_421 = arith.constant 5.000000e-01 : f32
          %mul3A_422 = vector.broadcast %mul3A_421 : f32 to vector<16xf32>
          %mul3A_423 = arith.mulf %mul3A_422, %add3A_420 : vector<16xf32>
          %gt3A = arith.constant 0.000000e+00 : f32
          %gt3A_424 = vector.broadcast %gt3A : f32 to vector<16xf32>
          %gt3A_425 = arith.cmpf ogt, %scan3A_330#0, %gt3A_424 : vector<16xf32>
          %jit3A_426 = arith.constant 0.000000e+00 : f32
          %broadcast_in_dim3A_427 = vector.broadcast %jit3A_426 : f32 to vector<16xf32>
          %select_n3A_428 = arith.select %gt3A_425, %mul3A_423, %broadcast_in_dim3A_427 : vector<16xi1>, vector<16xf32>
          %neg3A_429 = arith.constant 0.000000e+00 : f32
          %neg3A_430 = vector.broadcast %neg3A_429 : f32 to vector<16xf32>
          %neg3A_431 = arith.subf %neg3A_430, %select_n3A_428 : vector<16xf32>
          %exp3A_432 = math.exp %neg3A_431 : vector<16xf32>
          %mul3A_433 = arith.constant 16 : i32
          %mul3A_434 = arith.muli %scan3A_323, %mul3A_433 : i32
          %get3A_435 = arith.index_cast %mul3A_434 : i32 to index
          %get3A_436 = tpu.vector_load %arg16[%get3A_435] {strides = array<i32>} : memref<128xf32, #tpu.memory_space<vmem>>, vector<16xf32>,
          %get3A_437 = vector.shape_cast %get3A_436 : vector<16xf32> to vector<16xf32>
          %mul3A_438 = arith.mulf %get3A_4, %get3A_437 : vector<16xf32>
          %add3A_439 = arith.addf %scan3A_330#1, %mul3A_438 : vector<16xf32>
          %add3A_440 = arith.addf %scan3A_324, %exp3A_432 : vector<16xf32>
          %mul3A_441 = arith.mulf %add3A_439, %exp3A_432 : vector<16xf32>
          %add3A_442 = arith.addf %scan3A_325, %mul3A_441 : vector<16xf32>
          scf.yield %add3A_440, %add3A_442 : vector<16xf32>, vector<16xf32>
        }
        %scan3A_208 = arith.constant 8 : i32
        %xor3A = arith.constant 8 : i32
        %xor3A_209 = vector.broadcast %xor3A : i32 to vector<16xi32>
        %xor3A_210 = arith.xori %iota3A, %xor3A_209 : vector<16xi32>
        %lt3A = arith.constant 0 : i32
        %lt3A_211 = vector.broadcast %lt3A : i32 to vector<16xi32>
        %lt3A_212 = arith.cmpi slt, %xor3A_210, %lt3A_211 : vector<16xi32>
        %add3A_213 = arith.constant 16 : i32
        %add3A_214 = vector.broadcast %add3A_213 : i32 to vector<16xi32>
        %add3A_215 = arith.addi %xor3A_210, %add3A_214 : vector<16xi32>
        %select_n3A_216 = arith.select %lt3A_212, %add3A_215, %xor3A_210 : vector<16xi1>, vector<16xi32>
        %broadcast_in_dim3A_217 = vector.shape_cast %select_n3A_216 : vector<16xi32> to vector<16x1xi32>
        %gather3A = vector.shape_cast %broadcast_in_dim3A_217 : vector<16x1xi32> to vector<16xi32>
        %gather3A_218 = tpu.dynamic_gather %scan3A_207#0[%gather3A] in [0] : vector<16xf32>, vector<16xi32> -> vector<16xf32>
        %add3A_219 = arith.addf %scan3A_207#0, %gather3A_218 : vector<16xf32>
        %xor3A_220 = arith.constant 4 : i32
        %xor3A_221 = vector.broadcast %xor3A_220 : i32 to vector<16xi32>
        %xor3A_222 = arith.xori %iota3A, %xor3A_221 : vector<16xi32>
        %lt3A_223 = arith.constant 0 : i32
        %lt3A_224 = vector.broadcast %lt3A_223 : i32 to vector<16xi32>
        %lt3A_225 = arith.cmpi slt, %xor3A_222, %lt3A_224 : vector<16xi32>
        %add3A_226 = arith.constant 16 : i32
        %add3A_227 = vector.broadcast %add3A_226 : i32 to vector<16xi32>
        %add3A_228 = arith.addi %xor3A_222, %add3A_227 : vector<16xi32>
        %select_n3A_229 = arith.select %lt3A_225, %add3A_228, %xor3A_222 : vector<16xi1>, vector<16xi32>
        %broadcast_in_dim3A_230 = vector.shape_cast %select_n3A_229 : vector<16xi32> to vector<16x1xi32>
        %gather3A_231 = vector.shape_cast %broadcast_in_dim3A_230 : vector<16x1xi32> to vector<16xi32>
        %gather3A_232 = tpu.dynamic_gather %add3A_219[%gather3A_231] in [0] : vector<16xf32>, vector<16xi32> -> vector<16xf32>
        %add3A_233 = arith.addf %add3A_219, %gather3A_232 : vector<16xf32>
        %xor3A_234 = arith.constant 2 : i32
        %xor3A_235 = vector.broadcast %xor3A_234 : i32 to vector<16xi32>
        %xor3A_236 = arith.xori %iota3A, %xor3A_235 : vector<16xi32>
        %lt3A_237 = arith.constant 0 : i32
        %lt3A_238 = vector.broadcast %lt3A_237 : i32 to vector<16xi32>
        %lt3A_239 = arith.cmpi slt, %xor3A_236, %lt3A_238 : vector<16xi32>
        %add3A_240 = arith.constant 16 : i32
        %add3A_241 = vector.broadcast %add3A_240 : i32 to vector<16xi32>
        %add3A_242 = arith.addi %xor3A_236, %add3A_241 : vector<16xi32>
        %select_n3A_243 = arith.select %lt3A_239, %add3A_242, %xor3A_236 : vector<16xi1>, vector<16xi32>
        %broadcast_in_dim3A_244 = vector.shape_cast %select_n3A_243 : vector<16xi32> to vector<16x1xi32>
        %gather3A_245 = vector.shape_cast %broadcast_in_dim3A_244 : vector<16x1xi32> to vector<16xi32>
        %gather3A_246 = tpu.dynamic_gather %add3A_233[%gather3A_245] in [0] : vector<16xf32>, vector<16xi32> -> vector<16xf32>
        %add3A_247 = arith.addf %add3A_233, %gather3A_246 : vector<16xf32>
        %xor3A_248 = arith.constant 1 : i32
        %xor3A_249 = vector.broadcast %xor3A_248 : i32 to vector<16xi32>
        %xor3A_250 = arith.xori %iota3A, %xor3A_249 : vector<16xi32>
        %lt3A_251 = arith.constant 0 : i32
        %lt3A_252 = vector.broadcast %lt3A_251 : i32 to vector<16xi32>
        %lt3A_253 = arith.cmpi slt, %xor3A_250, %lt3A_252 : vector<16xi32>
        %add3A_254 = arith.constant 16 : i32
        %add3A_255 = vector.broadcast %add3A_254 : i32 to vector<16xi32>
        %add3A_256 = arith.addi %xor3A_250, %add3A_255 : vector<16xi32>
        %select_n3A_257 = arith.select %lt3A_253, %add3A_256, %xor3A_250 : vector<16xi1>, vector<16xi32>
        %broadcast_in_dim3A_258 = vector.shape_cast %select_n3A_257 : vector<16xi32> to vector<16x1xi32>
        %gather3A_259 = vector.shape_cast %broadcast_in_dim3A_258 : vector<16x1xi32> to vector<16xi32>
        %gather3A_260 = tpu.dynamic_gather %add3A_247[%gather3A_259] in [0] : vector<16xf32>, vector<16xi32> -> vector<16xf32>
        %add3A_261 = arith.addf %add3A_247, %gather3A_260 : vector<16xf32>
        %add3A_262 = arith.constant 2.9430356 : f32
        %add3A_263 = vector.broadcast %add3A_262 : f32 to vector<16xf32>
        %add3A_264 = arith.addf %add3A_261, %add3A_263 : vector<16xf32>
        %xor3A_265 = arith.constant 8 : i32
        %xor3A_266 = vector.broadcast %xor3A_265 : i32 to vector<16xi32>
        %xor3A_267 = arith.xori %iota3A, %xor3A_266 : vector<16xi32>
        %lt3A_268 = arith.constant 0 : i32
        %lt3A_269 = vector.broadcast %lt3A_268 : i32 to vector<16xi32>
        %lt3A_270 = arith.cmpi slt, %xor3A_267, %lt3A_269 : vector<16xi32>
        %add3A_271 = arith.constant 16 : i32
        %add3A_272 = vector.broadcast %add3A_271 : i32 to vector<16xi32>
        %add3A_273 = arith.addi %xor3A_267, %add3A_272 : vector<16xi32>
        %select_n3A_274 = arith.select %lt3A_270, %add3A_273, %xor3A_267 : vector<16xi1>, vector<16xi32>
        %broadcast_in_dim3A_275 = vector.shape_cast %select_n3A_274 : vector<16xi32> to vector<16x1xi32>
        %gather3A_276 = vector.shape_cast %broadcast_in_dim3A_275 : vector<16x1xi32> to vector<16xi32>
        %gather3A_277 = tpu.dynamic_gather %scan3A_207#1[%gather3A_276] in [0] : vector<16xf32>, vector<16xi32> -> vector<16xf32>
        %add3A_278 = arith.addf %scan3A_207#1, %gather3A_277 : vector<16xf32>
        %xor3A_279 = arith.constant 4 : i32
        %xor3A_280 = vector.broadcast %xor3A_279 : i32 to vector<16xi32>
        %xor3A_281 = arith.xori %iota3A, %xor3A_280 : vector<16xi32>
        %lt3A_282 = arith.constant 0 : i32
        %lt3A_283 = vector.broadcast %lt3A_282 : i32 to vector<16xi32>
        %lt3A_284 = arith.cmpi slt, %xor3A_281, %lt3A_283 : vector<16xi32>
        %add3A_285 = arith.constant 16 : i32
        %add3A_286 = vector.broadcast %add3A_285 : i32 to vector<16xi32>
        %add3A_287 = arith.addi %xor3A_281, %add3A_286 : vector<16xi32>
        %select_n3A_288 = arith.select %lt3A_284, %add3A_287, %xor3A_281 : vector<16xi1>, vector<16xi32>
        %broadcast_in_dim3A_289 = vector.shape_cast %select_n3A_288 : vector<16xi32> to vector<16x1xi32>
        %gather3A_290 = vector.shape_cast %broadcast_in_dim3A_289 : vector<16x1xi32> to vector<16xi32>
        %gather3A_291 = tpu.dynamic_gather %add3A_278[%gather3A_290] in [0] : vector<16xf32>, vector<16xi32> -> vector<16xf32>
        %add3A_292 = arith.addf %add3A_278, %gather3A_291 : vector<16xf32>
        %xor3A_293 = arith.constant 2 : i32
        %xor3A_294 = vector.broadcast %xor3A_293 : i32 to vector<16xi32>
        %xor3A_295 = arith.xori %iota3A, %xor3A_294 : vector<16xi32>
        %lt3A_296 = arith.constant 0 : i32
        %lt3A_297 = vector.broadcast %lt3A_296 : i32 to vector<16xi32>
        %lt3A_298 = arith.cmpi slt, %xor3A_295, %lt3A_297 : vector<16xi32>
        %add3A_299 = arith.constant 16 : i32
        %add3A_300 = vector.broadcast %add3A_299 : i32 to vector<16xi32>
        %add3A_301 = arith.addi %xor3A_295, %add3A_300 : vector<16xi32>
        %select_n3A_302 = arith.select %lt3A_298, %add3A_301, %xor3A_295 : vector<16xi1>, vector<16xi32>
        %broadcast_in_dim3A_303 = vector.shape_cast %select_n3A_302 : vector<16xi32> to vector<16x1xi32>
        %gather3A_304 = vector.shape_cast %broadcast_in_dim3A_303 : vector<16x1xi32> to vector<16xi32>
        %gather3A_305 = tpu.dynamic_gather %add3A_292[%gather3A_304] in [0] : vector<16xf32>, vector<16xi32> -> vector<16xf32>
        %add3A_306 = arith.addf %add3A_292, %gather3A_305 : vector<16xf32>
        %xor3A_307 = arith.constant 1 : i32
        %xor3A_308 = vector.broadcast %xor3A_307 : i32 to vector<16xi32>
        %xor3A_309 = arith.xori %iota3A, %xor3A_308 : vector<16xi32>
        %lt3A_310 = arith.constant 0 : i32
        %lt3A_311 = vector.broadcast %lt3A_310 : i32 to vector<16xi32>
        %lt3A_312 = arith.cmpi slt, %xor3A_309, %lt3A_311 : vector<16xi32>
        %add3A_313 = arith.constant 16 : i32
        %add3A_314 = vector.broadcast %add3A_313 : i32 to vector<16xi32>
        %add3A_315 = arith.addi %xor3A_309, %add3A_314 : vector<16xi32>
        %select_n3A_316 = arith.select %lt3A_312, %add3A_315, %xor3A_309 : vector<16xi1>, vector<16xi32>
        %broadcast_in_dim3A_317 = vector.shape_cast %select_n3A_316 : vector<16xi32> to vector<16x1xi32>
        %gather3A_318 = vector.shape_cast %broadcast_in_dim3A_317 : vector<16x1xi32> to vector<16xi32>
        %gather3A_319 = tpu.dynamic_gather %add3A_306[%gather3A_318] in [0] : vector<16xf32>, vector<16xi32> -> vector<16xf32>
        %add3A_320 = arith.addf %add3A_306, %gather3A_319 : vector<16xf32>
        %div3A_321 = arith.divf %add3A_320, %add3A_264 : vector<16xf32>
        %add3A_322 = arith.addf %scan3A_57, %div3A_321 : vector<16xf32>
        scf.yield %add3A_322 : vector<16xf32>
      }
      %scan3A_51 = arith.constant 4 : i32
      %mul3A_52 = arith.constant 2.500000e-01 : f32
      %mul3A_53 = vector.broadcast %mul3A_52 : f32 to vector<16xf32>
      %mul3A_54 = arith.mulf %scan3A_50, %mul3A_53 : vector<16xf32>
      %eq3A = vector.broadcast %scan3A_41 : i32 to vector<16xi32>
      %eq3A_55 = arith.cmpi eq, %iota3A, %eq3A : vector<16xi32>
      %select_n3A = arith.select %eq3A_55, %mul3A_54, %scan3A_42 : vector<16xi1>, vector<16xf32>
      scf.yield %select_n3A : vector<16xf32>
    }
    %scan3A_10 = arith.constant 16 : i32
    %neg3A = arith.constant 0.000000e+00 : f32
    %neg3A_11 = vector.broadcast %neg3A : f32 to vector<16xf32>
    %neg3A_12 = arith.subf %neg3A_11, %scan3A_9 : vector<16xf32>
    %exp3A = math.exp %neg3A_12 : vector<16xf32>
    %add3A_13 = arith.constant 1.000000e+00 : f32
    %add3A_14 = vector.broadcast %add3A_13 : f32 to vector<16xf32>
    %add3A_15 = arith.addf %add3A_14, %exp3A : vector<16xf32>
    %div3A = arith.constant 1.000000e+00 : f32
    %div3A_16 = vector.broadcast %div3A : f32 to vector<16xf32>
    %div3A_17 = arith.divf %div3A_16, %add3A_15 : vector<16xf32>
    %swap3A = arith.constant 0 : index
    %swap3A_18 = tpu.vector_load %arg18[%swap3A] {strides = array<i32>} : memref<32xf32, #tpu.memory_space<vmem>>, vector<16xf32>,
    %swap3A_19 = vector.shape_cast %swap3A_18 : vector<16xf32> to vector<16xf32>
    %swap3A_20 = vector.shape_cast %div3A_17 : vector<16xf32> to vector<16xf32>
    tpu.vector_store %arg18[%swap3A], %swap3A_20 {strides = array<i32>} : memref<32xf32, #tpu.memory_space<vmem>>, vector<16xf32>,
    %scan3A_21 = arith.constant 0 : i32
    %scan3A_22 = arith.constant 16 : i32
    %scan3A_23 = arith.addi %scan3A_21, %scan3A_22 : i32
    %scan3A_24 = arith.constant 1 : i32
    %scan3A_25 = scf.for %scan3A_41 = %scan3A_21 to %scan3A_23 step %scan3A_24 iter_args(%scan3A_42 = %broadcast_in_dim3A_5) -> (vector<16xf32>)  : i32 {
      %add3A_43 = arith.constant 16 : i32
      %add3A_44 = arith.addi %mul3A_2, %add3A_43 : i32
      %add3A_45 = arith.addi %add3A_44, %scan3A_41 : i32
      "tpu.region"() ({
        %run_scoped3A = tpu.sem_alloc : memref<!tpu.dma_semaphore, #tpu.memory_space<semaphore_mem>>
        %dma_start3A = arith.constant 0 : i32
        %dma_start3A_56 = tpu.memref_slice %arg4[%add3A_45, %dma_start3A] : memref<1024x8xi32, #tpu.memory_space<hbm>> -> memref<1x8xi32, #tpu.memory_space<hbm>>
        %dma_start3A_57 = tpu.memref_squeeze %dma_start3A_56 : memref<1x8xi32, #tpu.memory_space<hbm>> -> memref<8xi32, #tpu.memory_space<hbm>>
        %dma_start3A_58 = arith.constant 0 : i32
        %dma_start3A_59 = tpu.memref_slice %arg4[%add3A_45, %dma_start3A_58] : memref<1024x8xi32, #tpu.memory_space<hbm>> -> memref<1x8xi32, #tpu.memory_space<hbm>>
        %dma_start3A_60 = tpu.memref_squeeze %dma_start3A_59 : memref<1x8xi32, #tpu.memory_space<hbm>> -> memref<8xi32, #tpu.memory_space<hbm>>
        tpu.enqueue_dma source(%dma_start3A_60 : memref<8xi32, #tpu.memory_space<hbm>>) target(%arg10 : memref<8xi32, #tpu.memory_space<vmem>>) target_semaphore(%run_scoped3A : memref<!tpu.dma_semaphore, #tpu.memory_space<semaphore_mem>>)
        %dma_wait3A = arith.constant 0 : i32
        %dma_wait3A_61 = tpu.memref_slice %arg4[%add3A_45, %dma_wait3A] : memref<1024x8xi32, #tpu.memory_space<hbm>> -> memref<1x8xi32, #tpu.memory_space<hbm>>
        %dma_wait3A_62 = tpu.memref_squeeze %dma_wait3A_61 : memref<1x8xi32, #tpu.memory_space<hbm>> -> memref<8xi32, #tpu.memory_space<hbm>>
        %dma_wait3A_63 = arith.constant 0 : i32
        %dma_wait3A_64 = tpu.memref_slice %arg4[%add3A_45, %dma_wait3A_63] : memref<1024x8xi32, #tpu.memory_space<hbm>> -> memref<1x8xi32, #tpu.memory_space<hbm>>
        %dma_wait3A_65 = tpu.memref_squeeze %dma_wait3A_64 : memref<1x8xi32, #tpu.memory_space<hbm>> -> memref<8xi32, #tpu.memory_space<hbm>>
        tpu.wait_dma2 semaphore(%run_scoped3A : memref<!tpu.dma_semaphore, #tpu.memory_space<semaphore_mem>>) src(%dma_wait3A_65 : memref<8xi32, #tpu.memory_space<hbm>>) dst(%arg10 : memref<8xi32, #tpu.memory_space<vmem>>)
        tpu.yield
      }) : () -> ()
      "tpu.region"() ({
        %run_scoped3A = tpu.sem_alloc : memref<!tpu.dma_semaphore, #tpu.memory_space<semaphore_mem>>
        %dma_start3A = arith.constant 0 : i32
        %dma_start3A_56 = arith.constant 0 : i32
        %dma_start3A_57 = tpu.memref_slice %arg6[%dma_start3A, %dma_start3A_56] : memref<40000x128xf32, #tpu.memory_space<hbm>> -> memref<40000x128xf32, #tpu.memory_space<hbm>>
        tpu.enqueue_indirect_dma source(%dma_start3A_57 : memref<40000x128xf32, #tpu.memory_space<hbm>>) target(%arg11 : memref<8x128xf32, #tpu.memory_space<vmem>>) offsets(%arg10 : memref<8xi32, #tpu.memory_space<vmem>>) semaphore(%run_scoped3A : memref<!tpu.dma_semaphore, #tpu.memory_space<semaphore_mem>>)
        %dma_wait3A = arith.constant 0 : i32
        %dma_wait3A_58 = arith.constant 0 : i32
        %dma_wait3A_59 = tpu.memref_slice %arg6[%dma_wait3A, %dma_wait3A_58] : memref<40000x128xf32, #tpu.memory_space<hbm>> -> memref<40000x128xf32, #tpu.memory_space<hbm>>
        tpu.wait_indirect_dma semaphore(%run_scoped3A : memref<!tpu.dma_semaphore, #tpu.memory_space<semaphore_mem>>) src(%dma_wait3A_59 : memref<40000x128xf32, #tpu.memory_space<hbm>>) dst(%arg11 : memref<8x128xf32, #tpu.memory_space<vmem>>)
        tpu.yield
      }) : () -> ()
      "tpu.region"() ({
        %run_scoped3A = tpu.sem_alloc : memref<!tpu.dma_semaphore, #tpu.memory_space<semaphore_mem>>
        %dma_start3A = arith.constant 0 : i32
        %dma_start3A_56 = arith.constant 0 : i32
        %dma_start3A_57 = tpu.memref_slice %arg7[%dma_start3A, %dma_start3A_56] : memref<40000x128xf32, #tpu.memory_space<hbm>> -> memref<40000x128xf32, #tpu.memory_space<hbm>>
        tpu.enqueue_indirect_dma source(%dma_start3A_57 : memref<40000x128xf32, #tpu.memory_space<hbm>>) target(%arg12 : memref<8x128xf32, #tpu.memory_space<vmem>>) offsets(%arg10 : memref<8xi32, #tpu.memory_space<vmem>>) semaphore(%run_scoped3A : memref<!tpu.dma_semaphore, #tpu.memory_space<semaphore_mem>>)
        %dma_wait3A = arith.constant 0 : i32
        %dma_wait3A_58 = arith.constant 0 : i32
        %dma_wait3A_59 = tpu.memref_slice %arg7[%dma_wait3A, %dma_wait3A_58] : memref<40000x128xf32, #tpu.memory_space<hbm>> -> memref<40000x128xf32, #tpu.memory_space<hbm>>
        tpu.wait_indirect_dma semaphore(%run_scoped3A : memref<!tpu.dma_semaphore, #tpu.memory_space<semaphore_mem>>) src(%dma_wait3A_59 : memref<40000x128xf32, #tpu.memory_space<hbm>>) dst(%arg12 : memref<8x128xf32, #tpu.memory_space<vmem>>)
        tpu.yield
      }) : () -> ()
      %scan3A_46 = arith.constant 0 : i32
      %scan3A_47 = arith.constant 4 : i32
      %scan3A_48 = arith.addi %scan3A_46, %scan3A_47 : i32
      %scan3A_49 = arith.constant 1 : i32
      %scan3A_50 = scf.for %scan3A_56 = %scan3A_46 to %scan3A_48 step %scan3A_49 iter_args(%scan3A_57 = %broadcast_in_dim3A_5) -> (vector<16xf32>)  : i32 {
        %mul3A_58 = arith.constant 2 : i32
        %mul3A_59 = arith.muli %scan3A_56, %mul3A_58 : i32
        %add3A_60 = arith.constant 0 : i32
        %add3A_61 = arith.addi %mul3A_59, %add3A_60 : i32
        %run_scoped3A = arith.constant 0 : i32
        "tpu.region"() ({
          %run_scoped3A_323 = tpu.sem_alloc : memref<!tpu.dma_semaphore, #tpu.memory_space<semaphore_mem>>
          %dma_start3A = arith.constant 0 : i32
          %dma_start3A_324 = tpu.memref_slice %arg2[%add3A_45, %scan3A_56, %run_scoped3A, %dma_start3A] : memref<1024x4x2x128xi32, #tpu.memory_space<hbm>> -> memref<1x1x1x128xi32, #tpu.memory_space<hbm>>
          %dma_start3A_325 = tpu.memref_squeeze %dma_start3A_324 : memref<1x1x1x128xi32, #tpu.memory_space<hbm>> -> memref<128xi32, #tpu.memory_space<hbm>>
          %dma_start3A_326 = arith.constant 0 : i32
          %dma_start3A_327 = tpu.memref_slice %arg2[%add3A_45, %scan3A_56, %run_scoped3A, %dma_start3A_326] : memref<1024x4x2x128xi32, #tpu.memory_space<hbm>> -> memref<1x1x1x128xi32, #tpu.memory_space<hbm>>
          %dma_start3A_328 = tpu.memref_squeeze %dma_start3A_327 : memref<1x1x1x128xi32, #tpu.memory_space<hbm>> -> memref<128xi32, #tpu.memory_space<hbm>>
          tpu.enqueue_dma source(%dma_start3A_328 : memref<128xi32, #tpu.memory_space<hbm>>) target(%arg13 : memref<128xi32, #tpu.memory_space<vmem>>) target_semaphore(%run_scoped3A_323 : memref<!tpu.dma_semaphore, #tpu.memory_space<semaphore_mem>>)
          %dma_wait3A = arith.constant 0 : i32
          %dma_wait3A_329 = tpu.memref_slice %arg2[%add3A_45, %scan3A_56, %run_scoped3A, %dma_wait3A] : memref<1024x4x2x128xi32, #tpu.memory_space<hbm>> -> memref<1x1x1x128xi32, #tpu.memory_space<hbm>>
          %dma_wait3A_330 = tpu.memref_squeeze %dma_wait3A_329 : memref<1x1x1x128xi32, #tpu.memory_space<hbm>> -> memref<128xi32, #tpu.memory_space<hbm>>
          %dma_wait3A_331 = arith.constant 0 : i32
          %dma_wait3A_332 = tpu.memref_slice %arg2[%add3A_45, %scan3A_56, %run_scoped3A, %dma_wait3A_331] : memref<1024x4x2x128xi32, #tpu.memory_space<hbm>> -> memref<1x1x1x128xi32, #tpu.memory_space<hbm>>
          %dma_wait3A_333 = tpu.memref_squeeze %dma_wait3A_332 : memref<1x1x1x128xi32, #tpu.memory_space<hbm>> -> memref<128xi32, #tpu.memory_space<hbm>>
          tpu.wait_dma2 semaphore(%run_scoped3A_323 : memref<!tpu.dma_semaphore, #tpu.memory_space<semaphore_mem>>) src(%dma_wait3A_333 : memref<128xi32, #tpu.memory_space<hbm>>) dst(%arg13 : memref<128xi32, #tpu.memory_space<vmem>>)
          tpu.yield
        }) : () -> ()
        "tpu.region"() ({
          %run_scoped3A_323 = tpu.sem_alloc : memref<!tpu.dma_semaphore, #tpu.memory_space<semaphore_mem>>
          %dma_start3A = arith.constant 0 : i32
          %dma_start3A_324 = arith.constant 0 : i32
          %dma_start3A_325 = tpu.memref_slice %arg6[%dma_start3A, %dma_start3A_324] : memref<40000x128xf32, #tpu.memory_space<hbm>> -> memref<40000x128xf32, #tpu.memory_space<hbm>>
          tpu.enqueue_indirect_dma source(%dma_start3A_325 : memref<40000x128xf32, #tpu.memory_space<hbm>>) target(%arg14 : memref<128x128xf32, #tpu.memory_space<vmem>>) offsets(%arg13 : memref<128xi32, #tpu.memory_space<vmem>>) semaphore(%run_scoped3A_323 : memref<!tpu.dma_semaphore, #tpu.memory_space<semaphore_mem>>)
          %dma_wait3A = arith.constant 0 : i32
          %dma_wait3A_326 = arith.constant 0 : i32
          %dma_wait3A_327 = tpu.memref_slice %arg6[%dma_wait3A, %dma_wait3A_326] : memref<40000x128xf32, #tpu.memory_space<hbm>> -> memref<40000x128xf32, #tpu.memory_space<hbm>>
          tpu.wait_indirect_dma semaphore(%run_scoped3A_323 : memref<!tpu.dma_semaphore, #tpu.memory_space<semaphore_mem>>) src(%dma_wait3A_327 : memref<40000x128xf32, #tpu.memory_space<hbm>>) dst(%arg14 : memref<128x128xf32, #tpu.memory_space<vmem>>)
          tpu.yield
        }) : () -> ()
        %run_scoped3A_62 = arith.constant 0 : i32
        "tpu.region"() ({
          %run_scoped3A_323 = tpu.sem_alloc : memref<!tpu.dma_semaphore, #tpu.memory_space<semaphore_mem>>
          %dma_start3A = arith.constant 0 : i32
          %dma_start3A_324 = tpu.memref_slice %arg3[%add3A_45, %scan3A_56, %run_scoped3A_62, %dma_start3A] : memref<1024x4x2x128xi32, #tpu.memory_space<hbm>> -> memref<1x1x1x128xi32, #tpu.memory_space<hbm>>
          %dma_start3A_325 = tpu.memref_squeeze %dma_start3A_324 : memref<1x1x1x128xi32, #tpu.memory_space<hbm>> -> memref<128xi32, #tpu.memory_space<hbm>>
          %dma_start3A_326 = arith.constant 0 : i32
          %dma_start3A_327 = tpu.memref_slice %arg3[%add3A_45, %scan3A_56, %run_scoped3A_62, %dma_start3A_326] : memref<1024x4x2x128xi32, #tpu.memory_space<hbm>> -> memref<1x1x1x128xi32, #tpu.memory_space<hbm>>
          %dma_start3A_328 = tpu.memref_squeeze %dma_start3A_327 : memref<1x1x1x128xi32, #tpu.memory_space<hbm>> -> memref<128xi32, #tpu.memory_space<hbm>>
          tpu.enqueue_dma source(%dma_start3A_328 : memref<128xi32, #tpu.memory_space<hbm>>) target(%arg15 : memref<128xi32, #tpu.memory_space<vmem>>) target_semaphore(%run_scoped3A_323 : memref<!tpu.dma_semaphore, #tpu.memory_space<semaphore_mem>>)
          %dma_wait3A = arith.constant 0 : i32
          %dma_wait3A_329 = tpu.memref_slice %arg3[%add3A_45, %scan3A_56, %run_scoped3A_62, %dma_wait3A] : memref<1024x4x2x128xi32, #tpu.memory_space<hbm>> -> memref<1x1x1x128xi32, #tpu.memory_space<hbm>>
          %dma_wait3A_330 = tpu.memref_squeeze %dma_wait3A_329 : memref<1x1x1x128xi32, #tpu.memory_space<hbm>> -> memref<128xi32, #tpu.memory_space<hbm>>
          %dma_wait3A_331 = arith.constant 0 : i32
          %dma_wait3A_332 = tpu.memref_slice %arg3[%add3A_45, %scan3A_56, %run_scoped3A_62, %dma_wait3A_331] : memref<1024x4x2x128xi32, #tpu.memory_space<hbm>> -> memref<1x1x1x128xi32, #tpu.memory_space<hbm>>
          %dma_wait3A_333 = tpu.memref_squeeze %dma_wait3A_332 : memref<1x1x1x128xi32, #tpu.memory_space<hbm>> -> memref<128xi32, #tpu.memory_space<hbm>>
          tpu.wait_dma2 semaphore(%run_scoped3A_323 : memref<!tpu.dma_semaphore, #tpu.memory_space<semaphore_mem>>) src(%dma_wait3A_333 : memref<128xi32, #tpu.memory_space<hbm>>) dst(%arg15 : memref<128xi32, #tpu.memory_space<vmem>>)
          tpu.yield
        }) : () -> ()
        "tpu.region"() ({
          %run_scoped3A_323 = tpu.sem_alloc : memref<!tpu.dma_semaphore, #tpu.memory_space<semaphore_mem>>
          %dma_start3A = arith.constant 0 : i32
          %dma_start3A_324 = tpu.memref_slice %arg8[%dma_start3A] : memref<100000000xf32, #tpu.memory_space<hbm>> -> memref<100000000xf32, #tpu.memory_space<hbm>>
          tpu.enqueue_indirect_dma source(%dma_start3A_324 : memref<100000000xf32, #tpu.memory_space<hbm>>) target(%arg16 : memref<128xf32, #tpu.memory_space<vmem>>) offsets(%arg15 : memref<128xi32, #tpu.memory_space<vmem>>) semaphore(%run_scoped3A_323 : memref<!tpu.dma_semaphore, #tpu.memory_space<semaphore_mem>>)
          %dma_wait3A = arith.constant 0 : i32
          %dma_wait3A_325 = tpu.memref_slice %arg8[%dma_wait3A] : memref<100000000xf32, #tpu.memory_space<hbm>> -> memref<100000000xf32, #tpu.memory_space<hbm>>
          tpu.wait_indirect_dma semaphore(%run_scoped3A_323 : memref<!tpu.dma_semaphore, #tpu.memory_space<semaphore_mem>>) src(%dma_wait3A_325 : memref<100000000xf32, #tpu.memory_space<hbm>>) dst(%arg16 : memref<128xf32, #tpu.memory_space<vmem>>)
          tpu.yield
        }) : () -> ()
        %get3A_63 = arith.index_cast %add3A_61 : i32 to index
        %get3A_64 = arith.constant 0 : index
        %get3A_65 = tpu.vector_load %arg11[%get3A_63, %get3A_64] {strides = array<i32>} : memref<8x128xf32, #tpu.memory_space<vmem>>, vector<1x16xf32>,
        %get3A_66 = vector.shape_cast %get3A_65 : vector<1x16xf32> to vector<16xf32>
        %get3A_67 = arith.index_cast %add3A_61 : i32 to index
        %get3A_68 = arith.constant 16 : index
        %get3A_69 = tpu.vector_load %arg11[%get3A_67, %get3A_68] {strides = array<i32>} : memref<8x128xf32, #tpu.memory_space<vmem>>, vector<1x16xf32>,
        %get3A_70 = vector.shape_cast %get3A_69 : vector<1x16xf32> to vector<16xf32>
        %get3A_71 = arith.index_cast %add3A_61 : i32 to index
        %get3A_72 = arith.constant 32 : index
        %get3A_73 = tpu.vector_load %arg11[%get3A_71, %get3A_72] {strides = array<i32>} : memref<8x128xf32, #tpu.memory_space<vmem>>, vector<1x16xf32>,
        %get3A_74 = vector.shape_cast %get3A_73 : vector<1x16xf32> to vector<16xf32>
        %get3A_75 = arith.index_cast %add3A_61 : i32 to index
        %get3A_76 = arith.constant 48 : index
        %get3A_77 = tpu.vector_load %arg11[%get3A_75, %get3A_76] {strides = array<i32>} : memref<8x128xf32, #tpu.memory_space<vmem>>, vector<1x16xf32>,
        %get3A_78 = vector.shape_cast %get3A_77 : vector<1x16xf32> to vector<16xf32>
        %get3A_79 = arith.index_cast %add3A_61 : i32 to index
        %get3A_80 = arith.constant 64 : index
        %get3A_81 = tpu.vector_load %arg11[%get3A_79, %get3A_80] {strides = array<i32>} : memref<8x128xf32, #tpu.memory_space<vmem>>, vector<1x16xf32>,
        %get3A_82 = vector.shape_cast %get3A_81 : vector<1x16xf32> to vector<16xf32>
        %get3A_83 = arith.index_cast %add3A_61 : i32 to index
        %get3A_84 = arith.constant 80 : index
        %get3A_85 = tpu.vector_load %arg11[%get3A_83, %get3A_84] {strides = array<i32>} : memref<8x128xf32, #tpu.memory_space<vmem>>, vector<1x16xf32>,
        %get3A_86 = vector.shape_cast %get3A_85 : vector<1x16xf32> to vector<16xf32>
        %get3A_87 = arith.index_cast %add3A_61 : i32 to index
        %get3A_88 = arith.constant 96 : index
        %get3A_89 = tpu.vector_load %arg11[%get3A_87, %get3A_88] {strides = array<i32>} : memref<8x128xf32, #tpu.memory_space<vmem>>, vector<1x16xf32>,
        %get3A_90 = vector.shape_cast %get3A_89 : vector<1x16xf32> to vector<16xf32>
        %get3A_91 = arith.index_cast %add3A_61 : i32 to index
        %get3A_92 = arith.constant 112 : index
        %get3A_93 = tpu.vector_load %arg11[%get3A_91, %get3A_92] {strides = array<i32>} : memref<8x128xf32, #tpu.memory_space<vmem>>, vector<1x16xf32>,
        %get3A_94 = vector.shape_cast %get3A_93 : vector<1x16xf32> to vector<16xf32>
        %get3A_95 = arith.index_cast %add3A_61 : i32 to index
        %get3A_96 = arith.constant 0 : index
        %get3A_97 = tpu.vector_load %arg12[%get3A_95, %get3A_96] {strides = array<i32>} : memref<8x128xf32, #tpu.memory_space<vmem>>, vector<1x16xf32>,
        %get3A_98 = vector.shape_cast %get3A_97 : vector<1x16xf32> to vector<16xf32>
        %get3A_99 = arith.index_cast %add3A_61 : i32 to index
        %get3A_100 = arith.constant 16 : index
        %get3A_101 = tpu.vector_load %arg12[%get3A_99, %get3A_100] {strides = array<i32>} : memref<8x128xf32, #tpu.memory_space<vmem>>, vector<1x16xf32>,
        %get3A_102 = vector.shape_cast %get3A_101 : vector<1x16xf32> to vector<16xf32>
        %get3A_103 = arith.index_cast %add3A_61 : i32 to index
        %get3A_104 = arith.constant 32 : index
        %get3A_105 = tpu.vector_load %arg12[%get3A_103, %get3A_104] {strides = array<i32>} : memref<8x128xf32, #tpu.memory_space<vmem>>, vector<1x16xf32>,
        %get3A_106 = vector.shape_cast %get3A_105 : vector<1x16xf32> to vector<16xf32>
        %get3A_107 = arith.index_cast %add3A_61 : i32 to index
        %get3A_108 = arith.constant 48 : index
        %get3A_109 = tpu.vector_load %arg12[%get3A_107, %get3A_108] {strides = array<i32>} : memref<8x128xf32, #tpu.memory_space<vmem>>, vector<1x16xf32>,
        %get3A_110 = vector.shape_cast %get3A_109 : vector<1x16xf32> to vector<16xf32>
        %get3A_111 = arith.index_cast %add3A_61 : i32 to index
        %get3A_112 = arith.constant 64 : index
        %get3A_113 = tpu.vector_load %arg12[%get3A_111, %get3A_112] {strides = array<i32>} : memref<8x128xf32, #tpu.memory_space<vmem>>, vector<1x16xf32>,
        %get3A_114 = vector.shape_cast %get3A_113 : vector<1x16xf32> to vector<16xf32>
        %get3A_115 = arith.index_cast %add3A_61 : i32 to index
        %get3A_116 = arith.constant 80 : index
        %get3A_117 = tpu.vector_load %arg12[%get3A_115, %get3A_116] {strides = array<i32>} : memref<8x128xf32, #tpu.memory_space<vmem>>, vector<1x16xf32>,
        %get3A_118 = vector.shape_cast %get3A_117 : vector<1x16xf32> to vector<16xf32>
        %get3A_119 = arith.index_cast %add3A_61 : i32 to index
        %get3A_120 = arith.constant 96 : index
        %get3A_121 = tpu.vector_load %arg12[%get3A_119, %get3A_120] {strides = array<i32>} : memref<8x128xf32, #tpu.memory_space<vmem>>, vector<1x16xf32>,
        %get3A_122 = vector.shape_cast %get3A_121 : vector<1x16xf32> to vector<16xf32>
        %get3A_123 = arith.index_cast %add3A_61 : i32 to index
        %get3A_124 = arith.constant 112 : index
        %get3A_125 = tpu.vector_load %arg12[%get3A_123, %get3A_124] {strides = array<i32>} : memref<8x128xf32, #tpu.memory_space<vmem>>, vector<1x16xf32>,
        %get3A_126 = vector.shape_cast %get3A_125 : vector<1x16xf32> to vector<16xf32>
        %scan3A_127 = arith.constant 0 : i32
        %scan3A_128 = arith.constant 8 : i32
        %scan3A_129 = arith.addi %scan3A_127, %scan3A_128 : i32
        %scan3A_130 = arith.constant 1 : i32
        %scan3A_131:2 = scf.for %scan3A_323 = %scan3A_127 to %scan3A_129 step %scan3A_130 iter_args(%scan3A_324 = %broadcast_in_dim3A_5, %scan3A_325 = %broadcast_in_dim3A_5) -> (vector<16xf32>, vector<16xf32>)  : i32 {
          %scan3A_326 = arith.constant 0 : i32
          %scan3A_327 = arith.constant 16 : i32
          %scan3A_328 = arith.addi %scan3A_326, %scan3A_327 : i32
          %scan3A_329 = arith.constant 1 : i32
          %scan3A_330:2 = scf.for %scan3A_443 = %scan3A_326 to %scan3A_328 step %scan3A_329 iter_args(%scan3A_444 = %broadcast_in_dim3A_5, %scan3A_445 = %broadcast_in_dim3A_5) -> (vector<16xf32>, vector<16xf32>)  : i32 {
            %mul3A_446 = arith.constant 16 : i32
            %mul3A_447 = arith.muli %scan3A_323, %mul3A_446 : i32
            %add3A_448 = arith.addi %mul3A_447, %scan3A_443 : i32
            %get3A_449 = arith.index_cast %add3A_448 : i32 to index
            %get3A_450 = arith.constant 0 : index
            %get3A_451 = tpu.vector_load %arg14[%get3A_449, %get3A_450] {strides = array<i32>} : memref<128x128xf32, #tpu.memory_space<vmem>>, vector<1x16xf32>,
            %get3A_452 = vector.shape_cast %get3A_451 : vector<1x16xf32> to vector<16xf32>
            %sub3A = arith.subf %get3A_66, %get3A_452 : vector<16xf32>
            %mul3A_453 = arith.mulf %sub3A, %sub3A : vector<16xf32>
            %add3A_454 = arith.addf %broadcast_in_dim3A_5, %mul3A_453 : vector<16xf32>
            %mul3A_455 = arith.mulf %sub3A, %get3A_98 : vector<16xf32>
            %add3A_456 = arith.addf %broadcast_in_dim3A_5, %mul3A_455 : vector<16xf32>
            %get3A_457 = arith.index_cast %add3A_448 : i32 to index
            %get3A_458 = arith.constant 16 : index
            %get3A_459 = tpu.vector_load %arg14[%get3A_457, %get3A_458] {strides = array<i32>} : memref<128x128xf32, #tpu.memory_space<vmem>>, vector<1x16xf32>,
            %get3A_460 = vector.shape_cast %get3A_459 : vector<1x16xf32> to vector<16xf32>
            %sub3A_461 = arith.subf %get3A_70, %get3A_460 : vector<16xf32>
            %mul3A_462 = arith.mulf %sub3A_461, %sub3A_461 : vector<16xf32>
            %add3A_463 = arith.addf %add3A_454, %mul3A_462 : vector<16xf32>
            %mul3A_464 = arith.mulf %sub3A_461, %get3A_102 : vector<16xf32>
            %add3A_465 = arith.addf %add3A_456, %mul3A_464 : vector<16xf32>
            %get3A_466 = arith.index_cast %add3A_448 : i32 to index
            %get3A_467 = arith.constant 32 : index
            %get3A_468 = tpu.vector_load %arg14[%get3A_466, %get3A_467] {strides = array<i32>} : memref<128x128xf32, #tpu.memory_space<vmem>>, vector<1x16xf32>,
            %get3A_469 = vector.shape_cast %get3A_468 : vector<1x16xf32> to vector<16xf32>
            %sub3A_470 = arith.subf %get3A_74, %get3A_469 : vector<16xf32>
            %mul3A_471 = arith.mulf %sub3A_470, %sub3A_470 : vector<16xf32>
            %add3A_472 = arith.addf %add3A_463, %mul3A_471 : vector<16xf32>
            %mul3A_473 = arith.mulf %sub3A_470, %get3A_106 : vector<16xf32>
            %add3A_474 = arith.addf %add3A_465, %mul3A_473 : vector<16xf32>
            %get3A_475 = arith.index_cast %add3A_448 : i32 to index
            %get3A_476 = arith.constant 48 : index
            %get3A_477 = tpu.vector_load %arg14[%get3A_475, %get3A_476] {strides = array<i32>} : memref<128x128xf32, #tpu.memory_space<vmem>>, vector<1x16xf32>,
            %get3A_478 = vector.shape_cast %get3A_477 : vector<1x16xf32> to vector<16xf32>
            %sub3A_479 = arith.subf %get3A_78, %get3A_478 : vector<16xf32>
            %mul3A_480 = arith.mulf %sub3A_479, %sub3A_479 : vector<16xf32>
            %add3A_481 = arith.addf %add3A_472, %mul3A_480 : vector<16xf32>
            %mul3A_482 = arith.mulf %sub3A_479, %get3A_110 : vector<16xf32>
            %add3A_483 = arith.addf %add3A_474, %mul3A_482 : vector<16xf32>
            %get3A_484 = arith.index_cast %add3A_448 : i32 to index
            %get3A_485 = arith.constant 64 : index
            %get3A_486 = tpu.vector_load %arg14[%get3A_484, %get3A_485] {strides = array<i32>} : memref<128x128xf32, #tpu.memory_space<vmem>>, vector<1x16xf32>,
            %get3A_487 = vector.shape_cast %get3A_486 : vector<1x16xf32> to vector<16xf32>
            %sub3A_488 = arith.subf %get3A_82, %get3A_487 : vector<16xf32>
            %mul3A_489 = arith.mulf %sub3A_488, %sub3A_488 : vector<16xf32>
            %add3A_490 = arith.addf %add3A_481, %mul3A_489 : vector<16xf32>
            %mul3A_491 = arith.mulf %sub3A_488, %get3A_114 : vector<16xf32>
            %add3A_492 = arith.addf %add3A_483, %mul3A_491 : vector<16xf32>
            %get3A_493 = arith.index_cast %add3A_448 : i32 to index
            %get3A_494 = arith.constant 80 : index
            %get3A_495 = tpu.vector_load %arg14[%get3A_493, %get3A_494] {strides = array<i32>} : memref<128x128xf32, #tpu.memory_space<vmem>>, vector<1x16xf32>,
            %get3A_496 = vector.shape_cast %get3A_495 : vector<1x16xf32> to vector<16xf32>
            %sub3A_497 = arith.subf %get3A_86, %get3A_496 : vector<16xf32>
            %mul3A_498 = arith.mulf %sub3A_497, %sub3A_497 : vector<16xf32>
            %add3A_499 = arith.addf %add3A_490, %mul3A_498 : vector<16xf32>
            %mul3A_500 = arith.mulf %sub3A_497, %get3A_118 : vector<16xf32>
            %add3A_501 = arith.addf %add3A_492, %mul3A_500 : vector<16xf32>
            %get3A_502 = arith.index_cast %add3A_448 : i32 to index
            %get3A_503 = arith.constant 96 : index
            %get3A_504 = tpu.vector_load %arg14[%get3A_502, %get3A_503] {strides = array<i32>} : memref<128x128xf32, #tpu.memory_space<vmem>>, vector<1x16xf32>,
            %get3A_505 = vector.shape_cast %get3A_504 : vector<1x16xf32> to vector<16xf32>
            %sub3A_506 = arith.subf %get3A_90, %get3A_505 : vector<16xf32>
            %mul3A_507 = arith.mulf %sub3A_506, %sub3A_506 : vector<16xf32>
            %add3A_508 = arith.addf %add3A_499, %mul3A_507 : vector<16xf32>
            %mul3A_509 = arith.mulf %sub3A_506, %get3A_122 : vector<16xf32>
            %add3A_510 = arith.addf %add3A_501, %mul3A_509 : vector<16xf32>
            %get3A_511 = arith.index_cast %add3A_448 : i32 to index
            %get3A_512 = arith.constant 112 : index
            %get3A_513 = tpu.vector_load %arg14[%get3A_511, %get3A_512] {strides = array<i32>} : memref<128x128xf32, #tpu.memory_space<vmem>>, vector<1x16xf32>,
            %get3A_514 = vector.shape_cast %get3A_513 : vector<1x16xf32> to vector<16xf32>
            %sub3A_515 = arith.subf %get3A_94, %get3A_514 : vector<16xf32>
            %mul3A_516 = arith.mulf %sub3A_515, %sub3A_515 : vector<16xf32>
            %add3A_517 = arith.addf %add3A_508, %mul3A_516 : vector<16xf32>
            %mul3A_518 = arith.mulf %sub3A_515, %get3A_126 : vector<16xf32>
            %add3A_519 = arith.addf %add3A_510, %mul3A_518 : vector<16xf32>
            %xor3A_520 = arith.constant 8 : i32
            %xor3A_521 = vector.broadcast %xor3A_520 : i32 to vector<16xi32>
            %xor3A_522 = arith.xori %iota3A, %xor3A_521 : vector<16xi32>
            %lt3A_523 = arith.constant 0 : i32
            %lt3A_524 = vector.broadcast %lt3A_523 : i32 to vector<16xi32>
            %lt3A_525 = arith.cmpi slt, %xor3A_522, %lt3A_524 : vector<16xi32>
            %add3A_526 = arith.constant 16 : i32
            %add3A_527 = vector.broadcast %add3A_526 : i32 to vector<16xi32>
            %add3A_528 = arith.addi %xor3A_522, %add3A_527 : vector<16xi32>
            %select_n3A_529 = arith.select %lt3A_525, %add3A_528, %xor3A_522 : vector<16xi1>, vector<16xi32>
            %broadcast_in_dim3A_530 = vector.shape_cast %select_n3A_529 : vector<16xi32> to vector<16x1xi32>
            %gather3A_531 = vector.shape_cast %broadcast_in_dim3A_530 : vector<16x1xi32> to vector<16xi32>
            %gather3A_532 = tpu.dynamic_gather %add3A_517[%gather3A_531] in [0] : vector<16xf32>, vector<16xi32> -> vector<16xf32>
            %add3A_533 = arith.addf %add3A_517, %gather3A_532 : vector<16xf32>
            %xor3A_534 = arith.constant 4 : i32
            %xor3A_535 = vector.broadcast %xor3A_534 : i32 to vector<16xi32>
            %xor3A_536 = arith.xori %iota3A, %xor3A_535 : vector<16xi32>
            %lt3A_537 = arith.constant 0 : i32
            %lt3A_538 = vector.broadcast %lt3A_537 : i32 to vector<16xi32>
            %lt3A_539 = arith.cmpi slt, %xor3A_536, %lt3A_538 : vector<16xi32>
            %add3A_540 = arith.constant 16 : i32
            %add3A_541 = vector.broadcast %add3A_540 : i32 to vector<16xi32>
            %add3A_542 = arith.addi %xor3A_536, %add3A_541 : vector<16xi32>
            %select_n3A_543 = arith.select %lt3A_539, %add3A_542, %xor3A_536 : vector<16xi1>, vector<16xi32>
            %broadcast_in_dim3A_544 = vector.shape_cast %select_n3A_543 : vector<16xi32> to vector<16x1xi32>
            %gather3A_545 = vector.shape_cast %broadcast_in_dim3A_544 : vector<16x1xi32> to vector<16xi32>
            %gather3A_546 = tpu.dynamic_gather %add3A_533[%gather3A_545] in [0] : vector<16xf32>, vector<16xi32> -> vector<16xf32>
            %add3A_547 = arith.addf %add3A_533, %gather3A_546 : vector<16xf32>
            %xor3A_548 = arith.constant 2 : i32
            %xor3A_549 = vector.broadcast %xor3A_548 : i32 to vector<16xi32>
            %xor3A_550 = arith.xori %iota3A, %xor3A_549 : vector<16xi32>
            %lt3A_551 = arith.constant 0 : i32
            %lt3A_552 = vector.broadcast %lt3A_551 : i32 to vector<16xi32>
            %lt3A_553 = arith.cmpi slt, %xor3A_550, %lt3A_552 : vector<16xi32>
            %add3A_554 = arith.constant 16 : i32
            %add3A_555 = vector.broadcast %add3A_554 : i32 to vector<16xi32>
            %add3A_556 = arith.addi %xor3A_550, %add3A_555 : vector<16xi32>
            %select_n3A_557 = arith.select %lt3A_553, %add3A_556, %xor3A_550 : vector<16xi1>, vector<16xi32>
            %broadcast_in_dim3A_558 = vector.shape_cast %select_n3A_557 : vector<16xi32> to vector<16x1xi32>
            %gather3A_559 = vector.shape_cast %broadcast_in_dim3A_558 : vector<16x1xi32> to vector<16xi32>
            %gather3A_560 = tpu.dynamic_gather %add3A_547[%gather3A_559] in [0] : vector<16xf32>, vector<16xi32> -> vector<16xf32>
            %add3A_561 = arith.addf %add3A_547, %gather3A_560 : vector<16xf32>
            %xor3A_562 = arith.constant 1 : i32
            %xor3A_563 = vector.broadcast %xor3A_562 : i32 to vector<16xi32>
            %xor3A_564 = arith.xori %iota3A, %xor3A_563 : vector<16xi32>
            %lt3A_565 = arith.constant 0 : i32
            %lt3A_566 = vector.broadcast %lt3A_565 : i32 to vector<16xi32>
            %lt3A_567 = arith.cmpi slt, %xor3A_564, %lt3A_566 : vector<16xi32>
            %add3A_568 = arith.constant 16 : i32
            %add3A_569 = vector.broadcast %add3A_568 : i32 to vector<16xi32>
            %add3A_570 = arith.addi %xor3A_564, %add3A_569 : vector<16xi32>
            %select_n3A_571 = arith.select %lt3A_567, %add3A_570, %xor3A_564 : vector<16xi1>, vector<16xi32>
            %broadcast_in_dim3A_572 = vector.shape_cast %select_n3A_571 : vector<16xi32> to vector<16x1xi32>
            %gather3A_573 = vector.shape_cast %broadcast_in_dim3A_572 : vector<16x1xi32> to vector<16xi32>
            %gather3A_574 = tpu.dynamic_gather %add3A_561[%gather3A_573] in [0] : vector<16xf32>, vector<16xi32> -> vector<16xf32>
            %add3A_575 = arith.addf %add3A_561, %gather3A_574 : vector<16xf32>
            %xor3A_576 = arith.constant 8 : i32
            %xor3A_577 = vector.broadcast %xor3A_576 : i32 to vector<16xi32>
            %xor3A_578 = arith.xori %iota3A, %xor3A_577 : vector<16xi32>
            %lt3A_579 = arith.constant 0 : i32
            %lt3A_580 = vector.broadcast %lt3A_579 : i32 to vector<16xi32>
            %lt3A_581 = arith.cmpi slt, %xor3A_578, %lt3A_580 : vector<16xi32>
            %add3A_582 = arith.constant 16 : i32
            %add3A_583 = vector.broadcast %add3A_582 : i32 to vector<16xi32>
            %add3A_584 = arith.addi %xor3A_578, %add3A_583 : vector<16xi32>
            %select_n3A_585 = arith.select %lt3A_581, %add3A_584, %xor3A_578 : vector<16xi1>, vector<16xi32>
            %broadcast_in_dim3A_586 = vector.shape_cast %select_n3A_585 : vector<16xi32> to vector<16x1xi32>
            %gather3A_587 = vector.shape_cast %broadcast_in_dim3A_586 : vector<16x1xi32> to vector<16xi32>
            %gather3A_588 = tpu.dynamic_gather %add3A_519[%gather3A_587] in [0] : vector<16xf32>, vector<16xi32> -> vector<16xf32>
            %add3A_589 = arith.addf %add3A_519, %gather3A_588 : vector<16xf32>
            %xor3A_590 = arith.constant 4 : i32
            %xor3A_591 = vector.broadcast %xor3A_590 : i32 to vector<16xi32>
            %xor3A_592 = arith.xori %iota3A, %xor3A_591 : vector<16xi32>
            %lt3A_593 = arith.constant 0 : i32
            %lt3A_594 = vector.broadcast %lt3A_593 : i32 to vector<16xi32>
            %lt3A_595 = arith.cmpi slt, %xor3A_592, %lt3A_594 : vector<16xi32>
            %add3A_596 = arith.constant 16 : i32
            %add3A_597 = vector.broadcast %add3A_596 : i32 to vector<16xi32>
            %add3A_598 = arith.addi %xor3A_592, %add3A_597 : vector<16xi32>
            %select_n3A_599 = arith.select %lt3A_595, %add3A_598, %xor3A_592 : vector<16xi1>, vector<16xi32>
            %broadcast_in_dim3A_600 = vector.shape_cast %select_n3A_599 : vector<16xi32> to vector<16x1xi32>
            %gather3A_601 = vector.shape_cast %broadcast_in_dim3A_600 : vector<16x1xi32> to vector<16xi32>
            %gather3A_602 = tpu.dynamic_gather %add3A_589[%gather3A_601] in [0] : vector<16xf32>, vector<16xi32> -> vector<16xf32>
            %add3A_603 = arith.addf %add3A_589, %gather3A_602 : vector<16xf32>
            %xor3A_604 = arith.constant 2 : i32
            %xor3A_605 = vector.broadcast %xor3A_604 : i32 to vector<16xi32>
            %xor3A_606 = arith.xori %iota3A, %xor3A_605 : vector<16xi32>
            %lt3A_607 = arith.constant 0 : i32
            %lt3A_608 = vector.broadcast %lt3A_607 : i32 to vector<16xi32>
            %lt3A_609 = arith.cmpi slt, %xor3A_606, %lt3A_608 : vector<16xi32>
            %add3A_610 = arith.constant 16 : i32
            %add3A_611 = vector.broadcast %add3A_610 : i32 to vector<16xi32>
            %add3A_612 = arith.addi %xor3A_606, %add3A_611 : vector<16xi32>
            %select_n3A_613 = arith.select %lt3A_609, %add3A_612, %xor3A_606 : vector<16xi1>, vector<16xi32>
            %broadcast_in_dim3A_614 = vector.shape_cast %select_n3A_613 : vector<16xi32> to vector<16x1xi32>
            %gather3A_615 = vector.shape_cast %broadcast_in_dim3A_614 : vector<16x1xi32> to vector<16xi32>
            %gather3A_616 = tpu.dynamic_gather %add3A_603[%gather3A_615] in [0] : vector<16xf32>, vector<16xi32> -> vector<16xf32>
            %add3A_617 = arith.addf %add3A_603, %gather3A_616 : vector<16xf32>
            %xor3A_618 = arith.constant 1 : i32
            %xor3A_619 = vector.broadcast %xor3A_618 : i32 to vector<16xi32>
            %xor3A_620 = arith.xori %iota3A, %xor3A_619 : vector<16xi32>
            %lt3A_621 = arith.constant 0 : i32
            %lt3A_622 = vector.broadcast %lt3A_621 : i32 to vector<16xi32>
            %lt3A_623 = arith.cmpi slt, %xor3A_620, %lt3A_622 : vector<16xi32>
            %add3A_624 = arith.constant 16 : i32
            %add3A_625 = vector.broadcast %add3A_624 : i32 to vector<16xi32>
            %add3A_626 = arith.addi %xor3A_620, %add3A_625 : vector<16xi32>
            %select_n3A_627 = arith.select %lt3A_623, %add3A_626, %xor3A_620 : vector<16xi1>, vector<16xi32>
            %broadcast_in_dim3A_628 = vector.shape_cast %select_n3A_627 : vector<16xi32> to vector<16x1xi32>
            %gather3A_629 = vector.shape_cast %broadcast_in_dim3A_628 : vector<16x1xi32> to vector<16xi32>
            %gather3A_630 = tpu.dynamic_gather %add3A_617[%gather3A_629] in [0] : vector<16xf32>, vector<16xi32> -> vector<16xf32>
            %add3A_631 = arith.addf %add3A_617, %gather3A_630 : vector<16xf32>
            %eq3A_632 = vector.broadcast %scan3A_443 : i32 to vector<16xi32>
            %eq3A_633 = arith.cmpi eq, %iota3A, %eq3A_632 : vector<16xi32>
            %select_n3A_634 = arith.select %eq3A_633, %add3A_575, %scan3A_444 : vector<16xi1>, vector<16xf32>
            %select_n3A_635 = arith.select %eq3A_633, %add3A_631, %scan3A_445 : vector<16xi1>, vector<16xf32>
            scf.yield %select_n3A_634, %select_n3A_635 : vector<16xf32>, vector<16xf32>
          }
          %scan3A_331 = arith.constant 16 : i32
          %broadcast_in_dim3A_332 = arith.constant 1.562500e-02 : f32
          %broadcast_in_dim3A_333 = vector.broadcast %broadcast_in_dim3A_332 : f32 to vector<16xf32>
          %ge3A = arith.constant 9.765625E-4 : f32
          %ge3A_334 = vector.broadcast %ge3A : f32 to vector<16xf32>
          %ge3A_335 = arith.cmpf oge, %scan3A_330#0, %ge3A_334 : vector<16xf32>
          %jit3A = arith.constant 3.125000e-02 : f32
          %broadcast_in_dim3A_336 = vector.broadcast %jit3A : f32 to vector<16xf32>
          %select_n3A_337 = arith.select %ge3A_335, %broadcast_in_dim3A_336, %broadcast_in_dim3A_333 : vector<16xi1>, vector<16xf32>
          %ge3A_338 = arith.constant 3.906250e-03 : f32
          %ge3A_339 = vector.broadcast %ge3A_338 : f32 to vector<16xf32>
          %ge3A_340 = arith.cmpf oge, %scan3A_330#0, %ge3A_339 : vector<16xf32>
          %jit3A_341 = arith.constant 6.250000e-02 : f32
          %broadcast_in_dim3A_342 = vector.broadcast %jit3A_341 : f32 to vector<16xf32>
          %select_n3A_343 = arith.select %ge3A_340, %broadcast_in_dim3A_342, %select_n3A_337 : vector<16xi1>, vector<16xf32>
          %ge3A_344 = arith.constant 1.562500e-02 : f32
          %ge3A_345 = vector.broadcast %ge3A_344 : f32 to vector<16xf32>
          %ge3A_346 = arith.cmpf oge, %scan3A_330#0, %ge3A_345 : vector<16xf32>
          %jit3A_347 = arith.constant 1.250000e-01 : f32
          %broadcast_in_dim3A_348 = vector.broadcast %jit3A_347 : f32 to vector<16xf32>
          %select_n3A_349 = arith.select %ge3A_346, %broadcast_in_dim3A_348, %select_n3A_343 : vector<16xi1>, vector<16xf32>
          %ge3A_350 = arith.constant 6.250000e-02 : f32
          %ge3A_351 = vector.broadcast %ge3A_350 : f32 to vector<16xf32>
          %ge3A_352 = arith.cmpf oge, %scan3A_330#0, %ge3A_351 : vector<16xf32>
          %jit3A_353 = arith.constant 2.500000e-01 : f32
          %broadcast_in_dim3A_354 = vector.broadcast %jit3A_353 : f32 to vector<16xf32>
          %select_n3A_355 = arith.select %ge3A_352, %broadcast_in_dim3A_354, %select_n3A_349 : vector<16xi1>, vector<16xf32>
          %ge3A_356 = arith.constant 2.500000e-01 : f32
          %ge3A_357 = vector.broadcast %ge3A_356 : f32 to vector<16xf32>
          %ge3A_358 = arith.cmpf oge, %scan3A_330#0, %ge3A_357 : vector<16xf32>
          %jit3A_359 = arith.constant 5.000000e-01 : f32
          %broadcast_in_dim3A_360 = vector.broadcast %jit3A_359 : f32 to vector<16xf32>
          %select_n3A_361 = arith.select %ge3A_358, %broadcast_in_dim3A_360, %select_n3A_355 : vector<16xi1>, vector<16xf32>
          %ge3A_362 = arith.constant 1.000000e+00 : f32
          %ge3A_363 = vector.broadcast %ge3A_362 : f32 to vector<16xf32>
          %ge3A_364 = arith.cmpf oge, %scan3A_330#0, %ge3A_363 : vector<16xf32>
          %jit3A_365 = arith.constant 1.000000e+00 : f32
          %broadcast_in_dim3A_366 = vector.broadcast %jit3A_365 : f32 to vector<16xf32>
          %select_n3A_367 = arith.select %ge3A_364, %broadcast_in_dim3A_366, %select_n3A_361 : vector<16xi1>, vector<16xf32>
          %ge3A_368 = arith.constant 4.000000e+00 : f32
          %ge3A_369 = vector.broadcast %ge3A_368 : f32 to vector<16xf32>
          %ge3A_370 = arith.cmpf oge, %scan3A_330#0, %ge3A_369 : vector<16xf32>
          %jit3A_371 = arith.constant 2.000000e+00 : f32
          %broadcast_in_dim3A_372 = vector.broadcast %jit3A_371 : f32 to vector<16xf32>
          %select_n3A_373 = arith.select %ge3A_370, %broadcast_in_dim3A_372, %select_n3A_367 : vector<16xi1>, vector<16xf32>
          %ge3A_374 = arith.constant 1.600000e+01 : f32
          %ge3A_375 = vector.broadcast %ge3A_374 : f32 to vector<16xf32>
          %ge3A_376 = arith.cmpf oge, %scan3A_330#0, %ge3A_375 : vector<16xf32>
          %jit3A_377 = arith.constant 4.000000e+00 : f32
          %broadcast_in_dim3A_378 = vector.broadcast %jit3A_377 : f32 to vector<16xf32>
          %select_n3A_379 = arith.select %ge3A_376, %broadcast_in_dim3A_378, %select_n3A_373 : vector<16xi1>, vector<16xf32>
          %ge3A_380 = arith.constant 6.400000e+01 : f32
          %ge3A_381 = vector.broadcast %ge3A_380 : f32 to vector<16xf32>
          %ge3A_382 = arith.cmpf oge, %scan3A_330#0, %ge3A_381 : vector<16xf32>
          %jit3A_383 = arith.constant 8.000000e+00 : f32
          %broadcast_in_dim3A_384 = vector.broadcast %jit3A_383 : f32 to vector<16xf32>
          %select_n3A_385 = arith.select %ge3A_382, %broadcast_in_dim3A_384, %select_n3A_379 : vector<16xi1>, vector<16xf32>
          %ge3A_386 = arith.constant 2.560000e+02 : f32
          %ge3A_387 = vector.broadcast %ge3A_386 : f32 to vector<16xf32>
          %ge3A_388 = arith.cmpf oge, %scan3A_330#0, %ge3A_387 : vector<16xf32>
          %jit3A_389 = arith.constant 1.600000e+01 : f32
          %broadcast_in_dim3A_390 = vector.broadcast %jit3A_389 : f32 to vector<16xf32>
          %select_n3A_391 = arith.select %ge3A_388, %broadcast_in_dim3A_390, %select_n3A_385 : vector<16xi1>, vector<16xf32>
          %ge3A_392 = arith.constant 1.024000e+03 : f32
          %ge3A_393 = vector.broadcast %ge3A_392 : f32 to vector<16xf32>
          %ge3A_394 = arith.cmpf oge, %scan3A_330#0, %ge3A_393 : vector<16xf32>
          %jit3A_395 = arith.constant 3.200000e+01 : f32
          %broadcast_in_dim3A_396 = vector.broadcast %jit3A_395 : f32 to vector<16xf32>
          %select_n3A_397 = arith.select %ge3A_394, %broadcast_in_dim3A_396, %select_n3A_391 : vector<16xi1>, vector<16xf32>
          %ge3A_398 = arith.constant 4.096000e+03 : f32
          %ge3A_399 = vector.broadcast %ge3A_398 : f32 to vector<16xf32>
          %ge3A_400 = arith.cmpf oge, %scan3A_330#0, %ge3A_399 : vector<16xf32>
          %jit3A_401 = arith.constant 6.400000e+01 : f32
          %broadcast_in_dim3A_402 = vector.broadcast %jit3A_401 : f32 to vector<16xf32>
          %select_n3A_403 = arith.select %ge3A_400, %broadcast_in_dim3A_402, %select_n3A_397 : vector<16xi1>, vector<16xf32>
          %div3A_404 = arith.divf %scan3A_330#0, %select_n3A_403 : vector<16xf32>
          %add3A_405 = arith.addf %select_n3A_403, %div3A_404 : vector<16xf32>
          %mul3A_406 = arith.constant 5.000000e-01 : f32
          %mul3A_407 = vector.broadcast %mul3A_406 : f32 to vector<16xf32>
          %mul3A_408 = arith.mulf %mul3A_407, %add3A_405 : vector<16xf32>
          %div3A_409 = arith.divf %scan3A_330#0, %mul3A_408 : vector<16xf32>
          %add3A_410 = arith.addf %mul3A_408, %div3A_409 : vector<16xf32>
          %mul3A_411 = arith.constant 5.000000e-01 : f32
          %mul3A_412 = vector.broadcast %mul3A_411 : f32 to vector<16xf32>
          %mul3A_413 = arith.mulf %mul3A_412, %add3A_410 : vector<16xf32>
          %div3A_414 = arith.divf %scan3A_330#0, %mul3A_413 : vector<16xf32>
          %add3A_415 = arith.addf %mul3A_413, %div3A_414 : vector<16xf32>
          %mul3A_416 = arith.constant 5.000000e-01 : f32
          %mul3A_417 = vector.broadcast %mul3A_416 : f32 to vector<16xf32>
          %mul3A_418 = arith.mulf %mul3A_417, %add3A_415 : vector<16xf32>
          %div3A_419 = arith.divf %scan3A_330#0, %mul3A_418 : vector<16xf32>
          %add3A_420 = arith.addf %mul3A_418, %div3A_419 : vector<16xf32>
          %mul3A_421 = arith.constant 5.000000e-01 : f32
          %mul3A_422 = vector.broadcast %mul3A_421 : f32 to vector<16xf32>
          %mul3A_423 = arith.mulf %mul3A_422, %add3A_420 : vector<16xf32>
          %gt3A = arith.constant 0.000000e+00 : f32
          %gt3A_424 = vector.broadcast %gt3A : f32 to vector<16xf32>
          %gt3A_425 = arith.cmpf ogt, %scan3A_330#0, %gt3A_424 : vector<16xf32>
          %jit3A_426 = arith.constant 0.000000e+00 : f32
          %broadcast_in_dim3A_427 = vector.broadcast %jit3A_426 : f32 to vector<16xf32>
          %select_n3A_428 = arith.select %gt3A_425, %mul3A_423, %broadcast_in_dim3A_427 : vector<16xi1>, vector<16xf32>
          %neg3A_429 = arith.constant 0.000000e+00 : f32
          %neg3A_430 = vector.broadcast %neg3A_429 : f32 to vector<16xf32>
          %neg3A_431 = arith.subf %neg3A_430, %select_n3A_428 : vector<16xf32>
          %exp3A_432 = math.exp %neg3A_431 : vector<16xf32>
          %mul3A_433 = arith.constant 16 : i32
          %mul3A_434 = arith.muli %scan3A_323, %mul3A_433 : i32
          %get3A_435 = arith.index_cast %mul3A_434 : i32 to index
          %get3A_436 = tpu.vector_load %arg16[%get3A_435] {strides = array<i32>} : memref<128xf32, #tpu.memory_space<vmem>>, vector<16xf32>,
          %get3A_437 = vector.shape_cast %get3A_436 : vector<16xf32> to vector<16xf32>
          %mul3A_438 = arith.mulf %get3A_4, %get3A_437 : vector<16xf32>
          %add3A_439 = arith.addf %scan3A_330#1, %mul3A_438 : vector<16xf32>
          %add3A_440 = arith.addf %scan3A_324, %exp3A_432 : vector<16xf32>
          %mul3A_441 = arith.mulf %add3A_439, %exp3A_432 : vector<16xf32>
          %add3A_442 = arith.addf %scan3A_325, %mul3A_441 : vector<16xf32>
          scf.yield %add3A_440, %add3A_442 : vector<16xf32>, vector<16xf32>
        }
        %scan3A_132 = arith.constant 8 : i32
        %mul3A_133 = arith.constant 2 : i32
        %mul3A_134 = arith.muli %scan3A_56, %mul3A_133 : i32
        %add3A_135 = arith.constant 1 : i32
        %add3A_136 = arith.addi %mul3A_134, %add3A_135 : i32
        %run_scoped3A_137 = arith.constant 1 : i32
        "tpu.region"() ({
          %run_scoped3A_323 = tpu.sem_alloc : memref<!tpu.dma_semaphore, #tpu.memory_space<semaphore_mem>>
          %dma_start3A = arith.constant 0 : i32
          %dma_start3A_324 = tpu.memref_slice %arg2[%add3A_45, %scan3A_56, %run_scoped3A_137, %dma_start3A] : memref<1024x4x2x128xi32, #tpu.memory_space<hbm>> -> memref<1x1x1x128xi32, #tpu.memory_space<hbm>>
          %dma_start3A_325 = tpu.memref_squeeze %dma_start3A_324 : memref<1x1x1x128xi32, #tpu.memory_space<hbm>> -> memref<128xi32, #tpu.memory_space<hbm>>
          %dma_start3A_326 = arith.constant 0 : i32
          %dma_start3A_327 = tpu.memref_slice %arg2[%add3A_45, %scan3A_56, %run_scoped3A_137, %dma_start3A_326] : memref<1024x4x2x128xi32, #tpu.memory_space<hbm>> -> memref<1x1x1x128xi32, #tpu.memory_space<hbm>>
          %dma_start3A_328 = tpu.memref_squeeze %dma_start3A_327 : memref<1x1x1x128xi32, #tpu.memory_space<hbm>> -> memref<128xi32, #tpu.memory_space<hbm>>
          tpu.enqueue_dma source(%dma_start3A_328 : memref<128xi32, #tpu.memory_space<hbm>>) target(%arg13 : memref<128xi32, #tpu.memory_space<vmem>>) target_semaphore(%run_scoped3A_323 : memref<!tpu.dma_semaphore, #tpu.memory_space<semaphore_mem>>)
          %dma_wait3A = arith.constant 0 : i32
          %dma_wait3A_329 = tpu.memref_slice %arg2[%add3A_45, %scan3A_56, %run_scoped3A_137, %dma_wait3A] : memref<1024x4x2x128xi32, #tpu.memory_space<hbm>> -> memref<1x1x1x128xi32, #tpu.memory_space<hbm>>
          %dma_wait3A_330 = tpu.memref_squeeze %dma_wait3A_329 : memref<1x1x1x128xi32, #tpu.memory_space<hbm>> -> memref<128xi32, #tpu.memory_space<hbm>>
          %dma_wait3A_331 = arith.constant 0 : i32
          %dma_wait3A_332 = tpu.memref_slice %arg2[%add3A_45, %scan3A_56, %run_scoped3A_137, %dma_wait3A_331] : memref<1024x4x2x128xi32, #tpu.memory_space<hbm>> -> memref<1x1x1x128xi32, #tpu.memory_space<hbm>>
          %dma_wait3A_333 = tpu.memref_squeeze %dma_wait3A_332 : memref<1x1x1x128xi32, #tpu.memory_space<hbm>> -> memref<128xi32, #tpu.memory_space<hbm>>
          tpu.wait_dma2 semaphore(%run_scoped3A_323 : memref<!tpu.dma_semaphore, #tpu.memory_space<semaphore_mem>>) src(%dma_wait3A_333 : memref<128xi32, #tpu.memory_space<hbm>>) dst(%arg13 : memref<128xi32, #tpu.memory_space<vmem>>)
          tpu.yield
        }) : () -> ()
        "tpu.region"() ({
          %run_scoped3A_323 = tpu.sem_alloc : memref<!tpu.dma_semaphore, #tpu.memory_space<semaphore_mem>>
          %dma_start3A = arith.constant 0 : i32
          %dma_start3A_324 = arith.constant 0 : i32
          %dma_start3A_325 = tpu.memref_slice %arg6[%dma_start3A, %dma_start3A_324] : memref<40000x128xf32, #tpu.memory_space<hbm>> -> memref<40000x128xf32, #tpu.memory_space<hbm>>
          tpu.enqueue_indirect_dma source(%dma_start3A_325 : memref<40000x128xf32, #tpu.memory_space<hbm>>) target(%arg14 : memref<128x128xf32, #tpu.memory_space<vmem>>) offsets(%arg13 : memref<128xi32, #tpu.memory_space<vmem>>) semaphore(%run_scoped3A_323 : memref<!tpu.dma_semaphore, #tpu.memory_space<semaphore_mem>>)
          %dma_wait3A = arith.constant 0 : i32
          %dma_wait3A_326 = arith.constant 0 : i32
          %dma_wait3A_327 = tpu.memref_slice %arg6[%dma_wait3A, %dma_wait3A_326] : memref<40000x128xf32, #tpu.memory_space<hbm>> -> memref<40000x128xf32, #tpu.memory_space<hbm>>
          tpu.wait_indirect_dma semaphore(%run_scoped3A_323 : memref<!tpu.dma_semaphore, #tpu.memory_space<semaphore_mem>>) src(%dma_wait3A_327 : memref<40000x128xf32, #tpu.memory_space<hbm>>) dst(%arg14 : memref<128x128xf32, #tpu.memory_space<vmem>>)
          tpu.yield
        }) : () -> ()
        %run_scoped3A_138 = arith.constant 1 : i32
        "tpu.region"() ({
          %run_scoped3A_323 = tpu.sem_alloc : memref<!tpu.dma_semaphore, #tpu.memory_space<semaphore_mem>>
          %dma_start3A = arith.constant 0 : i32
          %dma_start3A_324 = tpu.memref_slice %arg3[%add3A_45, %scan3A_56, %run_scoped3A_138, %dma_start3A] : memref<1024x4x2x128xi32, #tpu.memory_space<hbm>> -> memref<1x1x1x128xi32, #tpu.memory_space<hbm>>
          %dma_start3A_325 = tpu.memref_squeeze %dma_start3A_324 : memref<1x1x1x128xi32, #tpu.memory_space<hbm>> -> memref<128xi32, #tpu.memory_space<hbm>>
          %dma_start3A_326 = arith.constant 0 : i32
          %dma_start3A_327 = tpu.memref_slice %arg3[%add3A_45, %scan3A_56, %run_scoped3A_138, %dma_start3A_326] : memref<1024x4x2x128xi32, #tpu.memory_space<hbm>> -> memref<1x1x1x128xi32, #tpu.memory_space<hbm>>
          %dma_start3A_328 = tpu.memref_squeeze %dma_start3A_327 : memref<1x1x1x128xi32, #tpu.memory_space<hbm>> -> memref<128xi32, #tpu.memory_space<hbm>>
          tpu.enqueue_dma source(%dma_start3A_328 : memref<128xi32, #tpu.memory_space<hbm>>) target(%arg15 : memref<128xi32, #tpu.memory_space<vmem>>) target_semaphore(%run_scoped3A_323 : memref<!tpu.dma_semaphore, #tpu.memory_space<semaphore_mem>>)
          %dma_wait3A = arith.constant 0 : i32
          %dma_wait3A_329 = tpu.memref_slice %arg3[%add3A_45, %scan3A_56, %run_scoped3A_138, %dma_wait3A] : memref<1024x4x2x128xi32, #tpu.memory_space<hbm>> -> memref<1x1x1x128xi32, #tpu.memory_space<hbm>>
          %dma_wait3A_330 = tpu.memref_squeeze %dma_wait3A_329 : memref<1x1x1x128xi32, #tpu.memory_space<hbm>> -> memref<128xi32, #tpu.memory_space<hbm>>
          %dma_wait3A_331 = arith.constant 0 : i32
          %dma_wait3A_332 = tpu.memref_slice %arg3[%add3A_45, %scan3A_56, %run_scoped3A_138, %dma_wait3A_331] : memref<1024x4x2x128xi32, #tpu.memory_space<hbm>> -> memref<1x1x1x128xi32, #tpu.memory_space<hbm>>
          %dma_wait3A_333 = tpu.memref_squeeze %dma_wait3A_332 : memref<1x1x1x128xi32, #tpu.memory_space<hbm>> -> memref<128xi32, #tpu.memory_space<hbm>>
          tpu.wait_dma2 semaphore(%run_scoped3A_323 : memref<!tpu.dma_semaphore, #tpu.memory_space<semaphore_mem>>) src(%dma_wait3A_333 : memref<128xi32, #tpu.memory_space<hbm>>) dst(%arg15 : memref<128xi32, #tpu.memory_space<vmem>>)
          tpu.yield
        }) : () -> ()
        "tpu.region"() ({
          %run_scoped3A_323 = tpu.sem_alloc : memref<!tpu.dma_semaphore, #tpu.memory_space<semaphore_mem>>
          %dma_start3A = arith.constant 0 : i32
          %dma_start3A_324 = tpu.memref_slice %arg8[%dma_start3A] : memref<100000000xf32, #tpu.memory_space<hbm>> -> memref<100000000xf32, #tpu.memory_space<hbm>>
          tpu.enqueue_indirect_dma source(%dma_start3A_324 : memref<100000000xf32, #tpu.memory_space<hbm>>) target(%arg16 : memref<128xf32, #tpu.memory_space<vmem>>) offsets(%arg15 : memref<128xi32, #tpu.memory_space<vmem>>) semaphore(%run_scoped3A_323 : memref<!tpu.dma_semaphore, #tpu.memory_space<semaphore_mem>>)
          %dma_wait3A = arith.constant 0 : i32
          %dma_wait3A_325 = tpu.memref_slice %arg8[%dma_wait3A] : memref<100000000xf32, #tpu.memory_space<hbm>> -> memref<100000000xf32, #tpu.memory_space<hbm>>
          tpu.wait_indirect_dma semaphore(%run_scoped3A_323 : memref<!tpu.dma_semaphore, #tpu.memory_space<semaphore_mem>>) src(%dma_wait3A_325 : memref<100000000xf32, #tpu.memory_space<hbm>>) dst(%arg16 : memref<128xf32, #tpu.memory_space<vmem>>)
          tpu.yield
        }) : () -> ()
        %get3A_139 = arith.index_cast %add3A_136 : i32 to index
        %get3A_140 = arith.constant 0 : index
        %get3A_141 = tpu.vector_load %arg11[%get3A_139, %get3A_140] {strides = array<i32>} : memref<8x128xf32, #tpu.memory_space<vmem>>, vector<1x16xf32>,
        %get3A_142 = vector.shape_cast %get3A_141 : vector<1x16xf32> to vector<16xf32>
        %get3A_143 = arith.index_cast %add3A_136 : i32 to index
        %get3A_144 = arith.constant 16 : index
        %get3A_145 = tpu.vector_load %arg11[%get3A_143, %get3A_144] {strides = array<i32>} : memref<8x128xf32, #tpu.memory_space<vmem>>, vector<1x16xf32>,
        %get3A_146 = vector.shape_cast %get3A_145 : vector<1x16xf32> to vector<16xf32>
        %get3A_147 = arith.index_cast %add3A_136 : i32 to index
        %get3A_148 = arith.constant 32 : index
        %get3A_149 = tpu.vector_load %arg11[%get3A_147, %get3A_148] {strides = array<i32>} : memref<8x128xf32, #tpu.memory_space<vmem>>, vector<1x16xf32>,
        %get3A_150 = vector.shape_cast %get3A_149 : vector<1x16xf32> to vector<16xf32>
        %get3A_151 = arith.index_cast %add3A_136 : i32 to index
        %get3A_152 = arith.constant 48 : index
        %get3A_153 = tpu.vector_load %arg11[%get3A_151, %get3A_152] {strides = array<i32>} : memref<8x128xf32, #tpu.memory_space<vmem>>, vector<1x16xf32>,
        %get3A_154 = vector.shape_cast %get3A_153 : vector<1x16xf32> to vector<16xf32>
        %get3A_155 = arith.index_cast %add3A_136 : i32 to index
        %get3A_156 = arith.constant 64 : index
        %get3A_157 = tpu.vector_load %arg11[%get3A_155, %get3A_156] {strides = array<i32>} : memref<8x128xf32, #tpu.memory_space<vmem>>, vector<1x16xf32>,
        %get3A_158 = vector.shape_cast %get3A_157 : vector<1x16xf32> to vector<16xf32>
        %get3A_159 = arith.index_cast %add3A_136 : i32 to index
        %get3A_160 = arith.constant 80 : index
        %get3A_161 = tpu.vector_load %arg11[%get3A_159, %get3A_160] {strides = array<i32>} : memref<8x128xf32, #tpu.memory_space<vmem>>, vector<1x16xf32>,
        %get3A_162 = vector.shape_cast %get3A_161 : vector<1x16xf32> to vector<16xf32>
        %get3A_163 = arith.index_cast %add3A_136 : i32 to index
        %get3A_164 = arith.constant 96 : index
        %get3A_165 = tpu.vector_load %arg11[%get3A_163, %get3A_164] {strides = array<i32>} : memref<8x128xf32, #tpu.memory_space<vmem>>, vector<1x16xf32>,
        %get3A_166 = vector.shape_cast %get3A_165 : vector<1x16xf32> to vector<16xf32>
        %get3A_167 = arith.index_cast %add3A_136 : i32 to index
        %get3A_168 = arith.constant 112 : index
        %get3A_169 = tpu.vector_load %arg11[%get3A_167, %get3A_168] {strides = array<i32>} : memref<8x128xf32, #tpu.memory_space<vmem>>, vector<1x16xf32>,
        %get3A_170 = vector.shape_cast %get3A_169 : vector<1x16xf32> to vector<16xf32>
        %get3A_171 = arith.index_cast %add3A_136 : i32 to index
        %get3A_172 = arith.constant 0 : index
        %get3A_173 = tpu.vector_load %arg12[%get3A_171, %get3A_172] {strides = array<i32>} : memref<8x128xf32, #tpu.memory_space<vmem>>, vector<1x16xf32>,
        %get3A_174 = vector.shape_cast %get3A_173 : vector<1x16xf32> to vector<16xf32>
        %get3A_175 = arith.index_cast %add3A_136 : i32 to index
        %get3A_176 = arith.constant 16 : index
        %get3A_177 = tpu.vector_load %arg12[%get3A_175, %get3A_176] {strides = array<i32>} : memref<8x128xf32, #tpu.memory_space<vmem>>, vector<1x16xf32>,
        %get3A_178 = vector.shape_cast %get3A_177 : vector<1x16xf32> to vector<16xf32>
        %get3A_179 = arith.index_cast %add3A_136 : i32 to index
        %get3A_180 = arith.constant 32 : index
        %get3A_181 = tpu.vector_load %arg12[%get3A_179, %get3A_180] {strides = array<i32>} : memref<8x128xf32, #tpu.memory_space<vmem>>, vector<1x16xf32>,
        %get3A_182 = vector.shape_cast %get3A_181 : vector<1x16xf32> to vector<16xf32>
        %get3A_183 = arith.index_cast %add3A_136 : i32 to index
        %get3A_184 = arith.constant 48 : index
        %get3A_185 = tpu.vector_load %arg12[%get3A_183, %get3A_184] {strides = array<i32>} : memref<8x128xf32, #tpu.memory_space<vmem>>, vector<1x16xf32>,
        %get3A_186 = vector.shape_cast %get3A_185 : vector<1x16xf32> to vector<16xf32>
        %get3A_187 = arith.index_cast %add3A_136 : i32 to index
        %get3A_188 = arith.constant 64 : index
        %get3A_189 = tpu.vector_load %arg12[%get3A_187, %get3A_188] {strides = array<i32>} : memref<8x128xf32, #tpu.memory_space<vmem>>, vector<1x16xf32>,
        %get3A_190 = vector.shape_cast %get3A_189 : vector<1x16xf32> to vector<16xf32>
        %get3A_191 = arith.index_cast %add3A_136 : i32 to index
        %get3A_192 = arith.constant 80 : index
        %get3A_193 = tpu.vector_load %arg12[%get3A_191, %get3A_192] {strides = array<i32>} : memref<8x128xf32, #tpu.memory_space<vmem>>, vector<1x16xf32>,
        %get3A_194 = vector.shape_cast %get3A_193 : vector<1x16xf32> to vector<16xf32>
        %get3A_195 = arith.index_cast %add3A_136 : i32 to index
        %get3A_196 = arith.constant 96 : index
        %get3A_197 = tpu.vector_load %arg12[%get3A_195, %get3A_196] {strides = array<i32>} : memref<8x128xf32, #tpu.memory_space<vmem>>, vector<1x16xf32>,
        %get3A_198 = vector.shape_cast %get3A_197 : vector<1x16xf32> to vector<16xf32>
        %get3A_199 = arith.index_cast %add3A_136 : i32 to index
        %get3A_200 = arith.constant 112 : index
        %get3A_201 = tpu.vector_load %arg12[%get3A_199, %get3A_200] {strides = array<i32>} : memref<8x128xf32, #tpu.memory_space<vmem>>, vector<1x16xf32>,
        %get3A_202 = vector.shape_cast %get3A_201 : vector<1x16xf32> to vector<16xf32>
        %scan3A_203 = arith.constant 0 : i32
        %scan3A_204 = arith.constant 8 : i32
        %scan3A_205 = arith.addi %scan3A_203, %scan3A_204 : i32
        %scan3A_206 = arith.constant 1 : i32
        %scan3A_207:2 = scf.for %scan3A_323 = %scan3A_203 to %scan3A_205 step %scan3A_206 iter_args(%scan3A_324 = %scan3A_131#0, %scan3A_325 = %scan3A_131#1) -> (vector<16xf32>, vector<16xf32>)  : i32 {
          %scan3A_326 = arith.constant 0 : i32
          %scan3A_327 = arith.constant 16 : i32
          %scan3A_328 = arith.addi %scan3A_326, %scan3A_327 : i32
          %scan3A_329 = arith.constant 1 : i32
          %scan3A_330:2 = scf.for %scan3A_443 = %scan3A_326 to %scan3A_328 step %scan3A_329 iter_args(%scan3A_444 = %broadcast_in_dim3A_5, %scan3A_445 = %broadcast_in_dim3A_5) -> (vector<16xf32>, vector<16xf32>)  : i32 {
            %mul3A_446 = arith.constant 16 : i32
            %mul3A_447 = arith.muli %scan3A_323, %mul3A_446 : i32
            %add3A_448 = arith.addi %mul3A_447, %scan3A_443 : i32
            %get3A_449 = arith.index_cast %add3A_448 : i32 to index
            %get3A_450 = arith.constant 0 : index
            %get3A_451 = tpu.vector_load %arg14[%get3A_449, %get3A_450] {strides = array<i32>} : memref<128x128xf32, #tpu.memory_space<vmem>>, vector<1x16xf32>,
            %get3A_452 = vector.shape_cast %get3A_451 : vector<1x16xf32> to vector<16xf32>
            %sub3A = arith.subf %get3A_142, %get3A_452 : vector<16xf32>
            %mul3A_453 = arith.mulf %sub3A, %sub3A : vector<16xf32>
            %add3A_454 = arith.addf %broadcast_in_dim3A_5, %mul3A_453 : vector<16xf32>
            %mul3A_455 = arith.mulf %sub3A, %get3A_174 : vector<16xf32>
            %add3A_456 = arith.addf %broadcast_in_dim3A_5, %mul3A_455 : vector<16xf32>
            %get3A_457 = arith.index_cast %add3A_448 : i32 to index
            %get3A_458 = arith.constant 16 : index
            %get3A_459 = tpu.vector_load %arg14[%get3A_457, %get3A_458] {strides = array<i32>} : memref<128x128xf32, #tpu.memory_space<vmem>>, vector<1x16xf32>,
            %get3A_460 = vector.shape_cast %get3A_459 : vector<1x16xf32> to vector<16xf32>
            %sub3A_461 = arith.subf %get3A_146, %get3A_460 : vector<16xf32>
            %mul3A_462 = arith.mulf %sub3A_461, %sub3A_461 : vector<16xf32>
            %add3A_463 = arith.addf %add3A_454, %mul3A_462 : vector<16xf32>
            %mul3A_464 = arith.mulf %sub3A_461, %get3A_178 : vector<16xf32>
            %add3A_465 = arith.addf %add3A_456, %mul3A_464 : vector<16xf32>
            %get3A_466 = arith.index_cast %add3A_448 : i32 to index
            %get3A_467 = arith.constant 32 : index
            %get3A_468 = tpu.vector_load %arg14[%get3A_466, %get3A_467] {strides = array<i32>} : memref<128x128xf32, #tpu.memory_space<vmem>>, vector<1x16xf32>,
            %get3A_469 = vector.shape_cast %get3A_468 : vector<1x16xf32> to vector<16xf32>
            %sub3A_470 = arith.subf %get3A_150, %get3A_469 : vector<16xf32>
            %mul3A_471 = arith.mulf %sub3A_470, %sub3A_470 : vector<16xf32>
            %add3A_472 = arith.addf %add3A_463, %mul3A_471 : vector<16xf32>
            %mul3A_473 = arith.mulf %sub3A_470, %get3A_182 : vector<16xf32>
            %add3A_474 = arith.addf %add3A_465, %mul3A_473 : vector<16xf32>
            %get3A_475 = arith.index_cast %add3A_448 : i32 to index
            %get3A_476 = arith.constant 48 : index
            %get3A_477 = tpu.vector_load %arg14[%get3A_475, %get3A_476] {strides = array<i32>} : memref<128x128xf32, #tpu.memory_space<vmem>>, vector<1x16xf32>,
            %get3A_478 = vector.shape_cast %get3A_477 : vector<1x16xf32> to vector<16xf32>
            %sub3A_479 = arith.subf %get3A_154, %get3A_478 : vector<16xf32>
            %mul3A_480 = arith.mulf %sub3A_479, %sub3A_479 : vector<16xf32>
            %add3A_481 = arith.addf %add3A_472, %mul3A_480 : vector<16xf32>
            %mul3A_482 = arith.mulf %sub3A_479, %get3A_186 : vector<16xf32>
            %add3A_483 = arith.addf %add3A_474, %mul3A_482 : vector<16xf32>
            %get3A_484 = arith.index_cast %add3A_448 : i32 to index
            %get3A_485 = arith.constant 64 : index
            %get3A_486 = tpu.vector_load %arg14[%get3A_484, %get3A_485] {strides = array<i32>} : memref<128x128xf32, #tpu.memory_space<vmem>>, vector<1x16xf32>,
            %get3A_487 = vector.shape_cast %get3A_486 : vector<1x16xf32> to vector<16xf32>
            %sub3A_488 = arith.subf %get3A_158, %get3A_487 : vector<16xf32>
            %mul3A_489 = arith.mulf %sub3A_488, %sub3A_488 : vector<16xf32>
            %add3A_490 = arith.addf %add3A_481, %mul3A_489 : vector<16xf32>
            %mul3A_491 = arith.mulf %sub3A_488, %get3A_190 : vector<16xf32>
            %add3A_492 = arith.addf %add3A_483, %mul3A_491 : vector<16xf32>
            %get3A_493 = arith.index_cast %add3A_448 : i32 to index
            %get3A_494 = arith.constant 80 : index
            %get3A_495 = tpu.vector_load %arg14[%get3A_493, %get3A_494] {strides = array<i32>} : memref<128x128xf32, #tpu.memory_space<vmem>>, vector<1x16xf32>,
            %get3A_496 = vector.shape_cast %get3A_495 : vector<1x16xf32> to vector<16xf32>
            %sub3A_497 = arith.subf %get3A_162, %get3A_496 : vector<16xf32>
            %mul3A_498 = arith.mulf %sub3A_497, %sub3A_497 : vector<16xf32>
            %add3A_499 = arith.addf %add3A_490, %mul3A_498 : vector<16xf32>
            %mul3A_500 = arith.mulf %sub3A_497, %get3A_194 : vector<16xf32>
            %add3A_501 = arith.addf %add3A_492, %mul3A_500 : vector<16xf32>
            %get3A_502 = arith.index_cast %add3A_448 : i32 to index
            %get3A_503 = arith.constant 96 : index
            %get3A_504 = tpu.vector_load %arg14[%get3A_502, %get3A_503] {strides = array<i32>} : memref<128x128xf32, #tpu.memory_space<vmem>>, vector<1x16xf32>,
            %get3A_505 = vector.shape_cast %get3A_504 : vector<1x16xf32> to vector<16xf32>
            %sub3A_506 = arith.subf %get3A_166, %get3A_505 : vector<16xf32>
            %mul3A_507 = arith.mulf %sub3A_506, %sub3A_506 : vector<16xf32>
            %add3A_508 = arith.addf %add3A_499, %mul3A_507 : vector<16xf32>
            %mul3A_509 = arith.mulf %sub3A_506, %get3A_198 : vector<16xf32>
            %add3A_510 = arith.addf %add3A_501, %mul3A_509 : vector<16xf32>
            %get3A_511 = arith.index_cast %add3A_448 : i32 to index
            %get3A_512 = arith.constant 112 : index
            %get3A_513 = tpu.vector_load %arg14[%get3A_511, %get3A_512] {strides = array<i32>} : memref<128x128xf32, #tpu.memory_space<vmem>>, vector<1x16xf32>,
            %get3A_514 = vector.shape_cast %get3A_513 : vector<1x16xf32> to vector<16xf32>
            %sub3A_515 = arith.subf %get3A_170, %get3A_514 : vector<16xf32>
            %mul3A_516 = arith.mulf %sub3A_515, %sub3A_515 : vector<16xf32>
            %add3A_517 = arith.addf %add3A_508, %mul3A_516 : vector<16xf32>
            %mul3A_518 = arith.mulf %sub3A_515, %get3A_202 : vector<16xf32>
            %add3A_519 = arith.addf %add3A_510, %mul3A_518 : vector<16xf32>
            %xor3A_520 = arith.constant 8 : i32
            %xor3A_521 = vector.broadcast %xor3A_520 : i32 to vector<16xi32>
            %xor3A_522 = arith.xori %iota3A, %xor3A_521 : vector<16xi32>
            %lt3A_523 = arith.constant 0 : i32
            %lt3A_524 = vector.broadcast %lt3A_523 : i32 to vector<16xi32>
            %lt3A_525 = arith.cmpi slt, %xor3A_522, %lt3A_524 : vector<16xi32>
            %add3A_526 = arith.constant 16 : i32
            %add3A_527 = vector.broadcast %add3A_526 : i32 to vector<16xi32>
            %add3A_528 = arith.addi %xor3A_522, %add3A_527 : vector<16xi32>
            %select_n3A_529 = arith.select %lt3A_525, %add3A_528, %xor3A_522 : vector<16xi1>, vector<16xi32>
            %broadcast_in_dim3A_530 = vector.shape_cast %select_n3A_529 : vector<16xi32> to vector<16x1xi32>
            %gather3A_531 = vector.shape_cast %broadcast_in_dim3A_530 : vector<16x1xi32> to vector<16xi32>
            %gather3A_532 = tpu.dynamic_gather %add3A_517[%gather3A_531] in [0] : vector<16xf32>, vector<16xi32> -> vector<16xf32>
            %add3A_533 = arith.addf %add3A_517, %gather3A_532 : vector<16xf32>
            %xor3A_534 = arith.constant 4 : i32
            %xor3A_535 = vector.broadcast %xor3A_534 : i32 to vector<16xi32>
            %xor3A_536 = arith.xori %iota3A, %xor3A_535 : vector<16xi32>
            %lt3A_537 = arith.constant 0 : i32
            %lt3A_538 = vector.broadcast %lt3A_537 : i32 to vector<16xi32>
            %lt3A_539 = arith.cmpi slt, %xor3A_536, %lt3A_538 : vector<16xi32>
            %add3A_540 = arith.constant 16 : i32
            %add3A_541 = vector.broadcast %add3A_540 : i32 to vector<16xi32>
            %add3A_542 = arith.addi %xor3A_536, %add3A_541 : vector<16xi32>
            %select_n3A_543 = arith.select %lt3A_539, %add3A_542, %xor3A_536 : vector<16xi1>, vector<16xi32>
            %broadcast_in_dim3A_544 = vector.shape_cast %select_n3A_543 : vector<16xi32> to vector<16x1xi32>
            %gather3A_545 = vector.shape_cast %broadcast_in_dim3A_544 : vector<16x1xi32> to vector<16xi32>
            %gather3A_546 = tpu.dynamic_gather %add3A_533[%gather3A_545] in [0] : vector<16xf32>, vector<16xi32> -> vector<16xf32>
            %add3A_547 = arith.addf %add3A_533, %gather3A_546 : vector<16xf32>
            %xor3A_548 = arith.constant 2 : i32
            %xor3A_549 = vector.broadcast %xor3A_548 : i32 to vector<16xi32>
            %xor3A_550 = arith.xori %iota3A, %xor3A_549 : vector<16xi32>
            %lt3A_551 = arith.constant 0 : i32
            %lt3A_552 = vector.broadcast %lt3A_551 : i32 to vector<16xi32>
            %lt3A_553 = arith.cmpi slt, %xor3A_550, %lt3A_552 : vector<16xi32>
            %add3A_554 = arith.constant 16 : i32
            %add3A_555 = vector.broadcast %add3A_554 : i32 to vector<16xi32>
            %add3A_556 = arith.addi %xor3A_550, %add3A_555 : vector<16xi32>
            %select_n3A_557 = arith.select %lt3A_553, %add3A_556, %xor3A_550 : vector<16xi1>, vector<16xi32>
            %broadcast_in_dim3A_558 = vector.shape_cast %select_n3A_557 : vector<16xi32> to vector<16x1xi32>
            %gather3A_559 = vector.shape_cast %broadcast_in_dim3A_558 : vector<16x1xi32> to vector<16xi32>
            %gather3A_560 = tpu.dynamic_gather %add3A_547[%gather3A_559] in [0] : vector<16xf32>, vector<16xi32> -> vector<16xf32>
            %add3A_561 = arith.addf %add3A_547, %gather3A_560 : vector<16xf32>
            %xor3A_562 = arith.constant 1 : i32
            %xor3A_563 = vector.broadcast %xor3A_562 : i32 to vector<16xi32>
            %xor3A_564 = arith.xori %iota3A, %xor3A_563 : vector<16xi32>
            %lt3A_565 = arith.constant 0 : i32
            %lt3A_566 = vector.broadcast %lt3A_565 : i32 to vector<16xi32>
            %lt3A_567 = arith.cmpi slt, %xor3A_564, %lt3A_566 : vector<16xi32>
            %add3A_568 = arith.constant 16 : i32
            %add3A_569 = vector.broadcast %add3A_568 : i32 to vector<16xi32>
            %add3A_570 = arith.addi %xor3A_564, %add3A_569 : vector<16xi32>
            %select_n3A_571 = arith.select %lt3A_567, %add3A_570, %xor3A_564 : vector<16xi1>, vector<16xi32>
            %broadcast_in_dim3A_572 = vector.shape_cast %select_n3A_571 : vector<16xi32> to vector<16x1xi32>
            %gather3A_573 = vector.shape_cast %broadcast_in_dim3A_572 : vector<16x1xi32> to vector<16xi32>
            %gather3A_574 = tpu.dynamic_gather %add3A_561[%gather3A_573] in [0] : vector<16xf32>, vector<16xi32> -> vector<16xf32>
            %add3A_575 = arith.addf %add3A_561, %gather3A_574 : vector<16xf32>
            %xor3A_576 = arith.constant 8 : i32
            %xor3A_577 = vector.broadcast %xor3A_576 : i32 to vector<16xi32>
            %xor3A_578 = arith.xori %iota3A, %xor3A_577 : vector<16xi32>
            %lt3A_579 = arith.constant 0 : i32
            %lt3A_580 = vector.broadcast %lt3A_579 : i32 to vector<16xi32>
            %lt3A_581 = arith.cmpi slt, %xor3A_578, %lt3A_580 : vector<16xi32>
            %add3A_582 = arith.constant 16 : i32
            %add3A_583 = vector.broadcast %add3A_582 : i32 to vector<16xi32>
            %add3A_584 = arith.addi %xor3A_578, %add3A_583 : vector<16xi32>
            %select_n3A_585 = arith.select %lt3A_581, %add3A_584, %xor3A_578 : vector<16xi1>, vector<16xi32>
            %broadcast_in_dim3A_586 = vector.shape_cast %select_n3A_585 : vector<16xi32> to vector<16x1xi32>
            %gather3A_587 = vector.shape_cast %broadcast_in_dim3A_586 : vector<16x1xi32> to vector<16xi32>
            %gather3A_588 = tpu.dynamic_gather %add3A_519[%gather3A_587] in [0] : vector<16xf32>, vector<16xi32> -> vector<16xf32>
            %add3A_589 = arith.addf %add3A_519, %gather3A_588 : vector<16xf32>
            %xor3A_590 = arith.constant 4 : i32
            %xor3A_591 = vector.broadcast %xor3A_590 : i32 to vector<16xi32>
            %xor3A_592 = arith.xori %iota3A, %xor3A_591 : vector<16xi32>
            %lt3A_593 = arith.constant 0 : i32
            %lt3A_594 = vector.broadcast %lt3A_593 : i32 to vector<16xi32>
            %lt3A_595 = arith.cmpi slt, %xor3A_592, %lt3A_594 : vector<16xi32>
            %add3A_596 = arith.constant 16 : i32
            %add3A_597 = vector.broadcast %add3A_596 : i32 to vector<16xi32>
            %add3A_598 = arith.addi %xor3A_592, %add3A_597 : vector<16xi32>
            %select_n3A_599 = arith.select %lt3A_595, %add3A_598, %xor3A_592 : vector<16xi1>, vector<16xi32>
            %broadcast_in_dim3A_600 = vector.shape_cast %select_n3A_599 : vector<16xi32> to vector<16x1xi32>
            %gather3A_601 = vector.shape_cast %broadcast_in_dim3A_600 : vector<16x1xi32> to vector<16xi32>
            %gather3A_602 = tpu.dynamic_gather %add3A_589[%gather3A_601] in [0] : vector<16xf32>, vector<16xi32> -> vector<16xf32>
            %add3A_603 = arith.addf %add3A_589, %gather3A_602 : vector<16xf32>
            %xor3A_604 = arith.constant 2 : i32
            %xor3A_605 = vector.broadcast %xor3A_604 : i32 to vector<16xi32>
            %xor3A_606 = arith.xori %iota3A, %xor3A_605 : vector<16xi32>
            %lt3A_607 = arith.constant 0 : i32
            %lt3A_608 = vector.broadcast %lt3A_607 : i32 to vector<16xi32>
            %lt3A_609 = arith.cmpi slt, %xor3A_606, %lt3A_608 : vector<16xi32>
            %add3A_610 = arith.constant 16 : i32
            %add3A_611 = vector.broadcast %add3A_610 : i32 to vector<16xi32>
            %add3A_612 = arith.addi %xor3A_606, %add3A_611 : vector<16xi32>
            %select_n3A_613 = arith.select %lt3A_609, %add3A_612, %xor3A_606 : vector<16xi1>, vector<16xi32>
            %broadcast_in_dim3A_614 = vector.shape_cast %select_n3A_613 : vector<16xi32> to vector<16x1xi32>
            %gather3A_615 = vector.shape_cast %broadcast_in_dim3A_614 : vector<16x1xi32> to vector<16xi32>
            %gather3A_616 = tpu.dynamic_gather %add3A_603[%gather3A_615] in [0] : vector<16xf32>, vector<16xi32> -> vector<16xf32>
            %add3A_617 = arith.addf %add3A_603, %gather3A_616 : vector<16xf32>
            %xor3A_618 = arith.constant 1 : i32
            %xor3A_619 = vector.broadcast %xor3A_618 : i32 to vector<16xi32>
            %xor3A_620 = arith.xori %iota3A, %xor3A_619 : vector<16xi32>
            %lt3A_621 = arith.constant 0 : i32
            %lt3A_622 = vector.broadcast %lt3A_621 : i32 to vector<16xi32>
            %lt3A_623 = arith.cmpi slt, %xor3A_620, %lt3A_622 : vector<16xi32>
            %add3A_624 = arith.constant 16 : i32
            %add3A_625 = vector.broadcast %add3A_624 : i32 to vector<16xi32>
            %add3A_626 = arith.addi %xor3A_620, %add3A_625 : vector<16xi32>
            %select_n3A_627 = arith.select %lt3A_623, %add3A_626, %xor3A_620 : vector<16xi1>, vector<16xi32>
            %broadcast_in_dim3A_628 = vector.shape_cast %select_n3A_627 : vector<16xi32> to vector<16x1xi32>
            %gather3A_629 = vector.shape_cast %broadcast_in_dim3A_628 : vector<16x1xi32> to vector<16xi32>
            %gather3A_630 = tpu.dynamic_gather %add3A_617[%gather3A_629] in [0] : vector<16xf32>, vector<16xi32> -> vector<16xf32>
            %add3A_631 = arith.addf %add3A_617, %gather3A_630 : vector<16xf32>
            %eq3A_632 = vector.broadcast %scan3A_443 : i32 to vector<16xi32>
            %eq3A_633 = arith.cmpi eq, %iota3A, %eq3A_632 : vector<16xi32>
            %select_n3A_634 = arith.select %eq3A_633, %add3A_575, %scan3A_444 : vector<16xi1>, vector<16xf32>
            %select_n3A_635 = arith.select %eq3A_633, %add3A_631, %scan3A_445 : vector<16xi1>, vector<16xf32>
            scf.yield %select_n3A_634, %select_n3A_635 : vector<16xf32>, vector<16xf32>
          }
          %scan3A_331 = arith.constant 16 : i32
          %broadcast_in_dim3A_332 = arith.constant 1.562500e-02 : f32
          %broadcast_in_dim3A_333 = vector.broadcast %broadcast_in_dim3A_332 : f32 to vector<16xf32>
          %ge3A = arith.constant 9.765625E-4 : f32
          %ge3A_334 = vector.broadcast %ge3A : f32 to vector<16xf32>
          %ge3A_335 = arith.cmpf oge, %scan3A_330#0, %ge3A_334 : vector<16xf32>
          %jit3A = arith.constant 3.125000e-02 : f32
          %broadcast_in_dim3A_336 = vector.broadcast %jit3A : f32 to vector<16xf32>
          %select_n3A_337 = arith.select %ge3A_335, %broadcast_in_dim3A_336, %broadcast_in_dim3A_333 : vector<16xi1>, vector<16xf32>
          %ge3A_338 = arith.constant 3.906250e-03 : f32
          %ge3A_339 = vector.broadcast %ge3A_338 : f32 to vector<16xf32>
          %ge3A_340 = arith.cmpf oge, %scan3A_330#0, %ge3A_339 : vector<16xf32>
          %jit3A_341 = arith.constant 6.250000e-02 : f32
          %broadcast_in_dim3A_342 = vector.broadcast %jit3A_341 : f32 to vector<16xf32>
          %select_n3A_343 = arith.select %ge3A_340, %broadcast_in_dim3A_342, %select_n3A_337 : vector<16xi1>, vector<16xf32>
          %ge3A_344 = arith.constant 1.562500e-02 : f32
          %ge3A_345 = vector.broadcast %ge3A_344 : f32 to vector<16xf32>
          %ge3A_346 = arith.cmpf oge, %scan3A_330#0, %ge3A_345 : vector<16xf32>
          %jit3A_347 = arith.constant 1.250000e-01 : f32
          %broadcast_in_dim3A_348 = vector.broadcast %jit3A_347 : f32 to vector<16xf32>
          %select_n3A_349 = arith.select %ge3A_346, %broadcast_in_dim3A_348, %select_n3A_343 : vector<16xi1>, vector<16xf32>
          %ge3A_350 = arith.constant 6.250000e-02 : f32
          %ge3A_351 = vector.broadcast %ge3A_350 : f32 to vector<16xf32>
          %ge3A_352 = arith.cmpf oge, %scan3A_330#0, %ge3A_351 : vector<16xf32>
          %jit3A_353 = arith.constant 2.500000e-01 : f32
          %broadcast_in_dim3A_354 = vector.broadcast %jit3A_353 : f32 to vector<16xf32>
          %select_n3A_355 = arith.select %ge3A_352, %broadcast_in_dim3A_354, %select_n3A_349 : vector<16xi1>, vector<16xf32>
          %ge3A_356 = arith.constant 2.500000e-01 : f32
          %ge3A_357 = vector.broadcast %ge3A_356 : f32 to vector<16xf32>
          %ge3A_358 = arith.cmpf oge, %scan3A_330#0, %ge3A_357 : vector<16xf32>
          %jit3A_359 = arith.constant 5.000000e-01 : f32
          %broadcast_in_dim3A_360 = vector.broadcast %jit3A_359 : f32 to vector<16xf32>
          %select_n3A_361 = arith.select %ge3A_358, %broadcast_in_dim3A_360, %select_n3A_355 : vector<16xi1>, vector<16xf32>
          %ge3A_362 = arith.constant 1.000000e+00 : f32
          %ge3A_363 = vector.broadcast %ge3A_362 : f32 to vector<16xf32>
          %ge3A_364 = arith.cmpf oge, %scan3A_330#0, %ge3A_363 : vector<16xf32>
          %jit3A_365 = arith.constant 1.000000e+00 : f32
          %broadcast_in_dim3A_366 = vector.broadcast %jit3A_365 : f32 to vector<16xf32>
          %select_n3A_367 = arith.select %ge3A_364, %broadcast_in_dim3A_366, %select_n3A_361 : vector<16xi1>, vector<16xf32>
          %ge3A_368 = arith.constant 4.000000e+00 : f32
          %ge3A_369 = vector.broadcast %ge3A_368 : f32 to vector<16xf32>
          %ge3A_370 = arith.cmpf oge, %scan3A_330#0, %ge3A_369 : vector<16xf32>
          %jit3A_371 = arith.constant 2.000000e+00 : f32
          %broadcast_in_dim3A_372 = vector.broadcast %jit3A_371 : f32 to vector<16xf32>
          %select_n3A_373 = arith.select %ge3A_370, %broadcast_in_dim3A_372, %select_n3A_367 : vector<16xi1>, vector<16xf32>
          %ge3A_374 = arith.constant 1.600000e+01 : f32
          %ge3A_375 = vector.broadcast %ge3A_374 : f32 to vector<16xf32>
          %ge3A_376 = arith.cmpf oge, %scan3A_330#0, %ge3A_375 : vector<16xf32>
          %jit3A_377 = arith.constant 4.000000e+00 : f32
          %broadcast_in_dim3A_378 = vector.broadcast %jit3A_377 : f32 to vector<16xf32>
          %select_n3A_379 = arith.select %ge3A_376, %broadcast_in_dim3A_378, %select_n3A_373 : vector<16xi1>, vector<16xf32>
          %ge3A_380 = arith.constant 6.400000e+01 : f32
          %ge3A_381 = vector.broadcast %ge3A_380 : f32 to vector<16xf32>
          %ge3A_382 = arith.cmpf oge, %scan3A_330#0, %ge3A_381 : vector<16xf32>
          %jit3A_383 = arith.constant 8.000000e+00 : f32
          %broadcast_in_dim3A_384 = vector.broadcast %jit3A_383 : f32 to vector<16xf32>
          %select_n3A_385 = arith.select %ge3A_382, %broadcast_in_dim3A_384, %select_n3A_379 : vector<16xi1>, vector<16xf32>
          %ge3A_386 = arith.constant 2.560000e+02 : f32
          %ge3A_387 = vector.broadcast %ge3A_386 : f32 to vector<16xf32>
          %ge3A_388 = arith.cmpf oge, %scan3A_330#0, %ge3A_387 : vector<16xf32>
          %jit3A_389 = arith.constant 1.600000e+01 : f32
          %broadcast_in_dim3A_390 = vector.broadcast %jit3A_389 : f32 to vector<16xf32>
          %select_n3A_391 = arith.select %ge3A_388, %broadcast_in_dim3A_390, %select_n3A_385 : vector<16xi1>, vector<16xf32>
          %ge3A_392 = arith.constant 1.024000e+03 : f32
          %ge3A_393 = vector.broadcast %ge3A_392 : f32 to vector<16xf32>
          %ge3A_394 = arith.cmpf oge, %scan3A_330#0, %ge3A_393 : vector<16xf32>
          %jit3A_395 = arith.constant 3.200000e+01 : f32
          %broadcast_in_dim3A_396 = vector.broadcast %jit3A_395 : f32 to vector<16xf32>
          %select_n3A_397 = arith.select %ge3A_394, %broadcast_in_dim3A_396, %select_n3A_391 : vector<16xi1>, vector<16xf32>
          %ge3A_398 = arith.constant 4.096000e+03 : f32
          %ge3A_399 = vector.broadcast %ge3A_398 : f32 to vector<16xf32>
          %ge3A_400 = arith.cmpf oge, %scan3A_330#0, %ge3A_399 : vector<16xf32>
          %jit3A_401 = arith.constant 6.400000e+01 : f32
          %broadcast_in_dim3A_402 = vector.broadcast %jit3A_401 : f32 to vector<16xf32>
          %select_n3A_403 = arith.select %ge3A_400, %broadcast_in_dim3A_402, %select_n3A_397 : vector<16xi1>, vector<16xf32>
          %div3A_404 = arith.divf %scan3A_330#0, %select_n3A_403 : vector<16xf32>
          %add3A_405 = arith.addf %select_n3A_403, %div3A_404 : vector<16xf32>
          %mul3A_406 = arith.constant 5.000000e-01 : f32
          %mul3A_407 = vector.broadcast %mul3A_406 : f32 to vector<16xf32>
          %mul3A_408 = arith.mulf %mul3A_407, %add3A_405 : vector<16xf32>
          %div3A_409 = arith.divf %scan3A_330#0, %mul3A_408 : vector<16xf32>
          %add3A_410 = arith.addf %mul3A_408, %div3A_409 : vector<16xf32>
          %mul3A_411 = arith.constant 5.000000e-01 : f32
          %mul3A_412 = vector.broadcast %mul3A_411 : f32 to vector<16xf32>
          %mul3A_413 = arith.mulf %mul3A_412, %add3A_410 : vector<16xf32>
          %div3A_414 = arith.divf %scan3A_330#0, %mul3A_413 : vector<16xf32>
          %add3A_415 = arith.addf %mul3A_413, %div3A_414 : vector<16xf32>
          %mul3A_416 = arith.constant 5.000000e-01 : f32
          %mul3A_417 = vector.broadcast %mul3A_416 : f32 to vector<16xf32>
          %mul3A_418 = arith.mulf %mul3A_417, %add3A_415 : vector<16xf32>
          %div3A_419 = arith.divf %scan3A_330#0, %mul3A_418 : vector<16xf32>
          %add3A_420 = arith.addf %mul3A_418, %div3A_419 : vector<16xf32>
          %mul3A_421 = arith.constant 5.000000e-01 : f32
          %mul3A_422 = vector.broadcast %mul3A_421 : f32 to vector<16xf32>
          %mul3A_423 = arith.mulf %mul3A_422, %add3A_420 : vector<16xf32>
          %gt3A = arith.constant 0.000000e+00 : f32
          %gt3A_424 = vector.broadcast %gt3A : f32 to vector<16xf32>
          %gt3A_425 = arith.cmpf ogt, %scan3A_330#0, %gt3A_424 : vector<16xf32>
          %jit3A_426 = arith.constant 0.000000e+00 : f32
          %broadcast_in_dim3A_427 = vector.broadcast %jit3A_426 : f32 to vector<16xf32>
          %select_n3A_428 = arith.select %gt3A_425, %mul3A_423, %broadcast_in_dim3A_427 : vector<16xi1>, vector<16xf32>
          %neg3A_429 = arith.constant 0.000000e+00 : f32
          %neg3A_430 = vector.broadcast %neg3A_429 : f32 to vector<16xf32>
          %neg3A_431 = arith.subf %neg3A_430, %select_n3A_428 : vector<16xf32>
          %exp3A_432 = math.exp %neg3A_431 : vector<16xf32>
          %mul3A_433 = arith.constant 16 : i32
          %mul3A_434 = arith.muli %scan3A_323, %mul3A_433 : i32
          %get3A_435 = arith.index_cast %mul3A_434 : i32 to index
          %get3A_436 = tpu.vector_load %arg16[%get3A_435] {strides = array<i32>} : memref<128xf32, #tpu.memory_space<vmem>>, vector<16xf32>,
          %get3A_437 = vector.shape_cast %get3A_436 : vector<16xf32> to vector<16xf32>
          %mul3A_438 = arith.mulf %get3A_4, %get3A_437 : vector<16xf32>
          %add3A_439 = arith.addf %scan3A_330#1, %mul3A_438 : vector<16xf32>
          %add3A_440 = arith.addf %scan3A_324, %exp3A_432 : vector<16xf32>
          %mul3A_441 = arith.mulf %add3A_439, %exp3A_432 : vector<16xf32>
          %add3A_442 = arith.addf %scan3A_325, %mul3A_441 : vector<16xf32>
          scf.yield %add3A_440, %add3A_442 : vector<16xf32>, vector<16xf32>
        }
        %scan3A_208 = arith.constant 8 : i32
        %xor3A = arith.constant 8 : i32
        %xor3A_209 = vector.broadcast %xor3A : i32 to vector<16xi32>
        %xor3A_210 = arith.xori %iota3A, %xor3A_209 : vector<16xi32>
        %lt3A = arith.constant 0 : i32
        %lt3A_211 = vector.broadcast %lt3A : i32 to vector<16xi32>
        %lt3A_212 = arith.cmpi slt, %xor3A_210, %lt3A_211 : vector<16xi32>
        %add3A_213 = arith.constant 16 : i32
        %add3A_214 = vector.broadcast %add3A_213 : i32 to vector<16xi32>
        %add3A_215 = arith.addi %xor3A_210, %add3A_214 : vector<16xi32>
        %select_n3A_216 = arith.select %lt3A_212, %add3A_215, %xor3A_210 : vector<16xi1>, vector<16xi32>
        %broadcast_in_dim3A_217 = vector.shape_cast %select_n3A_216 : vector<16xi32> to vector<16x1xi32>
        %gather3A = vector.shape_cast %broadcast_in_dim3A_217 : vector<16x1xi32> to vector<16xi32>
        %gather3A_218 = tpu.dynamic_gather %scan3A_207#0[%gather3A] in [0] : vector<16xf32>, vector<16xi32> -> vector<16xf32>
        %add3A_219 = arith.addf %scan3A_207#0, %gather3A_218 : vector<16xf32>
        %xor3A_220 = arith.constant 4 : i32
        %xor3A_221 = vector.broadcast %xor3A_220 : i32 to vector<16xi32>
        %xor3A_222 = arith.xori %iota3A, %xor3A_221 : vector<16xi32>
        %lt3A_223 = arith.constant 0 : i32
        %lt3A_224 = vector.broadcast %lt3A_223 : i32 to vector<16xi32>
        %lt3A_225 = arith.cmpi slt, %xor3A_222, %lt3A_224 : vector<16xi32>
        %add3A_226 = arith.constant 16 : i32
        %add3A_227 = vector.broadcast %add3A_226 : i32 to vector<16xi32>
        %add3A_228 = arith.addi %xor3A_222, %add3A_227 : vector<16xi32>
        %select_n3A_229 = arith.select %lt3A_225, %add3A_228, %xor3A_222 : vector<16xi1>, vector<16xi32>
        %broadcast_in_dim3A_230 = vector.shape_cast %select_n3A_229 : vector<16xi32> to vector<16x1xi32>
        %gather3A_231 = vector.shape_cast %broadcast_in_dim3A_230 : vector<16x1xi32> to vector<16xi32>
        %gather3A_232 = tpu.dynamic_gather %add3A_219[%gather3A_231] in [0] : vector<16xf32>, vector<16xi32> -> vector<16xf32>
        %add3A_233 = arith.addf %add3A_219, %gather3A_232 : vector<16xf32>
        %xor3A_234 = arith.constant 2 : i32
        %xor3A_235 = vector.broadcast %xor3A_234 : i32 to vector<16xi32>
        %xor3A_236 = arith.xori %iota3A, %xor3A_235 : vector<16xi32>
        %lt3A_237 = arith.constant 0 : i32
        %lt3A_238 = vector.broadcast %lt3A_237 : i32 to vector<16xi32>
        %lt3A_239 = arith.cmpi slt, %xor3A_236, %lt3A_238 : vector<16xi32>
        %add3A_240 = arith.constant 16 : i32
        %add3A_241 = vector.broadcast %add3A_240 : i32 to vector<16xi32>
        %add3A_242 = arith.addi %xor3A_236, %add3A_241 : vector<16xi32>
        %select_n3A_243 = arith.select %lt3A_239, %add3A_242, %xor3A_236 : vector<16xi1>, vector<16xi32>
        %broadcast_in_dim3A_244 = vector.shape_cast %select_n3A_243 : vector<16xi32> to vector<16x1xi32>
        %gather3A_245 = vector.shape_cast %broadcast_in_dim3A_244 : vector<16x1xi32> to vector<16xi32>
        %gather3A_246 = tpu.dynamic_gather %add3A_233[%gather3A_245] in [0] : vector<16xf32>, vector<16xi32> -> vector<16xf32>
        %add3A_247 = arith.addf %add3A_233, %gather3A_246 : vector<16xf32>
        %xor3A_248 = arith.constant 1 : i32
        %xor3A_249 = vector.broadcast %xor3A_248 : i32 to vector<16xi32>
        %xor3A_250 = arith.xori %iota3A, %xor3A_249 : vector<16xi32>
        %lt3A_251 = arith.constant 0 : i32
        %lt3A_252 = vector.broadcast %lt3A_251 : i32 to vector<16xi32>
        %lt3A_253 = arith.cmpi slt, %xor3A_250, %lt3A_252 : vector<16xi32>
        %add3A_254 = arith.constant 16 : i32
        %add3A_255 = vector.broadcast %add3A_254 : i32 to vector<16xi32>
        %add3A_256 = arith.addi %xor3A_250, %add3A_255 : vector<16xi32>
        %select_n3A_257 = arith.select %lt3A_253, %add3A_256, %xor3A_250 : vector<16xi1>, vector<16xi32>
        %broadcast_in_dim3A_258 = vector.shape_cast %select_n3A_257 : vector<16xi32> to vector<16x1xi32>
        %gather3A_259 = vector.shape_cast %broadcast_in_dim3A_258 : vector<16x1xi32> to vector<16xi32>
        %gather3A_260 = tpu.dynamic_gather %add3A_247[%gather3A_259] in [0] : vector<16xf32>, vector<16xi32> -> vector<16xf32>
        %add3A_261 = arith.addf %add3A_247, %gather3A_260 : vector<16xf32>
        %add3A_262 = arith.constant 2.9430356 : f32
        %add3A_263 = vector.broadcast %add3A_262 : f32 to vector<16xf32>
        %add3A_264 = arith.addf %add3A_261, %add3A_263 : vector<16xf32>
        %xor3A_265 = arith.constant 8 : i32
        %xor3A_266 = vector.broadcast %xor3A_265 : i32 to vector<16xi32>
        %xor3A_267 = arith.xori %iota3A, %xor3A_266 : vector<16xi32>
        %lt3A_268 = arith.constant 0 : i32
        %lt3A_269 = vector.broadcast %lt3A_268 : i32 to vector<16xi32>
        %lt3A_270 = arith.cmpi slt, %xor3A_267, %lt3A_269 : vector<16xi32>
        %add3A_271 = arith.constant 16 : i32
        %add3A_272 = vector.broadcast %add3A_271 : i32 to vector<16xi32>
        %add3A_273 = arith.addi %xor3A_267, %add3A_272 : vector<16xi32>
        %select_n3A_274 = arith.select %lt3A_270, %add3A_273, %xor3A_267 : vector<16xi1>, vector<16xi32>
        %broadcast_in_dim3A_275 = vector.shape_cast %select_n3A_274 : vector<16xi32> to vector<16x1xi32>
        %gather3A_276 = vector.shape_cast %broadcast_in_dim3A_275 : vector<16x1xi32> to vector<16xi32>
        %gather3A_277 = tpu.dynamic_gather %scan3A_207#1[%gather3A_276] in [0] : vector<16xf32>, vector<16xi32> -> vector<16xf32>
        %add3A_278 = arith.addf %scan3A_207#1, %gather3A_277 : vector<16xf32>
        %xor3A_279 = arith.constant 4 : i32
        %xor3A_280 = vector.broadcast %xor3A_279 : i32 to vector<16xi32>
        %xor3A_281 = arith.xori %iota3A, %xor3A_280 : vector<16xi32>
        %lt3A_282 = arith.constant 0 : i32
        %lt3A_283 = vector.broadcast %lt3A_282 : i32 to vector<16xi32>
        %lt3A_284 = arith.cmpi slt, %xor3A_281, %lt3A_283 : vector<16xi32>
        %add3A_285 = arith.constant 16 : i32
        %add3A_286 = vector.broadcast %add3A_285 : i32 to vector<16xi32>
        %add3A_287 = arith.addi %xor3A_281, %add3A_286 : vector<16xi32>
        %select_n3A_288 = arith.select %lt3A_284, %add3A_287, %xor3A_281 : vector<16xi1>, vector<16xi32>
        %broadcast_in_dim3A_289 = vector.shape_cast %select_n3A_288 : vector<16xi32> to vector<16x1xi32>
        %gather3A_290 = vector.shape_cast %broadcast_in_dim3A_289 : vector<16x1xi32> to vector<16xi32>
        %gather3A_291 = tpu.dynamic_gather %add3A_278[%gather3A_290] in [0] : vector<16xf32>, vector<16xi32> -> vector<16xf32>
        %add3A_292 = arith.addf %add3A_278, %gather3A_291 : vector<16xf32>
        %xor3A_293 = arith.constant 2 : i32
        %xor3A_294 = vector.broadcast %xor3A_293 : i32 to vector<16xi32>
        %xor3A_295 = arith.xori %iota3A, %xor3A_294 : vector<16xi32>
        %lt3A_296 = arith.constant 0 : i32
        %lt3A_297 = vector.broadcast %lt3A_296 : i32 to vector<16xi32>
        %lt3A_298 = arith.cmpi slt, %xor3A_295, %lt3A_297 : vector<16xi32>
        %add3A_299 = arith.constant 16 : i32
        %add3A_300 = vector.broadcast %add3A_299 : i32 to vector<16xi32>
        %add3A_301 = arith.addi %xor3A_295, %add3A_300 : vector<16xi32>
        %select_n3A_302 = arith.select %lt3A_298, %add3A_301, %xor3A_295 : vector<16xi1>, vector<16xi32>
        %broadcast_in_dim3A_303 = vector.shape_cast %select_n3A_302 : vector<16xi32> to vector<16x1xi32>
        %gather3A_304 = vector.shape_cast %broadcast_in_dim3A_303 : vector<16x1xi32> to vector<16xi32>
        %gather3A_305 = tpu.dynamic_gather %add3A_292[%gather3A_304] in [0] : vector<16xf32>, vector<16xi32> -> vector<16xf32>
        %add3A_306 = arith.addf %add3A_292, %gather3A_305 : vector<16xf32>
        %xor3A_307 = arith.constant 1 : i32
        %xor3A_308 = vector.broadcast %xor3A_307 : i32 to vector<16xi32>
        %xor3A_309 = arith.xori %iota3A, %xor3A_308 : vector<16xi32>
        %lt3A_310 = arith.constant 0 : i32
        %lt3A_311 = vector.broadcast %lt3A_310 : i32 to vector<16xi32>
        %lt3A_312 = arith.cmpi slt, %xor3A_309, %lt3A_311 : vector<16xi32>
        %add3A_313 = arith.constant 16 : i32
        %add3A_314 = vector.broadcast %add3A_313 : i32 to vector<16xi32>
        %add3A_315 = arith.addi %xor3A_309, %add3A_314 : vector<16xi32>
        %select_n3A_316 = arith.select %lt3A_312, %add3A_315, %xor3A_309 : vector<16xi1>, vector<16xi32>
        %broadcast_in_dim3A_317 = vector.shape_cast %select_n3A_316 : vector<16xi32> to vector<16x1xi32>
        %gather3A_318 = vector.shape_cast %broadcast_in_dim3A_317 : vector<16x1xi32> to vector<16xi32>
        %gather3A_319 = tpu.dynamic_gather %add3A_306[%gather3A_318] in [0] : vector<16xf32>, vector<16xi32> -> vector<16xf32>
        %add3A_320 = arith.addf %add3A_306, %gather3A_319 : vector<16xf32>
        %div3A_321 = arith.divf %add3A_320, %add3A_264 : vector<16xf32>
        %add3A_322 = arith.addf %scan3A_57, %div3A_321 : vector<16xf32>
        scf.yield %add3A_322 : vector<16xf32>
      }
      %scan3A_51 = arith.constant 4 : i32
      %mul3A_52 = arith.constant 2.500000e-01 : f32
      %mul3A_53 = vector.broadcast %mul3A_52 : f32 to vector<16xf32>
      %mul3A_54 = arith.mulf %scan3A_50, %mul3A_53 : vector<16xf32>
      %eq3A = vector.broadcast %scan3A_41 : i32 to vector<16xi32>
      %eq3A_55 = arith.cmpi eq, %iota3A, %eq3A : vector<16xi32>
      %select_n3A = arith.select %eq3A_55, %mul3A_54, %scan3A_42 : vector<16xi1>, vector<16xf32>
      scf.yield %select_n3A : vector<16xf32>
    }
    %scan3A_26 = arith.constant 16 : i32
    %neg3A_27 = arith.constant 0.000000e+00 : f32
    %neg3A_28 = vector.broadcast %neg3A_27 : f32 to vector<16xf32>
    %neg3A_29 = arith.subf %neg3A_28, %scan3A_25 : vector<16xf32>
    %exp3A_30 = math.exp %neg3A_29 : vector<16xf32>
    %add3A_31 = arith.constant 1.000000e+00 : f32
    %add3A_32 = vector.broadcast %add3A_31 : f32 to vector<16xf32>
    %add3A_33 = arith.addf %add3A_32, %exp3A_30 : vector<16xf32>
    %div3A_34 = arith.constant 1.000000e+00 : f32
    %div3A_35 = vector.broadcast %div3A_34 : f32 to vector<16xf32>
    %div3A_36 = arith.divf %div3A_35, %add3A_33 : vector<16xf32>
    %swap3A_37 = arith.constant 16 : index
    %swap3A_38 = tpu.vector_load %arg18[%swap3A_37] {strides = array<i32>} : memref<32xf32, #tpu.memory_space<vmem>>, vector<16xf32>,
    %swap3A_39 = vector.shape_cast %swap3A_38 : vector<16xf32> to vector<16xf32>
    %swap3A_40 = vector.shape_cast %div3A_36 : vector<16xf32> to vector<16xf32>
    tpu.vector_store %arg18[%swap3A_37], %swap3A_40 {strides = array<i32>} : memref<32xf32, #tpu.memory_space<vmem>>, vector<16xf32>,
    "tpu.region"() ({
      %run_scoped3A = tpu.sem_alloc : memref<!tpu.dma_semaphore, #tpu.memory_space<semaphore_mem>>
      %dma_start3A = tpu.memref_slice %arg9[%mul3A_2] : memref<1024xf32, #tpu.memory_space<hbm>> -> memref<32xf32, #tpu.memory_space<hbm>>
      %dma_start3A_41 = tpu.memref_slice %arg9[%mul3A_2] : memref<1024xf32, #tpu.memory_space<hbm>> -> memref<32xf32, #tpu.memory_space<hbm>>
      tpu.enqueue_dma source(%arg18 : memref<32xf32, #tpu.memory_space<vmem>>) target(%dma_start3A_41 : memref<32xf32, #tpu.memory_space<hbm>>) target_semaphore(%run_scoped3A : memref<!tpu.dma_semaphore, #tpu.memory_space<semaphore_mem>>)
      %dma_wait3A = tpu.memref_slice %arg9[%mul3A_2] : memref<1024xf32, #tpu.memory_space<hbm>> -> memref<32xf32, #tpu.memory_space<hbm>>
      %dma_wait3A_42 = tpu.memref_slice %arg9[%mul3A_2] : memref<1024xf32, #tpu.memory_space<hbm>> -> memref<32xf32, #tpu.memory_space<hbm>>
      tpu.wait_dma2 semaphore(%run_scoped3A : memref<!tpu.dma_semaphore, #tpu.memory_space<semaphore_mem>>) src(%arg18 : memref<32xf32, #tpu.memory_space<vmem>>) dst(%dma_wait3A_42 : memref<32xf32, #tpu.memory_space<hbm>>)
      tpu.yield
    }) : () -> ()
    return
  }
}

</mosaic_0001>

<sc_bundles>
// kernel: kernel.3.cloned.1.call-start
scs
__scs_entry_jumppad:
0x0: {  	(pc) =	sbr.rel $0x88, $3  }
0x1: {  	(tag) =	ssettag $0x0;
	lr =	simm.s32 $0x1  }
0x2: {  	[smem:$0x3F9A] =	sst lr;
	_ =	strace $0xD0000000  }
0x3: {  	_ = 	snop  }
0x4: {  	_ = 	snop  }
0x5: {  	_ = 	snop  }
0x6: {  	_ = 	snop  }
0x7: {  	_ = 	snop  }
__scs_overlays_trampoline_lowered:
0x8: {  	[smem:$0x3FA9] =	sst s0  }
0x9: {  	[smem:$0x3FAA] =	sst s1  }
0xa: {  	[smem:$0x3FAB] =	sst s2  }
0xb: {  	[smem:$0x3FAC] =	sst s3  }
0xc: {  	[smem:$0x3FAD] =	sst s4  }
0xd: {  	[smem:$0x3FAE] =	sst s5  }
0xe: {  	[smem:$0x3FAF] =	sst s6  }
0xf: {  	[smem:$0x3FB0] =	sst s7  }
0x10: {  	[smem:$0x3FB1] =	sst s8  }
0x11: {  	[smem:$0x3FB2] =	sst s9;
	s0 =	simm.s32 @!p0 $0x0  }
0x12: {  	s1 =	sld [smem:$0x3F98];
	s0 =	simm.s32 @p0 $0x1  }
0x13: {  	[smem:$0x3FB3] =	sst s0;
	s0 =	simm.s32 @!p1 $0x0  }
0x14: {  	s2 =	sld [smem:$0x3F97];
	s0 =	simm.s32 @p1 $0x1  }
0x15: {  	[smem:$0x3FB4] =	sst s0;
	s0 =	simm.s32 @!p2 $0x0  }
0x16: {  	s3 =	sld [smem:$0x3FDB];
	s0 =	simm.s32 @p2 $0x1  }
0x17: {  	s4 =	simm.s32 $0x1BF5;
	[smem:$0x3FB6] =	sst s0  }
0x18: {  	s0 =	sld [smem:$0x3F99];
	_ =	swait.ge [sflag:s4], $0x0  }
0x19: {  	s7 =	sld [smem:$0x3F9A]  }
0x1a: {  	s8 =	sadd.s32 $0xFFFFE003, lr  }
0x1b: {  	s9 =	sadd.s32 $0xFFFFFEF7, lr;
	s5 =	simm.s32 $0xFFFFFFFF;
	p2 =	slt.u32 s8, $0xFFFFF086  }
0x1c: {  	p1 =	slt.u32 s9, $0xF7A;
	s5 =	simm.s32 @!p2 $0x0  }
0x1d: {  	s5 =	simm.s32 @p1 $0x1;
	p0 =	seq.s32 s7, s2  }
0x1e: {  	s7 =	smul.u32 @!p0 $0xF7A, s2;
	p2 =	seq.s32 @!p0 s5, $0x0  }
0x1f: {  	s9 =	smul.u32 $0xF7A, s1;
	s8 =	simm.s32 @!p0 $0x1BF5;
	p2 =	por !p2, p0  }
0x20: {  	[sflag:s8] =	ssyncset.s32 @!p0 $0xFFFFF086;
	s6 =	sadd.s32 @!p0 s3, s7;
	s7 =	simm.s32 @!p0 $0x108  }
0x21: {  	s3 =	sadd.s32 s3, s9;
	s6 =	sadd.s32 @!p0 $0x88, s6;
	s7 =	simm.s32 @p2 $0x1082  }
0x22: {  	[simem:s7], [sflag:s8] =	dma.local @!p0 [hbm:s6], $0xF7A  }
0x23: {  	s9 =	sor.u32 $0xD0000000, s2;
	s6 =	simm.s32 $0x108;
	_ =	swait.ge @!p0 [sflag:s8], $0x0  }
0x24: {  	s3 =	sadd.s32 $0x88, s3;
	s6 =	simm.s32 @!p1 $0x1082;
	[sflag:s4] =	ssyncset.s32 $0xFFFFF086  }
0x25: {  	[simem:s6], [sflag:s4] =	dma.local [hbm:s3], $0xF7A  }
0x26: {  	[smem:$0x3F9A] =	sst s1;
	(tag) =	ssettag s2;
	_ =	strace s9  }
0x27: {  	s1 =	sld [smem:$0x3FAA]  }
0x28: {  	s2 =	sld [smem:$0x3FAB]  }
0x29: {  	s4 =	sld [smem:$0x3FAD]  }
0x2a: {  	p0 =	seq.s32 s5, $0x0;
	s5 =	sld [smem:$0x3FAE]  }
0x2b: {  	s6 =	sld [smem:$0x3FAF]  }
0x2c: {  	s7 =	sld [smem:$0x3FB0]  }
0x2d: {  	s3 =	simm.s32 $0x108;
	s8 =	sld [smem:$0x3FB1]  }
0x2e: {  	s3 =	simm.s32 @!p0 $0x1082;
	s9 =	sld [smem:$0x3FB2]  }
0x2f: {  	lr =	sadd.s32 s0, s3;
	s0 =	sld [smem:$0x3FA9]  }
0x30: {  	s3 =	sld [smem:$0x3FAC]  }
0x31: {  	[smem:$0x3FB5] =	sst s10  }
0x32: {  	s10 =	sld [smem:$0x3FB3];
	_ =	sdelay $0x3  }
0x33: {  	p0 =	seq.s32 s10, $0x1;
	s10 =	sld [smem:$0x3FB5];
	_ =	sdelay $0x3  }
0x34: {  	[smem:$0x3FB5] =	sst s10  }
0x35: {  	s10 =	sld [smem:$0x3FB4];
	_ =	sdelay $0x3  }
0x36: {  	p1 =	seq.s32 s10, $0x1;
	s10 =	sld [smem:$0x3FB5];
	_ =	sdelay $0x3  }
0x37: {  	[smem:$0x3FB5] =	sst s10  }
0x38: {  	s10 =	sld [smem:$0x3FB6]  }
0x39: {  	_ = 	snop;
	(pc) =	sbr.ind lr, $3  }
0x3a: {  	_ = 	snop  }
0x3b: {  	_ = 	snop  }
0x3c: {  	p2 =	seq.s32 s10, $0x1;
	s10 =	sld [smem:$0x3FB5]  }
0x3d: {  	_ =	shalt  }
0x3e: {  	_ =	shalt  }
0x3f: {  	_ =	shalt  }
0x40: {  	_ =	shalt  }
0x41: {  	_ =	shalt  }
0x42: {  	_ =	shalt  }
0x43: {  	_ =	shalt  }
0x44: {  	_ =	shalt  }
0x45: {  	_ =	shalt  }
0x46: {  	_ =	shalt  }
0x47: {  	_ =	shalt  }
0x48: {  	_ =	shalt  }
0x49: {  	_ =	shalt  }
0x4a: {  	_ =	shalt  }
0x4b: {  	_ =	shalt  }
0x4c: {  	_ =	shalt  }
0x4d: {  	_ =	shalt  }
0x4e: {  	_ =	shalt  }
0x4f: {  	_ =	shalt  }
0x50: {  	_ =	shalt  }
0x51: {  	_ =	shalt  }
0x52: {  	_ =	shalt  }
0x53: {  	_ =	shalt  }
0x54: {  	_ =	shalt  }
0x55: {  	_ =	shalt  }
0x56: {  	_ =	shalt  }
0x57: {  	_ =	shalt  }
0x58: {  	_ =	shalt  }
0x59: {  	_ =	shalt  }
0x5a: {  	_ =	shalt  }
0x5b: {  	_ =	shalt  }
0x5c: {  	_ =	shalt  }
0x5d: {  	_ =	shalt  }
0x5e: {  	_ =	shalt  }
0x5f: {  	_ =	shalt  }
0x60: {  	_ =	shalt  }
0x61: {  	_ =	shalt  }
0x62: {  	_ =	shalt  }
0x63: {  	_ =	shalt  }
0x64: {  	_ =	shalt  }
0x65: {  	_ =	shalt  }
0x66: {  	_ =	shalt  }
0x67: {  	_ =	shalt  }
0x68: {  	_ =	shalt  }
0x69: {  	_ =	shalt  }
0x6a: {  	_ =	shalt  }
0x6b: {  	_ =	shalt  }
0x6c: {  	_ =	shalt  }
0x6d: {  	_ =	shalt  }
0x6e: {  	_ =	shalt  }
0x6f: {  	_ =	shalt  }
0x70: {  	_ =	shalt  }
0x71: {  	_ =	shalt  }
0x72: {  	_ =	shalt  }
0x73: {  	_ =	shalt  }
0x74: {  	_ =	shalt  }
0x75: {  	_ =	shalt  }
0x76: {  	_ =	shalt  }
0x77: {  	_ =	shalt  }
0x78: {  	_ =	shalt  }
0x79: {  	_ =	shalt  }
0x7a: {  	_ =	shalt  }
0x7b: {  	_ =	shalt  }
0x7c: {  	_ =	shalt  }
0x7d: {  	_ =	shalt  }
0x7e: {  	_ =	shalt  }
0x7f: {  	_ =	shalt  }
0x80: {  	_ =	shalt  }
0x81: {  	_ =	shalt  }
0x82: {  	_ =	shalt  }
0x83: {  	_ =	shalt  }
0x84: {  	_ =	shalt  }
0x85: {  	_ =	shalt  }
0x86: {  	_ =	shalt  }
0x87: {  	_ =	shalt  }
.Lfunc_end0:
.L_simem_size_0:
called_computation_lowered:
.L_overlay_start_0:
0x88: {  	s2 =	sld [smem:$0x3FD9]  }
0x89: {  	s3 =	sld [smem:$0x3FFE];
	_ =	sdelay $0x1  }
0x8a: {  	s1 =	srdreg.scid  }
0x8b: {  	s0 =	sand.u32 $0x1, s1  }
0x8c: {  	s17 =	sshll.u32 s0, $0xA;
	s2 =	sadd.s32 s3, s2  }
0x8d: {  	s2 =	sadd.s32 s2, s17  }
0x8e: {  	[smem:$0x3FC1] =	sst s2  }
0x8f: {  	_ = 	snop  }
0x90: {  	s2 =	sld [smem:$0x3FC9]  }
0x91: {  	s18 =	sld [smem:$0x3FC7]  }
0x92: {  	s4 =	sld [smem:$0x3FD0];
	(tm) =	ssettm $0x1  }
0x93: {  	s5 =	sld [smem:$0x3FFB];
	_ =	sdelay $0x3  }
0x94: {  	_ =	strace s5  }
0x95: {  	s5 =	sld [smem:$0x3FFC];
	_ =	sdelay $0x3  }
0x96: {  	_ =	strace s5  }
0x97: {  	s5 =	sld [smem:$0x3FFD];
	_ =	sdelay $0x3  }
0x98: {  	_ =	strace s5  }
0x99: {  	_ =	strace $0x8FFFFFFF  }
0x9a: {  	s19 =	sld [smem:$0x3FDB];
	_ =	sdelay $0x1  }
0x9b: {  	s6 =	simm.s32 $_scs_section_size  }
0x9c: {  	s7 =	simm.s32 $_size__tile_overlayer_lowered;
	s8 =	simm.s32 $_tile_overlayer_lowered  }
0x9d: {  	s22 =	simm.s32 $0x1BFF;
	s21 =	sshll.u32 s8, $0x1;
	s5 =	sadd.s32 s6, s19  }
0x9e: {  	s9 =	simm.s32 $0x0;
	s20 =	sshll.u32 s7, $0x1;
	s7 =	sadd.s32 s21, s5  }
0x9f: {  	[timem:s9], [sflag:s22] =	dma.local [hbm:s7], s20  }
0xa0: {  	_ =	swait.ge [sflag:s22], s20  }
0xa1: {  	s6 =	ssub.s32 $0x0, s20;
	[sflag:s22] =	ssyncset.done $0x0  }
0xa2: {  	[sflag:s22] =	ssyncadd.s32 s6;
	_ =	sdelay $0x1  }
0xa3: {  	s23 =	simm.s32 $0x1B8B  }
0xa4: {  	_ =	swait.ge [sflag:s23], $0x1  }
0xa5: {  	[sflag:s23] =	ssyncset.done $0x0  }
0xa6: {  	s25 =	simm.s32 $0x1B8E;
	s24 =	sld [smem:$0x3FFE];
	[sflag:s23] =	ssyncadd.s32 $0xFFFFFFFF  }
0xa7: {  	s26 =	simm.s32 $execute0_lowered;
	[smem:$0x3FD2] =	sst s25  }
0xa8: {  	s7 =	sshll.u32 s26, $0x1;
	_ =	strace $0x80000046;
	[dreg:$0x1] =	wrdreg $0xFFFFFFFF  }
0xa9: {  	s28 =	simm.s32 $_size_execute0_lowered;
	s5 =	sadd.s32 s5, s7;
	[dreg:$0x0] =	wrdreg $0x0  }
0xaa: {  	s7 =	sshll.u32 s28, $0x1;
	[dreg:$0x2] =	wrdreg s5  }
0xab: {  	[dreg:$0x3] =	wrdreg s7  }
0xac: {  	[dreg:$0x4] =	wrdreg $0xC0  }
0xad: {  	_ =	task [dreg:s9], $0x5FFFF  }
0xae: {  	[dreg:$0x1] =	wrdreg $0xFFFFFFFF  }
0xaf: {  	[dreg:$0x0] =	wrdreg $0x60  }
0xb0: {  	[dreg:$0x2] =	wrdreg s24  }
0xb1: {  	[dreg:$0x3] =	wrdreg s2  }
0xb2: {  	[dreg:$0x4] =	wrdreg s18  }
0xb3: {  	[dreg:$0x5] =	wrdreg s4  }
0xb4: {  	[dreg:$0x6] =	wrdreg $0x9  }
0xb5: {  	_ =	task.clear_ibuf [dreg:s9], $0x7FFFF;
	_ =	strace $0x90000046  }
0xb6: {  	s29 =	simm.s32 $0x9;
	_ =	strace $0x80000048  }
0xb7: {  	_ =	swait.ge [sflag:s29], $0x1  }
0xb8: {  	[sflag:s29] =	ssyncadd.s32 $0xFFFFFFFF  }
0xb9: {  	_ =	strace $0x90000048  }
0xba: {  	_ =	sfence  }
0xbb: {  	s30 =	sld [smem:$0x0];
	_ =	sdelay $0x2  }
0xbc: {  	s31 =	sshll.u32 s1, $0xD;
	s1 =	sshrl.u32 s1, $0x2  }
0xbd: {  	s3 =	sand.u32 $0x4000, s31;
	s1 =	sadd.s32 s1, s30  }
0xbe: {  	s0 =	sor.u32 s3, s0;
	s1 =	sshll.u32 s1, $0x11  }
0xbf: {  	s0 =	sor.u32 s1, s0  }
0xc0: {  	s0 =	sadd.s32 $0x8F2B, s0  }
0xc1: {  	[sflag:s0] =	ssyncadd.remote.s32 $0x1  }
0xc2: {  	_ =	sfence.sel $0xFFFF  }
0xc3: {  	[dreg:$0x0] =	wrdreg $0xFFFFFFFF;
	(pc) =	sbr.abs _section_cstart, $3  }
0xc4: {  	[dreg:$0x1] =	wrdreg $0xFFFFFFFF  }
0xc5: {  	_ =	task.clear_ibuf [dreg:s9], $0x2FFFF;
	_ =	strace $0x9FFFFFFF  }
0xc6: {  	(tm) =	ssettm $0x7FFFFFFF  }
0xc7: {  	_ =	shalt  }
tec
execute0_lowered:
.L_overlay_start_1:
0x0: {  	(tag) =	ssettag $0x1  }
0x1: {  	s0 =	rddreg [dreg:$0x0]  }
0x2: {  	s1 =	rddreg [dreg:$0x1]  }
0x3: {  	s2 =	rddreg [dreg:$0x2];
	v0 =	vimm.s32 $0x76543210;
	v1 =	vimm.s32 $0xFEDCBA98  }
0x4: {  	s3 =	rddreg [dreg:$0x3];
	s11 =	simm.s32 $0x0;
	v2 =	vimm.s32 $0xBA98FEDC;
	s5 =	srdreg.scid;
	v3 =	vimm.s32 $0x32107654;
	v4 =	vimm.s32 $0xDCFE98BA  }
0x5: {  	s7 =	stileid.u32;
	v5 =	vimm.s32 $0x54761032;
	v6 =	vimm.s32 $0xEFCDAB89;
	v7 =	vimm.s32 $0x67452301;
	s15 =	simm.s32 $0x1;
	s16 =	simm.s32 $0x8  }
0x6: {  	s17 =	simm.s32 $0x80;
	s18 =	simm.s32 $0x480;
	s19 =	simm.s32 $0x880;
	v0 =	vunpack.c.l.s4.s8 v0;
	v1 =	vunpack.c.l.s4.s8 v1;
	v2 =	vunpack.c.l.s4.s8 v2  }
0x7: {  	s20 =	simm.s32 $0x900;
	s21 =	simm.s32 $0x4900;
	s22 =	simm.s32 $0x4980;
	v3 =	vunpack.c.l.s4.s8 v3;
	v4 =	vunpack.c.l.s4.s8 v4;
	v5 =	vunpack.c.l.s4.s8 v5  }
0x8: {  	s24 =	simm.s32 $0x0;
	[smem:$0x7FF] =	sst s11;
	s4 =	sadd.s32 $0xC11A00, s0;
	v6 =	vunpack.c.l.s4.s8 v6;
	v7 =	vunpack.c.l.s4.s8 v7;
	v2 =	vunpack.c.0.s8.s32 v2  }
0x9: {  	s6 =	sadd.s32 $0xBF1A00, s0;
	s5 =	sand.u32 $0x1, s5;
	s8 =	sshll.u32 s7, $0x6;
	v3 =	vunpack.c.0.s8.s32 v3;
	v4 =	vunpack.c.0.s8.s32 v4;
	v5 =	vunpack.c.0.s8.s32 v5  }
0xa: {  	s7 =	sadd.s32 $0x1C00, s0;
	s9 =	ssub.s32 $0x2, s5;
	s5 =	sshll.u32 s5, $0x5;
	v1 =	vunpack.c.0.s8.s32 v1;
	v6 =	vunpack.c.0.s8.s32 v6;
	v7 =	vunpack.c.0.s8.s32 v7  }
0xb: {  	s28 =	sadd.s32 $0x1400, s0;
	_ =	strace $0x80000047;
	s8 =	sor.u32 s5, s8;
	v0 =	vunpack.c.0.s8.s32 v0;
	v2 =	vcombine.low v3, v2  }
0xc: {  	[dreg:$0x5] =	wrdreg s28;
	s10 =	sshrl.u32 s9, $0x1;
	s30 =	sshrl.u32 s8, $0x3;
	v3 =	vcombine.low v5, v4;
	v1 =	vand.u32 $0xF, v1;
	v4 =	vcombine.low v7, v6  }
0xd: {  	s29 =	ssub.s32 s9, s10;
	s10 =	sadd.s32 $0x5C00, s0;
	s31 =	sadd.s32 s3, s30;
	v5 =	vimm.f32 $1.562500000e-02;
	v0 =	vcombine.low v1, v0;
	v1 =	vand.u32 $0xF, v2  }
0xe: {  	s13 =	sor.u32 $0x10, s8;
	s12 =	smax.u32 s29, $0x1;
	[dreg:$0x6] =	wrdreg s31;
	v2 =	vand.u32 $0xF, v3;
	v3 =	vand.u32 $0xF, v4;
	v4 =	vlaneseq.u32  }
.LBB2_1:
0xf: {  	s0 =	rddreg [dreg:$0x5];
	s3 =	simm.s32 $0x4A00  }
0x10: {  	[tilespmem:s3], [sflag:$0x1] =	stream.linear.gather [hbm4b:s0+s11], $0x80, $0x38;
	[tilespmem:$0x4B00] =	vst v63  }
0x11: {  	_ =	swait.ge [sflag:s15], $0x80  }
0x12: {  	[sflag:s15] =	ssyncset.done $0x0  }
0x13: {  	[sflag:s15] =	ssyncadd.s32 $0xFFFFFF80  }
0x14: {  	v7 =	vimm.f32 $0.0e+00;
	s25 =	simm.s32 $0x0;
	v6 =	vld [tilespmem:$0x4A00]  }
.LBB2_2:
0x15: {  	s0 =	sor.u32 s8, s25;
	s3 =	sshll.u32 s25, $0x4  }
0x16: {  	s5 =	sshll.u32 s0, $0x4;
	s3 =	sand.u32 $0x70, s3  }
0x17: {  	s5 =	sand.u32 $0x3E80, s5;
	s3 =	sadd.s32 s7, s3  }
0x18: {  	s26 =	simm.s32 $0x0;
	s3 =	sadd.s32 s5, s3  }
0x19: {  	[tilespmem:s26], [sflag:$0x1] =	stream.linear.gather [hbm4b:s3+s26], $0x80, $0x38;
	[tilespmem:$0x4B00] =	vst v63  }
0x1a: {  	_ =	swait.ge [sflag:s15], $0x80  }
0x1b: {  	[sflag:s15] =	ssyncset.done $0x0  }
0x1c: {  	[sflag:s15] =	ssyncadd.s32 $0xFFFFFF80  }
0x1d: {  	[tilespmem:s17], [sflag:$0x1] =	stream.indirect.gather [hbm4b:s1+s16], $0x80, s26, s16, $0xb8;
	[tilespmem:$0x4B00] =	vst v63  }
0x1e: {  	_ =	swait.ge [sflag:s15], $0x400  }
0x1f: {  	[sflag:s15] =	ssyncset.done $0x0  }
0x20: {  	[sflag:s15] =	ssyncadd.s32 $0xFFFFFC00  }
0x21: {  	[tilespmem:s18], [sflag:$0x1] =	stream.indirect.gather [hbm4b:s2+s16], $0x80, s26, s16, $0xb8;
	[tilespmem:$0x4B00] =	vst v63  }
0x22: {  	_ =	swait.ge [sflag:s15], $0x400  }
0x23: {  	[sflag:s15] =	ssyncset.done $0x0  }
0x24: {  	v8 =	vimm.f32 $0.0e+00;
	s29 =	simm.s32 $0x0;
	s28 =	sshll.u32 s0, $0xA;
	[sflag:s15] =	ssyncadd.s32 $0xFFFFFC00  }
.LBB2_3:
0x25: {  	s30 =	sshll.u32 s29, $0x8  }
0x26: {  	s0 =	sadd.s32 s28, s30  }
0x27: {  	s31 =	sshrl.u32 s0, $0x3  }
0x28: {  	s0 =	sadd.s32 s4, s31  }
0x29: {  	[tilespmem:s19], [sflag:$0x1] =	stream.linear.gather [hbm4b:s0+s26], $0x80, $0x38;
	[tilespmem:$0x4B00] =	vst v63  }
0x2a: {  	_ =	swait.ge [sflag:s15], $0x80  }
0x2b: {  	[sflag:s15] =	ssyncset.done $0x0  }
0x2c: {  	[sflag:s15] =	ssyncadd.s32 $0xFFFFFF80  }
0x2d: {  	[tilespmem:s20], [sflag:$0x1] =	stream.indirect.gather [hbm4b:s1+s17], $0x80, s19, s17, $0xb8;
	[tilespmem:$0x4B00] =	vst v63  }
0x2e: {  	_ =	swait.ge [sflag:s15], $0x4000  }
0x2f: {  	[sflag:s15] =	ssyncset.done $0x0  }
0x30: {  	s23 =	sadd.s32 s6, s31;
	[sflag:s15] =	ssyncadd.s32 $0xFFFFC000  }
0x31: {  	[tilespmem:s21], [sflag:$0x1] =	stream.linear.gather [hbm4b:s23+s26], $0x80, $0x38;
	[tilespmem:$0x4B00] =	vst v63  }
0x32: {  	_ =	swait.ge [sflag:s15], $0x80  }
0x33: {  	[sflag:s15] =	ssyncset.done $0x0  }
0x34: {  	[sflag:s15] =	ssyncadd.s32 $0xFFFFFF80  }
0x35: {  	[tilespmem:s22], [sflag:$0x1] =	stream.indirect.gather [hbm4b:s10+s17], $0x1, s21, s17, $0xb8;
	[tilespmem:$0x4B00] =	vst v63  }
0x36: {  	_ =	swait.ge [sflag:s15], $0x80  }
0x37: {  	[sflag:s15] =	ssyncset.done $0x0  }
0x38: {  	[sflag:s15] =	ssyncadd.s32 $0xFFFFFF80  }
0x39: {  	v11 =	vld [tilespmem:s30+$0x80]  }
0x3a: {  	v12 =	vld [tilespmem:s30+$0x90]  }
0x3b: {  	v13 =	vld [tilespmem:s30+$0xA0]  }
0x3c: {  	v14 =	vld [tilespmem:s30+$0xB0]  }
0x3d: {  	v15 =	vld [tilespmem:s30+$0xC0]  }
0x3e: {  	v16 =	vld [tilespmem:s30+$0xD0]  }
0x3f: {  	v17 =	vld [tilespmem:s30+$0xE0]  }
0x40: {  	v18 =	vld [tilespmem:s30+$0xF0]  }
0x41: {  	v19 =	vld [tilespmem:s30+$0x480]  }
0x42: {  	v20 =	vld [tilespmem:s30+$0x490]  }
0x43: {  	v21 =	vld [tilespmem:s30+$0x4A0]  }
0x44: {  	v26 =	vld [tilespmem:s30+$0x4F0]  }
0x45: {  	v22 =	vld [tilespmem:s30+$0x4B0]  }
0x46: {  	v23 =	vld [tilespmem:s30+$0x4C0]  }
0x47: {  	v24 =	vld [tilespmem:s30+$0x4D0]  }
0x48: {  	v27 =	vimm.f32 $0.0e+00;
	v9 =	vimm.f32 $0.0e+00;
	v10 =	vimm.f32 $0.0e+00;
	s5 =	simm.s32 $0x0;
	s0 =	simm.s32 $0x940;
	v25 =	vld [tilespmem:s30+$0x4E0]  }
.LBB2_4:
0x49: {  	v28 =	vld [tilespmem:s0+$0xFFFFFFC0]  }
0x4a: {  	v29 =	vld [tilespmem:s0+$0xFFFFFFD0];
	_ =	sdelay $0x1  }
0x4b: {  	v30 =	vld [tilespmem:s0+$0xFFFFFFE0]  }
0x4c: {  	v31 =	vld [tilespmem:s0+$0xFFFFFFF0];
	s3 =	sadd.s32 $0x80, s0  }
0x4d: {  	v54 =	vld [tilespmem:s3+$0x0]  }
0x4e: {  	v28 =	vsub.f32 v11, v28;
	v29 =	vsub.f32 v12, v29  }
0x4f: {  	v33 =	vld [tilespmem:s0+$0x0]  }
0x50: {  	v30 =	vsub.f32 v13, v30;
	v32 =	vmul.f32 v28, v19;
	v34 =	vmul.f32 v29, v20  }
0x51: {  	v35 =	vld [tilespmem:s0+$0x10];
	v31 =	vsub.f32 v14, v31;
	v28 =	vmul.f32 v28, v28;
	v29 =	vmul.f32 v29, v29  }
0x52: {  	v48 =	vld [tilespmem:s3+$0xFFFFFFC0];
	v57 =	vsub.f32 v15, v54;
	v32 =	vadd.f32 $0.0e+00, v32  }
0x53: {  	v36 =	vld [tilespmem:s0+$0x20];
	v43 =	vmul.f32 v30, v21;
	v30 =	vmul.f32 v30, v30;
	v28 =	vadd.f32 v29, v28  }
0x54: {  	v29 =	vsub.f32 v15, v33;
	v32 =	vadd.f32 v34, v32  }
0x55: {  	v50 =	vld [tilespmem:s3+$0xFFFFFFD0];
	v44 =	vmul.f32 v31, v22;
	v31 =	vmul.f32 v31, v31;
	v28 =	vadd.f32 v30, v28  }
0x56: {  	v45 =	vld [tilespmem:s0+$0x30];
	v30 =	vsub.f32 v16, v35;
	v46 =	vmul.f32 v29, v23;
	v32 =	vadd.f32 v43, v32  }
0x57: {  	v29 =	vmul.f32 v29, v29;
	v35 =	vsub.f32 v11, v48;
	v28 =	vadd.f32 v31, v28  }
0x58: {  	v31 =	vsub.f32 v17, v36;
	v32 =	vadd.f32 v44, v32  }
0x59: {  	v52 =	vld [tilespmem:s3+$0xFFFFFFE0];
	v47 =	vmul.f32 v30, v24;
	v30 =	vmul.f32 v30, v30;
	v28 =	vadd.f32 v29, v28  }
0x5a: {  	v34 =	vsub.f32 v12, v50;
	v32 =	vadd.f32 v46, v32  }
0x5b: {  	v29 =	vsub.f32 v18, v45;
	v28 =	vadd.f32 v30, v28;
	v30 =	vmul.f32 v31, v31  }
0x5c: {  	v53 =	vmul.f32 v35, v19;
	v49 =	vmul.f32 v31, v25;
	v32 =	vadd.f32 v47, v32  }
0x5d: {  	v51 =	vmul.f32 v29, v26;
	v29 =	vmul.f32 v29, v29;
	v28 =	vadd.f32 v30, v28  }
0x5e: {  	v55 =	vld [tilespmem:s3+$0x10];
	v60 =	vmul.f32 v57, v23;
	v33 =	vsub.f32 v13, v52;
	v31 =	vadd.f32 v49, v32  }
0x5f: {  	v39 =	vld [tilespmem:s3+$0x20];
	v37 =	vmul.f32 v34, v20;
	v28 =	vadd.f32 v29, v28;
	v32 =	vadd.f32 $0.0e+00, v53  }
0x60: {  	s9 =	simm.s32 $0x0;
	v56 =	vmul.f32 v33, v21;
	v33 =	vmul.f32 v33, v33;
	v30 =	vadd.f32 v51, v31;
	v31 =	vld [tilespmem:s3+$0xFFFFFFF0]  }
0x61: {  	v59 =	vld [tilespmem:s3+$0x30];
	v45 =	vmov s9;
	v32 =	vadd.f32 v37, v32;
	v63 =	vperm.xlane v28, v0;
	s3 =	sadd.s32 $0x80, s3  }
0x62: {  	s11 =	simm.s32 $0x1;
	v34 =	vmul.f32 v34, v34;
	vm0 =	veq.s32 v45, v4;
	v44 =	vld [tilespmem:s3+$0xFFFFFFD0];
	v29 =	vperm.xlane v30, v0  }
0x63: {  	v47 =	vld [tilespmem:s3+$0xFFFFFFE0];
	v32 =	vadd.f32 v56, v32;
	v28 =	vadd.f32 v28, v63;
	v63 =	vmov s11  }
0x64: {  	vm1 =	veq.s32 v63, v4;
	v29 =	vadd.f32 v29, v30;
	v30 =	vmul.f32 v35, v35  }
0x65: {  	v35 =	vsub.f32 v16, v55;
	v46 =	vperm.xlane v28, v1;
	v31 =	vsub.f32 v14, v31  }
0x66: {  	v38 =	vperm.xlane v29, v1;
	v30 =	vadd.f32 v34, v30;
	v34 =	vmul.f32 v57, v57  }
0x67: {  	v55 =	vld [tilespmem:s3+$0x20];
	v62 =	vmul.f32 v35, v24;
	v35 =	vmul.f32 v35, v35;
	v28 =	vadd.f32 v28, v46  }
0x68: {  	v37 =	vsub.f32 v12, v44;
	v51 =	vsub.f32 v13, v47;
	v58 =	vmul.f32 v31, v22  }
0x69: {  	v54 =	vld [tilespmem:s3+$0x10];
	v31 =	vmul.f32 v31, v31;
	v29 =	vadd.f32 v38, v29;
	v30 =	vadd.f32 v33, v30  }
0x6a: {  	v33 =	vsub.f32 v18, v59;
	v36 =	vperm.xlane v28, v2;
	v53 =	vmul.f32 v37, v20  }
0x6b: {  	v37 =	vmul.f32 v37, v37;
	v32 =	vadd.f32 v58, v32;
	v30 =	vadd.f32 v31, v30  }
0x6c: {  	v38 =	vsub.f32 v17, v55;
	v61 =	vperm.xlane v29, v2;
	v31 =	vsub.f32 v17, v39  }
0x6d: {  	v48 =	vld [tilespmem:s3+$0xFFFFFFF0];
	v43 =	vmul.f32 v33, v26;
	v32 =	vadd.f32 v60, v32;
	v30 =	vadd.f32 v34, v30  }
0x6e: {  	v41 =	vld [tilespmem:s3+$0xFFFFFFC0];
	v39 =	vsub.f32 v16, v54;
	v29 =	vadd.f32 v61, v29;
	v40 =	vmul.f32 v31, v25  }
0x6f: {  	v31 =	vmul.f32 v31, v31;
	v32 =	vadd.f32 v62, v32;
	v30 =	vadd.f32 v35, v30  }
0x70: {  	v36 =	vadd.f32 v28, v36;
	v44 =	vmul.f32 v38, v25;
	v42 =	vperm.xlane v29, v3  }
0x71: {  	v32 =	vadd.f32 v40, v32;
	v30 =	vadd.f32 v31, v30;
	v31 =	vmul.f32 v33, v33  }
0x72: {  	v46 =	vmul.f32 v38, v38;
	v29 =	vadd.f32 v42, v29;
	v33 =	vsub.f32 v14, v48  }
0x73: {  	v60 =	vmul.f32 v39, v39;
	v40 =	vld [tilespmem:s3+$0x0];
	v30 =	vadd.f32 v31, v30;
	v31 =	vsub.f32 v11, v41  }
0x74: {  	v57 =	vld [tilespmem:s3+$0x30];
	v61 =	vmul.f32 v39, v24;
	s3 =	sadd.s32 $0x80, s3;
	v42 =	vmul.f32 v51, v51;
	v32 =	vadd.f32 v43, v32  }
0x75: {  	v48 =	vld [tilespmem:s3+$0xFFFFFFD0];
	v29 =	vsel vm0, v29, v27;
	v56 =	vmul.f32 v33, v33;
	v50 =	vmul.f32 v31, v19  }
0x76: {  	vm0 =	vmmov vm0;
	v33 =	vmul.f32 v33, v22;
	v31 =	vmul.f32 v31, v31  }
0x77: {  	v34 =	vperm.xlane v32, v0;
	vm0 =	vmmov vm0;
	v52 =	vadd.f32 $0.0e+00, v50  }
0x78: {  	v49 =	vperm.xlane v30, v0;
	v40 =	vsub.f32 v15, v40;
	v31 =	vadd.f32 v37, v31  }
0x79: {  	v32 =	vadd.f32 v34, v32;
	v34 =	vmul.f32 v51, v21;
	v35 =	vadd.f32 v53, v52  }
0x7a: {  	s14 =	simm.s32 $0x2;
	v55 =	vld [tilespmem:s3+$0x0];
	vm3 =	vmmov vm0;
	v38 =	vsub.f32 v12, v48;
	v31 =	vadd.f32 v42, v31  }
0x7b: {  	v48 =	vmov s14;
	v41 =	vperm.xlane v32, v1;
	v34 =	vadd.f32 v34, v35  }
0x7c: {  	v30 =	vadd.f32 v30, v49;
	v58 =	vmul.f32 v40, v40;
	v31 =	vadd.f32 v56, v31  }
0x7d: {  	v59 =	vmul.f32 v40, v23;
	v32 =	vadd.f32 v41, v32;
	v33 =	vadd.f32 v33, v34  }
0x7e: {  	v37 =	vperm.xlane v36, v3;
	vm2 =	veq.s32 v48, v4;
	v31 =	vadd.f32 v58, v31  }
0x7f: {  	v45 =	vld [tilespmem:s3+$0xFFFFFFC0];
	v42 =	vsub.f32 v15, v55;
	v41 =	vperm.xlane v32, v2;
	v33 =	vadd.f32 v59, v33  }
0x80: {  	vm0 =	vmmov vm2;
	v35 =	vsub.f32 v18, v57;
	v31 =	vadd.f32 v60, v31  }
0x81: {  	v49 =	vperm.xlane v30, v1;
	v32 =	vadd.f32 v41, v32;
	v33 =	vadd.f32 v61, v33  }
0x82: {  	v50 =	vld [tilespmem:s3+$0xFFFFFFE0];
	v47 =	vmul.f32 v35, v26;
	v35 =	vmul.f32 v35, v35;
	v31 =	vadd.f32 v46, v31  }
0x83: {  	v57 =	vmul.f32 v38, v20;
	v62 =	vperm.xlane v32, v3;
	v33 =	vadd.f32 v44, v33  }
0x84: {  	v51 =	vld [tilespmem:s3+$0xFFFFFFF0];
	v38 =	vmul.f32 v38, v38;
	v28 =	vadd.f32 v35, v31;
	v31 =	vsub.f32 v11, v45  }
0x85: {  	v63 =	vmul.f32 v42, v42;
	v32 =	vadd.f32 v62, v32;
	v33 =	vadd.f32 v47, v33  }
0x86: {  	v30 =	vadd.f32 v30, v49;
	v53 =	vperm.xlane v28, v0;
	v54 =	vmul.f32 v31, v19  }
0x87: {  	v58 =	vld [tilespmem:s3+$0x10];
	v29 =	vsel vm1, v32, v29;
	v32 =	vsub.f32 v13, v50;
	v52 =	vperm.xlane v33, v0  }
0x88: {  	v42 =	vmul.f32 v42, v23;
	v56 =	vadd.f32 v28, v53;
	v28 =	vadd.f32 $0.0e+00, v54  }
0x89: {  	v34 =	vsub.f32 v14, v51;
	v31 =	vmul.f32 v31, v31;
	v33 =	vadd.f32 v52, v33  }
0x8a: {  	v44 =	vmul.f32 v32, v32;
	v32 =	vmul.f32 v32, v21;
	v28 =	vadd.f32 v57, v28  }
0x8b: {  	v40 =	vperm.xlane v30, v2;
	v59 =	vld [tilespmem:s3+$0x20];
	v31 =	vadd.f32 v38, v31;
	v43 =	vperm.xlane v33, v1  }
0x8c: {  	v61 =	vmul.f32 v34, v22;
	v41 =	vsub.f32 v16, v58;
	v28 =	vadd.f32 v32, v28  }
0x8d: {  	v60 =	vmul.f32 v34, v34;
	v62 =	vld [tilespmem:s3+$0x30];
	v31 =	vadd.f32 v44, v31;
	v33 =	vadd.f32 v43, v33  }
0x8e: {  	s3 =	sadd.s32 $0x80, s3;
	v35 =	vadd.f32 v36, v37;
	vm1 =	vmmov vm1;
	v28 =	vadd.f32 v61, v28  }
0x8f: {  	v55 =	vld [tilespmem:s3+$0xFFFFFFE0];
	v45 =	vmul.f32 v41, v41;
	v31 =	vadd.f32 v60, v31;
	v43 =	vperm.xlane v33, v2  }
0x90: {  	v39 =	vsub.f32 v17, v59;
	v46 =	vmul.f32 v41, v24;
	v28 =	vadd.f32 v42, v28  }
0x91: {  	v58 =	vld [tilespmem:s3+$0xFFFFFFF0];
	vm1 =	vmmov vm1;
	v31 =	vadd.f32 v63, v31;
	v33 =	vadd.f32 v43, v33  }
0x92: {  	v49 =	vmul.f32 v39, v25;
	v34 =	vsub.f32 v18, v62;
	v28 =	vadd.f32 v46, v28  }
0x93: {  	v50 =	vld [tilespmem:s3+$0xFFFFFFC0];
	v51 =	vmul.f32 v39, v39;
	v31 =	vadd.f32 v45, v31;
	v47 =	vperm.xlane v33, v3  }
0x94: {  	v53 =	vld [tilespmem:s3+$0xFFFFFFD0];
	v48 =	vsub.f32 v13, v55;
	v52 =	vmul.f32 v34, v26;
	v32 =	vadd.f32 v49, v28  }
0x95: {  	v34 =	vmul.f32 v34, v34;
	v31 =	vadd.f32 v51, v31;
	v33 =	vadd.f32 v47, v33  }
0x96: {  	v41 =	vsub.f32 v14, v58;
	v54 =	vperm.xlane v56, v1;
	v61 =	vld [tilespmem:s3+$0x0];
	v39 =	vadd.f32 v52, v32  }
0x97: {  	v28 =	vsel vm2, v33, v29;
	v29 =	vadd.f32 v30, v40;
	v30 =	vadd.f32 v34, v31  }
0x98: {  	v31 =	vadd.f32 v56, v54;
	v56 =	vsub.f32 v11, v50;
	v57 =	vperm.xlane v39, v0  }
0x99: {  	v52 =	vmul.f32 v48, v21;
	v33 =	vsub.f32 v12, v53;
	v40 =	vmul.f32 v48, v48  }
0x9a: {  	v59 =	vperm.xlane v30, v0;
	v60 =	vmul.f32 v56, v19;
	v62 =	vadd.f32 v57, v39  }
0x9b: {  	v36 =	vsub.f32 v15, v61;
	v54 =	vmul.f32 v41, v22;
	v50 =	vmul.f32 v33, v20  }
0x9c: {  	v49 =	vadd.f32 $0.0e+00, v60;
	v38 =	vadd.f32 v30, v59;
	v30 =	vld [tilespmem:s3+$0x10];
	v51 =	vperm.xlane v62, v1  }
0x9d: {  	vm2 =	vmmov vm3;
	v63 =	vmul.f32 v56, v56;
	v33 =	vmul.f32 v33, v33  }
0x9e: {  	v53 =	vld [tilespmem:s3+$0x20];
	v41 =	vmul.f32 v41, v41;
	v42 =	vadd.f32 v50, v49;
	v37 =	vadd.f32 v51, v62  }
0x9f: {  	v32 =	vperm.xlane v29, v3;
	v34 =	vperm.xlane v31, v2;
	v33 =	vadd.f32 v33, v63  }
0xa0: {  	v55 =	vld [tilespmem:s3+$0x30];
	v57 =	vmul.f32 v36, v23;
	v42 =	vadd.f32 v52, v42;
	v45 =	vperm.xlane v37, v2  }
0xa1: {  	s23 =	simm.s32 $0x3;
	v36 =	vmul.f32 v36, v36;
	v33 =	vadd.f32 v40, v33;
	v30 =	vsub.f32 v16, v30  }
0xa2: {  	v63 =	vmov s23;
	v56 =	vadd.f32 v54, v42;
	v58 =	vadd.f32 v45, v37  }
0xa3: {  	v39 =	vsub.f32 v17, v53;
	v33 =	vadd.f32 v41, v33;
	v59 =	vmul.f32 v30, v30  }
0xa4: {  	v30 =	vmul.f32 v30, v24;
	v60 =	vadd.f32 v57, v56;
	v61 =	vperm.xlane v58, v3  }
0xa5: {  	vm3 =	veq.s32 v63, v4;
	v62 =	vadd.f32 v36, v33;
	v33 =	vsub.f32 v18, v55  }
0xa6: {  	s3 =	sadd.s32 $0x80, s3;
	v37 =	vmul.f32 v39, v25;
	v36 =	vadd.f32 v30, v60;
	v30 =	vadd.f32 v61, v58  }
0xa7: {  	s9 =	simm.s32 $0x6;
	s14 =	simm.s32 $0x5;
	s23 =	simm.s32 $0x4;
	v41 =	vmul.f32 v39, v39;
	v42 =	vld [tilespmem:s3+$0xFFFFFFC0];
	v39 =	vimm.f32 $0.0e+00;
	v40 =	vadd.f32 v59, v62  }
.LBB2_5:
0xa8: {  	v36 =	vadd.f32 v37, v36;
	v37 =	vmul.f32 v33, v26;
	v28 =	vsel vm3, v30, v28  }
0xa9: {  	p0 =	sne.s32 s9, $0xF;
	vm4 =	vmmov vm1;
	vm1 =	vmmov vm0;
	vm0 =	vmmov vm3  }
0xaa: {  	v33 =	vmul.f32 v33, v33;
	v30 =	vld [tilespmem:s3+$0xFFFFFFD0];
	v40 =	vadd.f32 v41, v40;
	v41 =	vperm.xlane v38, v1  }
0xab: {  	v39 =	vsel vm2, v35, v39;
	v43 =	vld [tilespmem:s3+$0xFFFFFFE0];
	v36 =	vadd.f32 v37, v36;
	v37 =	vadd.f32 v31, v34  }
0xac: {  	vm2 =	vmmov vm4;
	v33 =	vadd.f32 v33, v40;
	v31 =	vadd.f32 v38, v41  }
0xad: {  	v38 =	vsub.f32 v11, v42;
	v40 =	vld [tilespmem:s3+$0xFFFFFFF0];
	v41 =	vperm.xlane v36, v0;
	v42 =	vperm.xlane v37, v3  }
0xae: {  	v35 =	vadd.f32 v29, v32;
	v29 =	vmovc v37;
	v44 =	vperm.xlane v33, v0;
	v34 =	vperm.xlane v31, v2  }
0xaf: {  	v37 =	vmul.f32 v38, v19;
	v30 =	vsub.f32 v12, v30;
	v45 =	vld [tilespmem:s3+$0x0];
	v36 =	vadd.f32 v41, v36;
	v32 =	vmovc v42  }
0xb0: {  	v41 =	vmul.f32 v38, v38;
	v42 =	vsub.f32 v13, v43;
	v38 =	vadd.f32 v33, v44  }
0xb1: {  	v33 =	vadd.f32 $0.0e+00, v37;
	v37 =	vmul.f32 v30, v20;
	v43 =	vld [tilespmem:s3+$0x10];
	v44 =	vperm.xlane v36, v1  }
0xb2: {  	v30 =	vmul.f32 v30, v30;
	v46 =	vmul.f32 v42, v42;
	v40 =	vsub.f32 v14, v40  }
0xb3: {  	v33 =	vadd.f32 v37, v33;
	v37 =	vmul.f32 v42, v21;
	v42 =	vld [tilespmem:s3+$0x20];
	v36 =	vadd.f32 v44, v36  }
0xb4: {  	v30 =	vadd.f32 v30, v41;
	v41 =	vmul.f32 v40, v40;
	v44 =	vsub.f32 v15, v45  }
0xb5: {  	v33 =	vadd.f32 v37, v33;
	v37 =	vmul.f32 v40, v22;
	v40 =	vld [tilespmem:s3+$0x30];
	v45 =	vperm.xlane v36, v2  }
0xb6: {  	v30 =	vadd.f32 v46, v30;
	v46 =	vmul.f32 v44, v44;
	v43 =	vsub.f32 v16, v43  }
0xb7: {  	v33 =	vadd.f32 v37, v33;
	v37 =	vmul.f32 v44, v23;
	v44 =	vadd.f32 v45, v36  }
.Ltmp0:
0xb8: {  	v30 =	vadd.f32 v41, v30;
	v41 =	vmul.f32 v43, v43;
	v45 =	vsub.f32 v17, v42;
	(pc) =	sbr.rel @p0 .LBB2_5-.Ltmp0, $4  }
0xb9: {  	v36 =	vadd.f32 v37, v33;
	v37 =	vmul.f32 v43, v24;
	v42 =	vperm.xlane v44, v3  }
0xba: {  	v43 =	vadd.f32 v46, v30;
	v46 =	vmov s23;
	s23 =	smov.u32 s14;
	s14 =	smov.u32 s9;
	v33 =	vsub.f32 v18, v40  }
0xbb: {  	s3 =	sadd.s32 $0x80, s3;
	v36 =	vadd.f32 v37, v36;
	v37 =	vmul.f32 v45, v25;
	v30 =	vadd.f32 v42, v44  }
0xbc: {  	s9 =	sadd.s32 $0x1, s9;
	vm3 =	veq.s32 v46, v4;
	v40 =	vadd.f32 v41, v43;
	v41 =	vmul.f32 v45, v45;
	v42 =	vld [tilespmem:s3+$0xFFFFFFC0]  }
0xbd: {  	v43 =	vld [tilespmem:s3+$0xFFFFFFD0];
	_ =	sdelay $0x1  }
0xbe: {  	v44 =	vld [tilespmem:s3+$0xFFFFFFE0];
	_ =	sdelay $0x1  }
0xbf: {  	v45 =	vld [tilespmem:s3+$0xFFFFFFF0]  }
0xc0: {  	v42 =	vsub.f32 v11, v42;
	v43 =	vsub.f32 v12, v43  }
0xc1: {  	v46 =	vld [tilespmem:s3+$0x0]  }
0xc2: {  	v44 =	vsub.f32 v13, v44;
	v47 =	vmul.f32 v42, v42;
	v48 =	vmul.f32 v43, v43  }
0xc3: {  	v49 =	vld [tilespmem:s3+$0x10]  }
0xc4: {  	v45 =	vsub.f32 v14, v45;
	v50 =	vmul.f32 v44, v44;
	v47 =	vadd.f32 v48, v47  }
0xc5: {  	v62 =	vld [tilespmem:s3+$0x20]  }
0xc6: {  	v46 =	vsub.f32 v15, v46;
	v51 =	vmul.f32 v45, v45;
	v47 =	vadd.f32 v50, v47  }
0xc7: {  	v63 =	vld [tilespmem:s3+$0x30]  }
0xc8: {  	v49 =	vsub.f32 v16, v49;
	v54 =	vmul.f32 v46, v46;
	v47 =	vadd.f32 v51, v47;
	_ =	sdelay $0x1  }
0xc9: {  	v55 =	vmul.f32 v49, v49;
	v48 =	vsub.f32 v17, v62;
	v47 =	vadd.f32 v54, v47;
	_ =	sdelay $0x1  }
0xca: {  	v50 =	vsub.f32 v18, v63;
	v57 =	vmul.f32 v48, v48;
	v47 =	vadd.f32 v55, v47  }
0xcb: {  	v56 =	vmul.f32 v33, v33;
	v40 =	vadd.f32 v41, v40  }
0xcc: {  	v59 =	vmul.f32 v50, v50;
	v58 =	vadd.f32 v57, v47  }
0xcd: {  	v40 =	vadd.f32 v56, v40  }
0xce: {  	v61 =	vperm.xlane v38, v1;
	v31 =	vadd.f32 v31, v34;
	v41 =	vadd.f32 v59, v58  }
0xcf: {  	v29 =	vadd.f32 v29, v32;
	vm1 =	vmmov vm1;
	v60 =	vperm.xlane v40, v0  }
0xd0: {  	vm0 =	vmmov vm0;
	vm14 =	vmmov vm3;
	v51 =	vperm.xlane v41, v0  }
0xd1: {  	vm1 =	vmmov vm1;
	vm0 =	vmmov vm0;
	v63 =	vadd.f32 v40, v60  }
0xd2: {  	v38 =	vadd.f32 v38, v61;
	vm0 =	vmmov vm0;
	v53 =	vadd.f32 v41, v51  }
0xd3: {  	v61 =	vmov s14;
	v62 =	vsel vm2, v35, v39;
	v52 =	vperm.xlane v63, v1  }
0xd4: {  	v29 =	vsel vm1, v29, v62;
	v54 =	vperm.xlane v38, v2;
	v57 =	vperm.xlane v53, v1  }
0xd5: {  	vm1 =	vmmov vm14;
	v32 =	vadd.f32 v63, v52;
	v55 =	vperm.xlane v31, v3  }
0xd6: {  	vm1 =	vmmov vm1;
	v56 =	vadd.f32 v38, v54;
	v38 =	vadd.f32 v53, v57  }
0xd7: {  	v47 =	vmov s23;
	v31 =	vadd.f32 v31, v55;
	v58 =	vperm.xlane v32, v2  }
0xd8: {  	vm1 =	vmmov vm1;
	vm2 =	veq.s32 v47, v4;
	v60 =	vperm.xlane v38, v2  }
0xd9: {  	v59 =	vperm.xlane v56, v3;
	v29 =	vsel vm0, v31, v29;
	v32 =	vadd.f32 v32, v58  }
0xda: {  	vm4 =	vmmov vm2;
	vm0 =	veq.s32 v61, v4;
	v31 =	vadd.f32 v38, v60  }
0xdb: {  	vm4 =	vmmov vm4;
	v34 =	vadd.f32 v56, v59;
	v62 =	vperm.xlane v32, v3  }
0xdc: {  	vm15 =	vmmov vm0;
	vm4 =	vmmov vm4;
	v63 =	vperm.xlane v31, v3  }
0xdd: {  	v29 =	vsel vm1, v34, v29;
	vm1 =	vmmov vm15;
	v32 =	vadd.f32 v32, v62  }
0xde: {  	vm4 =	vmmov vm4;
	vm1 =	vmmov vm1;
	v31 =	vadd.f32 v31, v63  }
0xdf: {  	vm1 =	vmmov vm1;
	v29 =	vsel vm4, v32, v29  }
0xe0: {  	v29 =	vsel vm1, v31, v29  }
0xe1: {  	vm1 =	vge.f32 v29, $9.765625000e-04  }
0xe2: {  	vm4 =	vge.f32 v29, $3.906250000e-03;
	v35 =	vsel vm1, $0x3D000000, v5  }
0xe3: {  	vm5 =	vge.f32 v29, $1.562500000e-02;
	v31 =	vsel vm4, $0x3D800000, v35  }
0xe4: {  	vm6 =	vge.f32 v29, $6.250000000e-02;
	v31 =	vsel vm5, $0x3E000000, v31  }
0xe5: {  	vm7 =	vge.f32 v29, $2.500000000e-01;
	v31 =	vsel vm6, $0x3E800000, v31  }
0xe6: {  	vm8 =	vge.f32 v29, $1.000000000e+00;
	v31 =	vsel vm7, $0x3F000000, v31  }
0xe7: {  	vm9 =	vge.f32 v29, $4.000000000e+00;
	v31 =	vsel vm8, $0x3F800000, v31  }
0xe8: {  	vm10 =	vge.f32 v29, $1.600000000e+01;
	v31 =	vsel vm9, $0x40000000, v31  }
0xe9: {  	vm11 =	vge.f32 v29, $6.400000000e+01;
	v31 =	vsel vm10, $0x40800000, v31  }
0xea: {  	vm12 =	vge.f32 v29, $2.560000000e+02;
	v31 =	vsel vm11, $0x41000000, v31  }
0xeb: {  	vm13 =	vge.f32 v29, $1.024000000e+03;
	v31 =	vsel vm12, $0x41800000, v31  }
0xec: {  	vm14 =	vge.f32 v29, $4.096000000e+03;
	v31 =	vsel vm13, $0x42000000, v31  }
0xed: {  	v31 =	vsel vm14, $0x42800000, v31  }
0xee: {  	(erf) = vrcp.f32 v31;
	_ =	sdelay $0x8  }
0xef: {  	v38 =	vpop (erf)  }
0xf0: {  	v32 =	vmul.f32 v38, v29;
	_ =	sdelay $0x1  }
0xf1: {  	v31 =	vadd.f32 v32, v31;
	_ =	sdelay $0x1  }
0xf2: {  	v31 =	vmul.f32 $5.000000000e-01, v31;
	_ =	sdelay $0x1  }
0xf3: {  	(erf) = vrcp.f32 v31;
	_ =	sdelay $0x8  }
0xf4: {  	v39 =	vpop (erf)  }
0xf5: {  	v32 =	vmul.f32 v39, v29;
	_ =	sdelay $0x1  }
0xf6: {  	v31 =	vadd.f32 v32, v31;
	_ =	sdelay $0x1  }
0xf7: {  	v31 =	vmul.f32 $5.000000000e-01, v31;
	_ =	sdelay $0x1  }
0xf8: {  	(erf) = vrcp.f32 v31;
	_ =	sdelay $0x8  }
0xf9: {  	v40 =	vpop (erf)  }
0xfa: {  	v41 =	vmul.f32 v42, v19;
	v32 =	vmul.f32 v40, v29;
	_ =	sdelay $0x1  }
0xfb: {  	v42 =	vmul.f32 v43, v20;
	v34 =	vadd.f32 $0.0e+00, v41;
	v31 =	vadd.f32 v32, v31;
	_ =	sdelay $0x1  }
0xfc: {  	v44 =	vmul.f32 v44, v21;
	v43 =	vadd.f32 v42, v34;
	v31 =	vmul.f32 $5.000000000e-01, v31;
	_ =	sdelay $0x1  }
0xfd: {  	v45 =	vmul.f32 v45, v22;
	v32 =	vadd.f32 v44, v43;
	(erf) = vrcp.f32 v31;
	_ =	sdelay $0x1  }
0xfe: {  	v46 =	vmul.f32 v46, v23;
	v32 =	vadd.f32 v45, v32;
	_ =	sdelay $0x1  }
0xff: {  	v47 =	vmul.f32 v49, v24;
	v32 =	vadd.f32 v46, v32;
	_ =	sdelay $0x1  }
0x100: {  	v49 =	vmul.f32 v48, v25;
	v32 =	vadd.f32 v47, v32  }
0x101: {  	v52 =	vmul.f32 v33, v26;
	v51 =	vadd.f32 v37, v36  }
0x102: {  	v53 =	vmul.f32 v50, v26;
	v32 =	vadd.f32 v49, v32  }
0x103: {  	v33 =	vadd.f32 v52, v51;
	v54 =	vpop (erf)  }
0x104: {  	v32 =	vadd.f32 v53, v32;
	v55 =	vmul.f32 v54, v29  }
0x105: {  	v56 =	vperm.xlane v33, v0  }
0x106: {  	v57 =	vperm.xlane v32, v0;
	v31 =	vadd.f32 v55, v31  }
0x107: {  	v33 =	vadd.f32 v56, v33  }
0x108: {  	v32 =	vadd.f32 v57, v32;
	v31 =	vmul.f32 $5.000000000e-01, v31  }
0x109: {  	v58 =	vperm.xlane v33, v1  }
0x10a: {  	v59 =	vperm.xlane v32, v1;
	v31 =	vsub.f32 $0.0e+00, v31  }
0x10b: {  	v33 =	vadd.f32 v58, v33  }
0x10c: {  	v32 =	vadd.f32 v59, v32;
	v31 =	vmul.f32 $1.442695020e+00, v31  }
0x10d: {  	v34 =	vperm.xlane v33, v2;
	vm15 =	vgt.f32 v29, $0.0e+00  }
0x10e: {  	s23 =	sshll.u32 s5, $0x4;
	v29 =	vperm.xlane v32, v2;
	v31 =	vnsel vm15, $0x0, v31  }
0x10f: {  	s3 =	sand.u32 $0x3FFFFFF0, s23;
	v33 =	vadd.f32 v34, v33;
	(erf) = vpow2.f32 v31  }
0x110: {  	v60 =	vld [tilespmem:s3+$0x4980];
	v29 =	vadd.f32 v29, v32  }
0x111: {  	v61 =	vperm.xlane v33, v3  }
0x112: {  	v62 =	vperm.xlane v29, v3  }
0x113: {  	v32 =	vadd.f32 v61, v33  }
0x114: {  	v28 =	vsel vm3, v30, v28;
	v29 =	vadd.f32 v62, v29  }
0x115: {  	s5 =	sadd.s32 $0x1, s5;
	v63 =	vmul.f32 v60, v6;
	v28 =	vsel vm2, v32, v28  }
0x116: {  	p0 =	sne.s32 s5, $0x8;
	v28 =	vsel vm0, v29, v28  }
.Ltmp1:
0x117: {  	v28 =	vadd.f32 v63, v28;
	(pc) =	sbr.rel @p0 .LBB2_4-.Ltmp1, $3  }
0x118: {  	v29 =	vpop (erf)  }
0x119: {  	v28 =	vmul.f32 v28, v29;
	_ =	sdelay $0x1  }
0x11a: {  	s0 =	sadd.s32 $0x800, s0;
	v10 =	vadd.f32 v29, v10;
	v9 =	vadd.f32 v28, v9  }
0x11b: {  	s3 =	sor.u32 $0x10, s31  }
0x11c: {  	s0 =	simm.s32 $0x0;
	s5 =	sadd.s32 s4, s3  }
0x11d: {  	[tilespmem:s19], [sflag:$0x1] =	stream.linear.gather [hbm4b:s5+s0], $0x80, $0x38;
	[tilespmem:$0x4B00] =	vst v63  }
0x11e: {  	_ =	swait.ge [sflag:s15], $0x80  }
0x11f: {  	[sflag:s15] =	ssyncset.done $0x0  }
0x120: {  	[sflag:s15] =	ssyncadd.s32 $0xFFFFFF80  }
0x121: {  	[tilespmem:s20], [sflag:$0x1] =	stream.indirect.gather [hbm4b:s1+s17], $0x80, s19, s17, $0xb8;
	[tilespmem:$0x4B00] =	vst v63  }
0x122: {  	_ =	swait.ge [sflag:s15], $0x4000  }
0x123: {  	[sflag:s15] =	ssyncset.done $0x0  }
0x124: {  	s3 =	sadd.s32 s6, s3;
	[sflag:s15] =	ssyncadd.s32 $0xFFFFC000  }
0x125: {  	[tilespmem:s21], [sflag:$0x1] =	stream.linear.gather [hbm4b:s3+s0], $0x80, $0x38;
	[tilespmem:$0x4B00] =	vst v63  }
0x126: {  	_ =	swait.ge [sflag:s15], $0x80  }
0x127: {  	[sflag:s15] =	ssyncset.done $0x0  }
0x128: {  	[sflag:s15] =	ssyncadd.s32 $0xFFFFFF80  }
0x129: {  	[tilespmem:s22], [sflag:$0x1] =	stream.indirect.gather [hbm4b:s10+s17], $0x1, s21, s17, $0xb8;
	[tilespmem:$0x4B00] =	vst v63  }
0x12a: {  	_ =	swait.ge [sflag:s15], $0x80  }
0x12b: {  	[sflag:s15] =	ssyncset.done $0x0  }
0x12c: {  	[sflag:s15] =	ssyncadd.s32 $0xFFFFFF80  }
0x12d: {  	v11 =	vld [tilespmem:s30+$0x100]  }
0x12e: {  	v12 =	vld [tilespmem:s30+$0x110]  }
0x12f: {  	v13 =	vld [tilespmem:s30+$0x120]  }
0x130: {  	v14 =	vld [tilespmem:s30+$0x130]  }
0x131: {  	v15 =	vld [tilespmem:s30+$0x140]  }
0x132: {  	v16 =	vld [tilespmem:s30+$0x150]  }
0x133: {  	v17 =	vld [tilespmem:s30+$0x160]  }
0x134: {  	v18 =	vld [tilespmem:s30+$0x170]  }
0x135: {  	v19 =	vld [tilespmem:s30+$0x500]  }
0x136: {  	v20 =	vld [tilespmem:s30+$0x510]  }
0x137: {  	v21 =	vld [tilespmem:s30+$0x520]  }
0x138: {  	v26 =	vld [tilespmem:s30+$0x570]  }
0x139: {  	v22 =	vld [tilespmem:s30+$0x530]  }
0x13a: {  	v23 =	vld [tilespmem:s30+$0x540]  }
0x13b: {  	v24 =	vld [tilespmem:s30+$0x550]  }
0x13c: {  	s5 =	simm.s32 $0x940;
	v25 =	vld [tilespmem:s30+$0x560];
	s30 =	simm.s32 $0x0  }
.LBB2_8:
0x13d: {  	v27 =	vld [tilespmem:s5+$0xFFFFFFC0]  }
0x13e: {  	v28 =	vld [tilespmem:s5+$0xFFFFFFD0];
	_ =	sdelay $0x2  }
0x13f: {  	v29 =	vld [tilespmem:s5+$0xFFFFFFE0]  }
0x140: {  	v30 =	vld [tilespmem:s5+$0xFFFFFFF0]  }
0x141: {  	s3 =	sadd.s32 $0x80, s5;
	v27 =	vsub.f32 v11, v27;
	v28 =	vsub.f32 v12, v28  }
0x142: {  	v37 =	vld [tilespmem:s3+$0x0]  }
0x143: {  	v32 =	vld [tilespmem:s5+$0x0];
	v31 =	vmul.f32 v27, v19;
	v33 =	vmul.f32 v28, v20  }
0x144: {  	v34 =	vld [tilespmem:s5+$0x10];
	v29 =	vsub.f32 v13, v29;
	v27 =	vmul.f32 v27, v27;
	v28 =	vmul.f32 v28, v28  }
0x145: {  	v30 =	vsub.f32 v14, v30;
	v31 =	vadd.f32 $0.0e+00, v31  }
0x146: {  	v35 =	vld [tilespmem:s5+$0x20];
	v38 =	vmul.f32 v29, v21;
	v29 =	vmul.f32 v29, v29;
	v27 =	vadd.f32 v28, v27  }
0x147: {  	v53 =	vsub.f32 v15, v37;
	v39 =	vmul.f32 v30, v22;
	v31 =	vadd.f32 v33, v31  }
0x148: {  	v45 =	vld [tilespmem:s3+$0xFFFFFFD0];
	v30 =	vmul.f32 v30, v30;
	v28 =	vsub.f32 v15, v32;
	v27 =	vadd.f32 v29, v27  }
0x149: {  	v46 =	vld [tilespmem:s3+$0xFFFFFFF0];
	v29 =	vsub.f32 v16, v34;
	v31 =	vadd.f32 v38, v31  }
0x14a: {  	v40 =	vld [tilespmem:s5+$0x30];
	v41 =	vmul.f32 v28, v23;
	v28 =	vmul.f32 v28, v28;
	v27 =	vadd.f32 v30, v27  }
0x14b: {  	v30 =	vsub.f32 v17, v35;
	v31 =	vadd.f32 v39, v31  }
0x14c: {  	v42 =	vmul.f32 v29, v24;
	v29 =	vmul.f32 v29, v29;
	v27 =	vadd.f32 v28, v27  }
0x14d: {  	v55 =	vld [tilespmem:s3+$0x30];
	v56 =	vmul.f32 v53, v23;
	v32 =	vsub.f32 v12, v45;
	v31 =	vadd.f32 v41, v31  }
0x14e: {  	v44 =	vld [tilespmem:s3+$0xFFFFFFC0];
	v33 =	vsub.f32 v14, v46;
	v27 =	vadd.f32 v29, v27;
	v29 =	vmul.f32 v30, v30  }
0x14f: {  	v28 =	vsub.f32 v18, v40;
	v43 =	vmul.f32 v30, v25;
	v31 =	vadd.f32 v42, v31  }
0x150: {  	v50 =	vmul.f32 v32, v20;
	v32 =	vmul.f32 v32, v32;
	v27 =	vadd.f32 v29, v27;
	v29 =	vld [tilespmem:s3+$0xFFFFFFE0]  }
0x151: {  	v54 =	vmul.f32 v33, v22;
	v39 =	vld [tilespmem:s3+$0x20];
	v30 =	vadd.f32 v43, v31;
	v31 =	vmul.f32 v28, v26  }
0x152: {  	v60 =	vsub.f32 v18, v55;
	v33 =	vmul.f32 v33, v33;
	v28 =	vmul.f32 v28, v28  }
0x153: {  	v40 =	vmov s0;
	v30 =	vadd.f32 v31, v30;
	v31 =	vsub.f32 v11, v44  }
0x154: {  	vm0 =	veq.s32 v40, v4;
	v41 =	vmul.f32 v60, v26;
	v28 =	vadd.f32 v28, v27  }
0x155: {  	v51 =	vld [tilespmem:s3+$0x10];
	v29 =	vsub.f32 v13, v29;
	v47 =	vperm.xlane v30, v0;
	v48 =	vmul.f32 v31, v19  }
0x156: {  	v58 =	vsub.f32 v17, v39;
	v36 =	vperm.xlane v28, v0;
	v31 =	vmul.f32 v31, v31  }
0x157: {  	s3 =	sadd.s32 $0x80, s3;
	v52 =	vmul.f32 v29, v21;
	v30 =	vadd.f32 v47, v30;
	v49 =	vadd.f32 $0.0e+00, v48  }
0x158: {  	v42 =	vld [tilespmem:s3+$0xFFFFFFD0];
	v29 =	vmul.f32 v29, v29;
	v28 =	vadd.f32 v28, v36;
	v31 =	vadd.f32 v32, v31  }
0x159: {  	v61 =	vmul.f32 v58, v25;
	v44 =	vld [tilespmem:s3+$0xFFFFFFE0];
	v34 =	vadd.f32 v50, v49;
	v38 =	vperm.xlane v30, v1  }
0x15a: {  	v40 =	vld [tilespmem:s3+$0x0];
	v29 =	vadd.f32 v29, v31;
	v31 =	vsub.f32 v16, v51;
	v43 =	vperm.xlane v28, v1  }
0x15b: {  	v27 =	vimm.f32 $0.0e+00;
	v34 =	vadd.f32 v52, v34;
	v30 =	vadd.f32 v38, v30  }
0x15c: {  	v32 =	vmul.f32 v53, v53;
	v29 =	vadd.f32 v33, v29;
	v28 =	vadd.f32 v28, v43  }
0x15d: {  	v45 =	vld [tilespmem:s3+$0xFFFFFFF0];
	v59 =	vmul.f32 v31, v24;
	v38 =	vsub.f32 v12, v42;
	v34 =	vadd.f32 v54, v34  }
0x15e: {  	v50 =	vld [tilespmem:s3+$0x10];
	v31 =	vmul.f32 v31, v31;
	v33 =	vsub.f32 v13, v44;
	v29 =	vadd.f32 v32, v29  }
0x15f: {  	v62 =	vld [tilespmem:s3+$0xFFFFFFC0];
	v52 =	vsub.f32 v15, v40;
	v57 =	vperm.xlane v30, v2;
	v34 =	vadd.f32 v56, v34  }
0x160: {  	v39 =	vperm.xlane v28, v2;
	v29 =	vadd.f32 v31, v29;
	v31 =	vmul.f32 v58, v58  }
0x161: {  	v49 =	vmul.f32 v38, v20;
	v38 =	vmul.f32 v38, v38;
	v34 =	vadd.f32 v59, v34  }
0x162: {  	v42 =	vld [tilespmem:s3+$0x20];
	v32 =	vsub.f32 v14, v45;
	v29 =	vadd.f32 v31, v29;
	v31 =	vmul.f32 v60, v60  }
0x163: {  	v51 =	vmul.f32 v33, v21;
	v55 =	vsub.f32 v16, v50;
	v34 =	vadd.f32 v61, v34  }
0x164: {  	v33 =	vmul.f32 v33, v33;
	v54 =	vld [tilespmem:s3+$0x30];
	v29 =	vadd.f32 v31, v29;
	v31 =	vsub.f32 v11, v62  }
0x165: {  	v30 =	vadd.f32 v57, v30;
	v53 =	vmul.f32 v32, v22;
	v32 =	vmul.f32 v32, v32  }
0x166: {  	v56 =	vmul.f32 v52, v23;
	v34 =	vadd.f32 v41, v34;
	v47 =	vmul.f32 v31, v19  }
0x167: {  	v57 =	vmul.f32 v52, v52;
	v58 =	vsub.f32 v17, v42;
	v63 =	vperm.xlane v30, v3  }
0x168: {  	v59 =	vmul.f32 v55, v24;
	v35 =	vperm.xlane v34, v0;
	v48 =	vadd.f32 $0.0e+00, v47  }
0x169: {  	v30 =	vadd.f32 v63, v30;
	v61 =	vsub.f32 v18, v54;
	v31 =	vmul.f32 v31, v31  }
0x16a: {  	s9 =	simm.s32 $0x1;
	v62 =	vmul.f32 v58, v25;
	v34 =	vadd.f32 v35, v34;
	v35 =	vadd.f32 v49, v48  }
0x16b: {  	v63 =	vmov s9;
	v46 =	vperm.xlane v29, v0;
	v31 =	vadd.f32 v38, v31  }
0x16c: {  	vm1 =	veq.s32 v63, v4;
	v41 =	vperm.xlane v34, v1;
	v35 =	vadd.f32 v51, v35  }
0x16d: {  	s3 =	sadd.s32 $0x80, s3;
	v30 =	vsel vm0, v30, v27;
	v29 =	vadd.f32 v29, v46;
	v31 =	vadd.f32 v33, v31  }
0x16e: {  	vm0 =	vmmov vm0;
	v48 =	vld [tilespmem:s3+$0xFFFFFFD0];
	v34 =	vadd.f32 v41, v34;
	v35 =	vadd.f32 v53, v35  }
0x16f: {  	v33 =	vmul.f32 v55, v55;
	v50 =	vperm.xlane v29, v1;
	v55 =	vld [tilespmem:s3+$0x0];
	v31 =	vadd.f32 v32, v31  }
0x170: {  	vm0 =	vmmov vm0;
	v41 =	vperm.xlane v34, v2;
	v35 =	vadd.f32 v56, v35  }
0x171: {  	v47 =	vmul.f32 v61, v26;
	v29 =	vadd.f32 v29, v50;
	v31 =	vadd.f32 v57, v31  }
0x172: {  	v44 =	vld [tilespmem:s3+$0xFFFFFFC0];
	vm3 =	vmmov vm0;
	v34 =	vadd.f32 v41, v34;
	v35 =	vadd.f32 v59, v35  }
0x173: {  	v32 =	vmul.f32 v58, v58;
	v51 =	vld [tilespmem:s3+$0xFFFFFFE0];
	v36 =	vsub.f32 v12, v48;
	v31 =	vadd.f32 v33, v31  }
0x174: {  	v52 =	vld [tilespmem:s3+$0xFFFFFFF0];
	v42 =	vsub.f32 v15, v55;
	v60 =	vperm.xlane v34, v3;
	v46 =	vadd.f32 v62, v35  }
0x175: {  	v49 =	vmul.f32 v61, v61;
	v31 =	vadd.f32 v32, v31;
	v35 =	vadd.f32 v28, v39  }
0x176: {  	v40 =	vperm.xlane v29, v2;
	v45 =	vadd.f32 v60, v34;
	v34 =	vadd.f32 v47, v46  }
0x177: {  	v58 =	vmul.f32 v36, v20;
	v28 =	vadd.f32 v49, v31;
	v31 =	vsub.f32 v11, v44  }
0x178: {  	v56 =	vsub.f32 v13, v51;
	v36 =	vmul.f32 v36, v36;
	v53 =	vperm.xlane v34, v0  }
0x179: {  	v32 =	vsub.f32 v14, v52;
	v54 =	vperm.xlane v28, v0;
	v41 =	vmul.f32 v31, v19  }
0x17a: {  	v63 =	vmul.f32 v42, v42;
	v44 =	vmul.f32 v56, v56;
	v33 =	vadd.f32 v53, v34  }
0x17b: {  	v61 =	vmul.f32 v32, v32;
	v57 =	vadd.f32 v28, v54;
	v28 =	vadd.f32 $0.0e+00, v41  }
0x17c: {  	v29 =	vadd.f32 v29, v40;
	v59 =	vld [tilespmem:s3+$0x10];
	v31 =	vmul.f32 v31, v31;
	v43 =	vperm.xlane v33, v1  }
0x17d: {  	s23 =	simm.s32 $0x2;
	v32 =	vmul.f32 v32, v22;
	v28 =	vadd.f32 v58, v28;
	v34 =	vmul.f32 v56, v21  }
0x17e: {  	v49 =	vmov s23;
	v60 =	vld [tilespmem:s3+$0x20];
	v31 =	vadd.f32 v36, v31;
	v33 =	vadd.f32 v43, v33  }
0x17f: {  	vm2 =	veq.s32 v49, v4;
	v38 =	vperm.xlane v35, v3;
	v28 =	vadd.f32 v34, v28  }
0x180: {  	v62 =	vld [tilespmem:s3+$0x30];
	v30 =	vsel vm1, v45, v30;
	v31 =	vadd.f32 v44, v31;
	v43 =	vperm.xlane v33, v2  }
0x181: {  	v41 =	vsub.f32 v16, v59;
	v45 =	vmul.f32 v42, v23;
	v28 =	vadd.f32 v32, v28  }
0x182: {  	vm0 =	vmmov vm2;
	v31 =	vadd.f32 v61, v31;
	v33 =	vadd.f32 v43, v33  }
0x183: {  	v47 =	vmul.f32 v41, v24;
	v39 =	vsub.f32 v17, v60;
	v28 =	vadd.f32 v45, v28  }
0x184: {  	s3 =	sadd.s32 $0x80, s3;
	v46 =	vmul.f32 v41, v41;
	v31 =	vadd.f32 v63, v31;
	v48 =	vperm.xlane v33, v3  }
0x185: {  	v56 =	vld [tilespmem:s3+$0xFFFFFFE0];
	v34 =	vsub.f32 v18, v62;
	v50 =	vmul.f32 v39, v25;
	v28 =	vadd.f32 v47, v28  }
0x186: {  	v52 =	vld [tilespmem:s3+$0xFFFFFFC0];
	v51 =	vmul.f32 v39, v39;
	v31 =	vadd.f32 v46, v31;
	v33 =	vadd.f32 v48, v33  }
0x187: {  	vm1 =	vmmov vm1;
	v62 =	vld [tilespmem:s3+$0x0];
	v53 =	vmul.f32 v34, v26;
	v32 =	vadd.f32 v50, v28  }
0x188: {  	v54 =	vmul.f32 v34, v34;
	v31 =	vadd.f32 v51, v31;
	v28 =	vsel vm2, v33, v30;
	v30 =	vld [tilespmem:s3+$0xFFFFFFD0]  }
0x189: {  	v35 =	vadd.f32 v35, v38;
	v55 =	vperm.xlane v57, v1;
	v58 =	vld [tilespmem:s3+$0xFFFFFFF0];
	v41 =	vadd.f32 v53, v32  }
0x18a: {  	vm1 =	vmmov vm1;
	v36 =	vsub.f32 v13, v56;
	v33 =	vadd.f32 v54, v31  }
0x18b: {  	v31 =	vadd.f32 v57, v55;
	v57 =	vsub.f32 v11, v52;
	v59 =	vperm.xlane v41, v0  }
0x18c: {  	v45 =	vmul.f32 v36, v36;
	v36 =	vmul.f32 v36, v21;
	v43 =	vsub.f32 v15, v62  }
0x18d: {  	v61 =	vmul.f32 v57, v19;
	v40 =	vadd.f32 v59, v41;
	v30 =	vsub.f32 v12, v30  }
0x18e: {  	v39 =	vsub.f32 v14, v58;
	v56 =	vmul.f32 v43, v43;
	v60 =	vperm.xlane v33, v0  }
0x18f: {  	v50 =	vld [tilespmem:s3+$0x10];
	v48 =	vadd.f32 $0.0e+00, v61;
	v51 =	vperm.xlane v40, v1;
	v49 =	vmul.f32 v30, v20  }
0x190: {  	v63 =	vmul.f32 v57, v57;
	v37 =	vadd.f32 v33, v60;
	v30 =	vmul.f32 v30, v30  }
0x191: {  	v32 =	vperm.xlane v29, v3;
	v52 =	vld [tilespmem:s3+$0x20];
	v40 =	vadd.f32 v51, v40;
	v33 =	vadd.f32 v49, v48  }
0x192: {  	v53 =	vmul.f32 v39, v39;
	vm2 =	vmmov vm3;
	v30 =	vadd.f32 v30, v63  }
0x193: {  	v54 =	vmul.f32 v39, v22;
	v55 =	vld [tilespmem:s3+$0x30];
	v44 =	vperm.xlane v40, v2;
	v33 =	vadd.f32 v36, v33  }
0x194: {  	v42 =	vsub.f32 v16, v50;
	v34 =	vperm.xlane v31, v2;
	v30 =	vadd.f32 v45, v30  }
0x195: {  	v57 =	vmul.f32 v43, v23;
	v40 =	vadd.f32 v44, v40;
	v33 =	vadd.f32 v54, v33  }
0x196: {  	v58 =	vmul.f32 v42, v42;
	v59 =	vsub.f32 v17, v52;
	v30 =	vadd.f32 v53, v30  }
0x197: {  	v60 =	vmul.f32 v42, v24;
	v61 =	vperm.xlane v40, v3;
	v36 =	vadd.f32 v57, v33  }
0x198: {  	s31 =	simm.s32 $0x3;
	v38 =	vmul.f32 v59, v25;
	v62 =	vadd.f32 v56, v30;
	v33 =	vsub.f32 v18, v55  }
0x199: {  	s3 =	sadd.s32 $0x80, s3;
	v63 =	vmov s31;
	v30 =	vadd.f32 v61, v40;
	v36 =	vadd.f32 v60, v36  }
0x19a: {  	s14 =	simm.s32 $0x5;
	s9 =	simm.s32 $0x6;
	s23 =	simm.s32 $0x4;
	v41 =	vld [tilespmem:s3+$0xFFFFFFC0];
	vm3 =	veq.s32 v63, v4;
	v40 =	vmul.f32 v59, v59;
	v39 =	vadd.f32 v58, v62  }
.LBB2_9:
0x19b: {  	v36 =	vadd.f32 v38, v36;
	v38 =	vmul.f32 v33, v26;
	v28 =	vsel vm3, v30, v28  }
0x19c: {  	p0 =	sne.s32 s9, $0xF;
	vm4 =	vmmov vm1;
	vm1 =	vmmov vm0;
	vm0 =	vmmov vm3  }
0x19d: {  	v33 =	vmul.f32 v33, v33;
	v30 =	vld [tilespmem:s3+$0xFFFFFFD0];
	v39 =	vadd.f32 v40, v39;
	v40 =	vperm.xlane v37, v1  }
0x19e: {  	v27 =	vsel vm2, v35, v27;
	v42 =	vld [tilespmem:s3+$0xFFFFFFE0];
	v36 =	vadd.f32 v38, v36;
	v38 =	vadd.f32 v31, v34  }
0x19f: {  	vm2 =	vmmov vm4;
	v33 =	vadd.f32 v33, v39;
	v31 =	vadd.f32 v37, v40  }
0x1a0: {  	v37 =	vsub.f32 v11, v41;
	v39 =	vld [tilespmem:s3+$0xFFFFFFF0];
	v40 =	vperm.xlane v36, v0;
	v41 =	vperm.xlane v38, v3  }
0x1a1: {  	v35 =	vadd.f32 v29, v32;
	v29 =	vmovc v38;
	v43 =	vperm.xlane v33, v0;
	v34 =	vperm.xlane v31, v2  }
0x1a2: {  	v38 =	vmul.f32 v37, v19;
	v30 =	vsub.f32 v12, v30;
	v44 =	vld [tilespmem:s3+$0x0];
	v36 =	vadd.f32 v40, v36;
	v32 =	vmovc v41  }
0x1a3: {  	v40 =	vmul.f32 v37, v37;
	v41 =	vsub.f32 v13, v42;
	v37 =	vadd.f32 v33, v43  }
0x1a4: {  	v33 =	vadd.f32 $0.0e+00, v38;
	v38 =	vmul.f32 v30, v20;
	v42 =	vld [tilespmem:s3+$0x10];
	v43 =	vperm.xlane v36, v1  }
0x1a5: {  	v30 =	vmul.f32 v30, v30;
	v45 =	vmul.f32 v41, v41;
	v39 =	vsub.f32 v14, v39  }
0x1a6: {  	v33 =	vadd.f32 v38, v33;
	v38 =	vmul.f32 v41, v21;
	v41 =	vld [tilespmem:s3+$0x20];
	v36 =	vadd.f32 v43, v36  }
0x1a7: {  	v30 =	vadd.f32 v30, v40;
	v40 =	vmul.f32 v39, v39;
	v43 =	vsub.f32 v15, v44  }
0x1a8: {  	v33 =	vadd.f32 v38, v33;
	v38 =	vmul.f32 v39, v22;
	v39 =	vld [tilespmem:s3+$0x30];
	v44 =	vperm.xlane v36, v2  }
0x1a9: {  	v30 =	vadd.f32 v45, v30;
	v45 =	vmul.f32 v43, v43;
	v42 =	vsub.f32 v16, v42  }
0x1aa: {  	v33 =	vadd.f32 v38, v33;
	v38 =	vmul.f32 v43, v23;
	v43 =	vadd.f32 v44, v36  }
.Ltmp2:
0x1ab: {  	v30 =	vadd.f32 v40, v30;
	v40 =	vmul.f32 v42, v42;
	v44 =	vsub.f32 v17, v41;
	(pc) =	sbr.rel @p0 .LBB2_9-.Ltmp2, $4  }
0x1ac: {  	v36 =	vadd.f32 v38, v33;
	v38 =	vmul.f32 v42, v24;
	v41 =	vperm.xlane v43, v3  }
0x1ad: {  	v42 =	vadd.f32 v45, v30;
	v45 =	vmov s23;
	s23 =	smov.u32 s14;
	s14 =	smov.u32 s9;
	v33 =	vsub.f32 v18, v39  }
0x1ae: {  	s3 =	sadd.s32 $0x80, s3;
	v36 =	vadd.f32 v38, v36;
	v38 =	vmul.f32 v44, v25;
	v30 =	vadd.f32 v41, v43  }
0x1af: {  	s9 =	sadd.s32 $0x1, s9;
	vm3 =	veq.s32 v45, v4;
	v39 =	vadd.f32 v40, v42;
	v40 =	vmul.f32 v44, v44;
	v41 =	vld [tilespmem:s3+$0xFFFFFFC0]  }
0x1b0: {  	v42 =	vld [tilespmem:s3+$0xFFFFFFD0];
	_ =	sdelay $0x1  }
0x1b1: {  	v43 =	vld [tilespmem:s3+$0xFFFFFFE0];
	_ =	sdelay $0x1  }
0x1b2: {  	v44 =	vld [tilespmem:s3+$0xFFFFFFF0]  }
0x1b3: {  	v41 =	vsub.f32 v11, v41;
	v42 =	vsub.f32 v12, v42  }
0x1b4: {  	v45 =	vld [tilespmem:s3+$0x0]  }
0x1b5: {  	v43 =	vsub.f32 v13, v43;
	v46 =	vmul.f32 v41, v41;
	v47 =	vmul.f32 v42, v42  }
0x1b6: {  	v48 =	vld [tilespmem:s3+$0x10]  }
0x1b7: {  	v44 =	vsub.f32 v14, v44;
	v49 =	vmul.f32 v43, v43;
	v46 =	vadd.f32 v47, v46  }
0x1b8: {  	v53 =	vld [tilespmem:s3+$0x20]  }
0x1b9: {  	v45 =	vsub.f32 v15, v45;
	v50 =	vmul.f32 v44, v44;
	v46 =	vadd.f32 v49, v46  }
0x1ba: {  	v54 =	vld [tilespmem:s3+$0x30]  }
0x1bb: {  	v48 =	vsub.f32 v16, v48;
	v55 =	vmul.f32 v45, v45;
	v46 =	vadd.f32 v50, v46;
	_ =	sdelay $0x1  }
0x1bc: {  	v56 =	vmul.f32 v48, v48;
	v47 =	vsub.f32 v17, v53;
	v46 =	vadd.f32 v55, v46;
	_ =	sdelay $0x1  }
0x1bd: {  	v49 =	vsub.f32 v18, v54;
	v58 =	vmul.f32 v47, v47;
	v46 =	vadd.f32 v56, v46  }
0x1be: {  	v57 =	vmul.f32 v33, v33;
	v39 =	vadd.f32 v40, v39  }
0x1bf: {  	v60 =	vmul.f32 v49, v49;
	v59 =	vadd.f32 v58, v46  }
0x1c0: {  	v39 =	vadd.f32 v57, v39  }
0x1c1: {  	v62 =	vperm.xlane v37, v1;
	v31 =	vadd.f32 v31, v34;
	v40 =	vadd.f32 v60, v59  }
0x1c2: {  	v27 =	vsel vm2, v35, v27;
	v29 =	vadd.f32 v29, v32;
	v61 =	vperm.xlane v39, v0  }
0x1c3: {  	vm1 =	vmmov vm1;
	vm0 =	vmmov vm0;
	v51 =	vperm.xlane v40, v0  }
0x1c4: {  	vm14 =	vmmov vm3;
	vm1 =	vmmov vm1;
	v63 =	vadd.f32 v39, v61  }
0x1c5: {  	vm0 =	vmmov vm0;
	v27 =	vsel vm1, v29, v27;
	v53 =	vadd.f32 v40, v51  }
0x1c6: {  	vm1 =	vmmov vm14;
	v52 =	vperm.xlane v63, v1;
	v46 =	vadd.f32 v37, v62  }
0x1c7: {  	vm0 =	vmmov vm0;
	vm1 =	vmmov vm1;
	v57 =	vperm.xlane v53, v1  }
0x1c8: {  	vm1 =	vmmov vm1;
	v32 =	vadd.f32 v63, v52;
	v54 =	vperm.xlane v46, v2  }
0x1c9: {  	v61 =	vmov s14;
	v55 =	vperm.xlane v31, v3;
	v35 =	vadd.f32 v53, v57  }
0x1ca: {  	v50 =	vmov s23;
	v58 =	vperm.xlane v32, v2;
	v56 =	vadd.f32 v46, v54  }
0x1cb: {  	vm2 =	veq.s32 v50, v4;
	v31 =	vadd.f32 v31, v55;
	v60 =	vperm.xlane v35, v2  }
0x1cc: {  	vm4 =	vmmov vm2;
	v32 =	vadd.f32 v32, v58;
	v59 =	vperm.xlane v56, v3  }
0x1cd: {  	vm4 =	vmmov vm4;
	v27 =	vsel vm0, v31, v27;
	v31 =	vadd.f32 v35, v60  }
0x1ce: {  	vm0 =	veq.s32 v61, v4;
	v62 =	vperm.xlane v32, v3;
	v29 =	vadd.f32 v56, v59  }
0x1cf: {  	vm4 =	vmmov vm4;
	vm15 =	vmmov vm0;
	v63 =	vperm.xlane v31, v3  }
0x1d0: {  	v32 =	vadd.f32 v32, v62;
	v27 =	vsel vm1, v29, v27;
	vm1 =	vmmov vm15  }
0x1d1: {  	vm4 =	vmmov vm4;
	vm1 =	vmmov vm1;
	v29 =	vadd.f32 v31, v63  }
0x1d2: {  	v27 =	vsel vm4, v32, v27;
	vm1 =	vmmov vm1  }
0x1d3: {  	v27 =	vsel vm1, v29, v27  }
0x1d4: {  	vm1 =	vge.f32 v27, $9.765625000e-04  }
0x1d5: {  	vm4 =	vge.f32 v27, $3.906250000e-03;
	v34 =	vsel vm1, $0x3D000000, v5  }
0x1d6: {  	vm5 =	vge.f32 v27, $1.562500000e-02;
	v29 =	vsel vm4, $0x3D800000, v34  }
0x1d7: {  	vm6 =	vge.f32 v27, $6.250000000e-02;
	v29 =	vsel vm5, $0x3E000000, v29  }
0x1d8: {  	vm7 =	vge.f32 v27, $2.500000000e-01;
	v29 =	vsel vm6, $0x3E800000, v29  }
0x1d9: {  	vm8 =	vge.f32 v27, $1.000000000e+00;
	v29 =	vsel vm7, $0x3F000000, v29  }
0x1da: {  	vm9 =	vge.f32 v27, $4.000000000e+00;
	v29 =	vsel vm8, $0x3F800000, v29  }
0x1db: {  	vm10 =	vge.f32 v27, $1.600000000e+01;
	v29 =	vsel vm9, $0x40000000, v29  }
0x1dc: {  	vm11 =	vge.f32 v27, $6.400000000e+01;
	v29 =	vsel vm10, $0x40800000, v29  }
0x1dd: {  	vm12 =	vge.f32 v27, $2.560000000e+02;
	v29 =	vsel vm11, $0x41000000, v29  }
0x1de: {  	vm13 =	vge.f32 v27, $1.024000000e+03;
	v29 =	vsel vm12, $0x41800000, v29  }
0x1df: {  	vm14 =	vge.f32 v27, $4.096000000e+03;
	v29 =	vsel vm13, $0x42000000, v29  }
0x1e0: {  	v29 =	vsel vm14, $0x42800000, v29  }
0x1e1: {  	(erf) = vrcp.f32 v29;
	_ =	sdelay $0x8  }
0x1e2: {  	v35 =	vpop (erf)  }
0x1e3: {  	v31 =	vmul.f32 v35, v27;
	_ =	sdelay $0x1  }
0x1e4: {  	v29 =	vadd.f32 v31, v29;
	_ =	sdelay $0x1  }
0x1e5: {  	v29 =	vmul.f32 $5.000000000e-01, v29;
	_ =	sdelay $0x1  }
0x1e6: {  	(erf) = vrcp.f32 v29;
	_ =	sdelay $0x8  }
0x1e7: {  	v37 =	vpop (erf)  }
0x1e8: {  	v31 =	vmul.f32 v37, v27;
	_ =	sdelay $0x1  }
0x1e9: {  	v29 =	vadd.f32 v31, v29;
	_ =	sdelay $0x1  }
0x1ea: {  	v29 =	vmul.f32 $5.000000000e-01, v29;
	_ =	sdelay $0x1  }
0x1eb: {  	(erf) = vrcp.f32 v29;
	_ =	sdelay $0x8  }
0x1ec: {  	v39 =	vpop (erf)  }
0x1ed: {  	v40 =	vmul.f32 v41, v19;
	v31 =	vmul.f32 v39, v27;
	_ =	sdelay $0x1  }
0x1ee: {  	v41 =	vmul.f32 v42, v20;
	v32 =	vadd.f32 $0.0e+00, v40;
	v29 =	vadd.f32 v31, v29;
	_ =	sdelay $0x1  }
0x1ef: {  	v43 =	vmul.f32 v43, v21;
	v42 =	vadd.f32 v41, v32;
	v29 =	vmul.f32 $5.000000000e-01, v29;
	_ =	sdelay $0x1  }
0x1f0: {  	v44 =	vmul.f32 v44, v22;
	v31 =	vadd.f32 v43, v42;
	(erf) = vrcp.f32 v29;
	_ =	sdelay $0x1  }
0x1f1: {  	v46 =	vmul.f32 v45, v23;
	v31 =	vadd.f32 v44, v31;
	_ =	sdelay $0x1  }
0x1f2: {  	v48 =	vmul.f32 v48, v24;
	v31 =	vadd.f32 v46, v31;
	_ =	sdelay $0x1  }
0x1f3: {  	v50 =	vmul.f32 v47, v25;
	v31 =	vadd.f32 v48, v31  }
0x1f4: {  	v52 =	vmul.f32 v33, v26;
	v51 =	vadd.f32 v38, v36  }
0x1f5: {  	v53 =	vmul.f32 v49, v26;
	v31 =	vadd.f32 v50, v31  }
0x1f6: {  	v33 =	vadd.f32 v52, v51;
	v54 =	vpop (erf)  }
0x1f7: {  	v31 =	vadd.f32 v53, v31;
	v55 =	vmul.f32 v54, v27  }
0x1f8: {  	v56 =	vperm.xlane v33, v0  }
0x1f9: {  	v57 =	vperm.xlane v31, v0;
	v29 =	vadd.f32 v55, v29  }
0x1fa: {  	v58 =	vadd.f32 v56, v33  }
0x1fb: {  	v31 =	vadd.f32 v57, v31;
	v29 =	vmul.f32 $5.000000000e-01, v29  }
0x1fc: {  	v33 =	vperm.xlane v58, v1  }
0x1fd: {  	v59 =	vperm.xlane v31, v1;
	v29 =	vsub.f32 $0.0e+00, v29  }
0x1fe: {  	v32 =	vadd.f32 v33, v58  }
0x1ff: {  	v31 =	vadd.f32 v59, v31;
	v29 =	vmul.f32 $1.442695020e+00, v29  }
0x200: {  	v33 =	vperm.xlane v32, v2;
	vm15 =	vgt.f32 v27, $0.0e+00  }
0x201: {  	s31 =	sshll.u32 s30, $0x4;
	v27 =	vperm.xlane v31, v2;
	v29 =	vnsel vm15, $0x0, v29  }
0x202: {  	s3 =	sand.u32 $0x3FFFFFF0, s31;
	v32 =	vadd.f32 v33, v32;
	(erf) = vpow2.f32 v29  }
0x203: {  	v60 =	vld [tilespmem:s3+$0x4980];
	v27 =	vadd.f32 v27, v31  }
0x204: {  	v61 =	vperm.xlane v32, v3  }
0x205: {  	v62 =	vperm.xlane v27, v3  }
0x206: {  	v31 =	vadd.f32 v61, v32  }
0x207: {  	v28 =	vsel vm3, v30, v28;
	v27 =	vadd.f32 v62, v27  }
0x208: {  	s30 =	sadd.s32 $0x1, s30;
	v28 =	vsel vm2, v31, v28;
	v29 =	vmul.f32 v60, v6  }
0x209: {  	p0 =	sne.s32 s30, $0x8;
	v27 =	vsel vm0, v27, v28  }
.Ltmp3:
0x20a: {  	v27 =	vadd.f32 v29, v27;
	(pc) =	sbr.rel @p0 .LBB2_8-.Ltmp3, $3  }
0x20b: {  	v63 =	vpop (erf)  }
0x20c: {  	v27 =	vmul.f32 v27, v63;
	_ =	sdelay $0x1  }
0x20d: {  	s5 =	sadd.s32 $0x800, s5;
	v10 =	vadd.f32 v63, v10;
	v9 =	vadd.f32 v27, v9  }
0x20e: {  	_ = 	snop  }
0x20f: {  	v11 =	vperm.xlane v10, v0;
	_ =	sdelay $0x1  }
0x210: {  	v10 =	vadd.f32 v11, v10;
	_ =	sdelay $0x1  }
0x211: {  	v11 =	vperm.xlane v10, v1;
	_ =	sdelay $0x1  }
0x212: {  	v10 =	vadd.f32 v11, v10;
	_ =	sdelay $0x1  }
0x213: {  	v11 =	vperm.xlane v10, v2;
	_ =	sdelay $0x1  }
0x214: {  	v10 =	vadd.f32 v11, v10  }
0x215: {  	v12 =	vperm.xlane v9, v0  }
0x216: {  	v11 =	vperm.xlane v10, v3  }
0x217: {  	v9 =	vadd.f32 v12, v9  }
0x218: {  	v10 =	vadd.f32 v11, v10  }
0x219: {  	v11 =	vperm.xlane v9, v1  }
0x21a: {  	v10 =	vadd.f32 $2.943035600e+00, v10  }
0x21b: {  	v9 =	vadd.f32 v11, v9  }
0x21c: {  	(erf) = vrcp.f32 v10  }
0x21d: {  	v10 =	vperm.xlane v9, v2;
	_ =	sdelay $0x1  }
0x21e: {  	v9 =	vadd.f32 v10, v9;
	_ =	sdelay $0x1  }
0x21f: {  	v10 =	vperm.xlane v9, v3  }
0x220: {  	s29 =	sadd.s32 $0x1, s29  }
0x221: {  	p0 =	sne.s32 s29, $0x4  }
.Ltmp4:
0x222: {  	v9 =	vadd.f32 v10, v9;
	(pc) =	sbr.rel @p0 .LBB2_3-.Ltmp4, $3  }
0x223: {  	v10 =	vpop (erf)  }
0x224: {  	v9 =	vmul.f32 v9, v10;
	_ =	sdelay $0x1  }
0x225: {  	v8 =	vadd.f32 v9, v8  }
0x226: {  	v9 =	vmov s25;
	s25 =	sadd.s32 $0x1, s25  }
0x227: {  	p0 =	sne.s32 s25, $0x10  }
.Ltmp5:
0x228: {  	_ = 	snop;
	(pc) =	sbr.rel @p0 .LBB2_2-.Ltmp5, $4  }
0x229: {  	_ = 	snop  }
0x22a: {  	v8 =	vmul.f32 $2.500000000e-01, v8  }
0x22b: {  	vm0 =	veq.s32 v9, v4  }
0x22c: {  	v7 =	vsel vm0, v8, v7  }
0x22d: {  	v7 =	vsub.f32 $0.0e+00, v7;
	_ =	sdelay $0x1  }
0x22e: {  	v7 =	vmul.f32 $1.442695020e+00, v7;
	_ =	sdelay $0x1  }
0x22f: {  	(erf) = vpow2.f32 v7;
	_ =	sdelay $0x8  }
0x230: {  	v7 =	vpop (erf)  }
0x231: {  	v7 =	vadd.f32 $1.000000000e+00, v7;
	_ =	sdelay $0x1  }
0x232: {  	(erf) = vrcp.f32 v7;
	_ =	sdelay $0x8  }
0x233: {  	v8 =	vpop (erf)  }
0x234: {  	s25 =	simm.s32 $0x0;
	s26 =	simm.s32 $0x0;
	v7 =	vimm.f32 $0.0e+00;
	[tilespmem:$0x4A80] =	vst v8  }
.LBB2_14:
0x235: {  	s0 =	sor.u32 s13, s26;
	s3 =	sshll.u32 s26, $0x4  }
0x236: {  	s5 =	sshll.u32 s0, $0x4;
	s3 =	sand.u32 $0x70, s3  }
0x237: {  	s5 =	sand.u32 $0xFFFFF80, s5;
	s3 =	sadd.s32 s7, s3  }
0x238: {  	s3 =	sadd.s32 s5, s3  }
0x239: {  	[tilespmem:s25], [sflag:$0x1] =	stream.linear.gather [hbm4b:s3+s25], $0x80, $0x38;
	[tilespmem:$0x4B00] =	vst v63  }
0x23a: {  	_ =	swait.ge [sflag:s15], $0x80  }
0x23b: {  	[sflag:s15] =	ssyncset.done $0x0  }
0x23c: {  	[sflag:s15] =	ssyncadd.s32 $0xFFFFFF80  }
0x23d: {  	[tilespmem:s17], [sflag:$0x1] =	stream.indirect.gather [hbm4b:s1+s16], $0x80, s25, s16, $0xb8;
	[tilespmem:$0x4B00] =	vst v63  }
0x23e: {  	_ =	swait.ge [sflag:s15], $0x400  }
0x23f: {  	[sflag:s15] =	ssyncset.done $0x0  }
0x240: {  	[sflag:s15] =	ssyncadd.s32 $0xFFFFFC00  }
0x241: {  	[tilespmem:s18], [sflag:$0x1] =	stream.indirect.gather [hbm4b:s2+s16], $0x80, s25, s16, $0xb8;
	[tilespmem:$0x4B00] =	vst v63  }
0x242: {  	_ =	swait.ge [sflag:s15], $0x400  }
0x243: {  	[sflag:s15] =	ssyncset.done $0x0  }
0x244: {  	v8 =	vimm.f32 $0.0e+00;
	s29 =	simm.s32 $0x0;
	s28 =	sshll.u32 s0, $0xA;
	[sflag:s15] =	ssyncadd.s32 $0xFFFFFC00  }
.LBB2_15:
0x245: {  	s30 =	sshll.u32 s29, $0x8  }
0x246: {  	s0 =	sadd.s32 s28, s30  }
0x247: {  	s31 =	sshrl.u32 s0, $0x3  }
0x248: {  	s0 =	simm.s32 $0x0;
	s3 =	sadd.s32 s4, s31  }
0x249: {  	[tilespmem:s19], [sflag:$0x1] =	stream.linear.gather [hbm4b:s3+s0], $0x80, $0x38;
	[tilespmem:$0x4B00] =	vst v63  }
0x24a: {  	_ =	swait.ge [sflag:s15], $0x80  }
0x24b: {  	[sflag:s15] =	ssyncset.done $0x0  }
0x24c: {  	[sflag:s15] =	ssyncadd.s32 $0xFFFFFF80  }
0x24d: {  	[tilespmem:s20], [sflag:$0x1] =	stream.indirect.gather [hbm4b:s1+s17], $0x80, s19, s17, $0xb8;
	[tilespmem:$0x4B00] =	vst v63  }
0x24e: {  	_ =	swait.ge [sflag:s15], $0x4000  }
0x24f: {  	[sflag:s15] =	ssyncset.done $0x0  }
0x250: {  	s23 =	sadd.s32 s6, s31;
	[sflag:s15] =	ssyncadd.s32 $0xFFFFC000  }
0x251: {  	[tilespmem:s21], [sflag:$0x1] =	stream.linear.gather [hbm4b:s23+s0], $0x80, $0x38;
	[tilespmem:$0x4B00] =	vst v63  }
0x252: {  	_ =	swait.ge [sflag:s15], $0x80  }
0x253: {  	[sflag:s15] =	ssyncset.done $0x0  }
0x254: {  	[sflag:s15] =	ssyncadd.s32 $0xFFFFFF80  }
0x255: {  	[tilespmem:s22], [sflag:$0x1] =	stream.indirect.gather [hbm4b:s10+s17], $0x1, s21, s17, $0xb8;
	[tilespmem:$0x4B00] =	vst v63  }
0x256: {  	_ =	swait.ge [sflag:s15], $0x80  }
0x257: {  	[sflag:s15] =	ssyncset.done $0x0  }
0x258: {  	[sflag:s15] =	ssyncadd.s32 $0xFFFFFF80  }
0x259: {  	v11 =	vld [tilespmem:s30+$0x80]  }
0x25a: {  	v12 =	vld [tilespmem:s30+$0x90]  }
0x25b: {  	v13 =	vld [tilespmem:s30+$0xA0]  }
0x25c: {  	v14 =	vld [tilespmem:s30+$0xB0]  }
0x25d: {  	v15 =	vld [tilespmem:s30+$0xC0]  }
0x25e: {  	v16 =	vld [tilespmem:s30+$0xD0]  }
0x25f: {  	v17 =	vld [tilespmem:s30+$0xE0]  }
0x260: {  	v18 =	vld [tilespmem:s30+$0xF0]  }
0x261: {  	v19 =	vld [tilespmem:s30+$0x480]  }
0x262: {  	v20 =	vld [tilespmem:s30+$0x490]  }
0x263: {  	v21 =	vld [tilespmem:s30+$0x4A0]  }
0x264: {  	v26 =	vld [tilespmem:s30+$0x4F0]  }
0x265: {  	v22 =	vld [tilespmem:s30+$0x4B0]  }
0x266: {  	v23 =	vld [tilespmem:s30+$0x4C0]  }
0x267: {  	v24 =	vld [tilespmem:s30+$0x4D0]  }
0x268: {  	v27 =	vimm.f32 $0.0e+00;
	s5 =	simm.s32 $0x940;
	v9 =	vimm.f32 $0.0e+00;
	v10 =	vimm.f32 $0.0e+00;
	s14 =	simm.s32 $0x0;
	v25 =	vld [tilespmem:s30+$0x4E0]  }
.LBB2_16:
0x269: {  	v28 =	vld [tilespmem:s5+$0xFFFFFFC0]  }
0x26a: {  	v29 =	vld [tilespmem:s5+$0xFFFFFFD0];
	_ =	sdelay $0x1  }
0x26b: {  	v30 =	vld [tilespmem:s5+$0xFFFFFFE0]  }
0x26c: {  	v31 =	vld [tilespmem:s5+$0xFFFFFFF0];
	s3 =	sadd.s32 $0x80, s5  }
0x26d: {  	v54 =	vld [tilespmem:s3+$0x0]  }
0x26e: {  	v28 =	vsub.f32 v11, v28;
	v29 =	vsub.f32 v12, v29  }
0x26f: {  	v33 =	vld [tilespmem:s5+$0x0]  }
0x270: {  	v30 =	vsub.f32 v13, v30;
	v32 =	vmul.f32 v28, v19;
	v34 =	vmul.f32 v29, v20  }
0x271: {  	v35 =	vld [tilespmem:s5+$0x10];
	v31 =	vsub.f32 v14, v31;
	v28 =	vmul.f32 v28, v28;
	v29 =	vmul.f32 v29, v29  }
0x272: {  	v48 =	vld [tilespmem:s3+$0xFFFFFFC0];
	v57 =	vsub.f32 v15, v54;
	v32 =	vadd.f32 $0.0e+00, v32  }
0x273: {  	v36 =	vld [tilespmem:s5+$0x20];
	v43 =	vmul.f32 v30, v21;
	v30 =	vmul.f32 v30, v30;
	v28 =	vadd.f32 v29, v28  }
0x274: {  	v29 =	vsub.f32 v15, v33;
	v32 =	vadd.f32 v34, v32  }
0x275: {  	v50 =	vld [tilespmem:s3+$0xFFFFFFD0];
	v44 =	vmul.f32 v31, v22;
	v31 =	vmul.f32 v31, v31;
	v28 =	vadd.f32 v30, v28  }
0x276: {  	v45 =	vld [tilespmem:s5+$0x30];
	v30 =	vsub.f32 v16, v35;
	v46 =	vmul.f32 v29, v23;
	v32 =	vadd.f32 v43, v32  }
0x277: {  	v29 =	vmul.f32 v29, v29;
	v35 =	vsub.f32 v11, v48;
	v28 =	vadd.f32 v31, v28  }
0x278: {  	v31 =	vsub.f32 v17, v36;
	v32 =	vadd.f32 v44, v32  }
0x279: {  	v52 =	vld [tilespmem:s3+$0xFFFFFFE0];
	v47 =	vmul.f32 v30, v24;
	v30 =	vmul.f32 v30, v30;
	v28 =	vadd.f32 v29, v28  }
0x27a: {  	v34 =	vsub.f32 v12, v50;
	v32 =	vadd.f32 v46, v32  }
0x27b: {  	v29 =	vsub.f32 v18, v45;
	v28 =	vadd.f32 v30, v28;
	v30 =	vmul.f32 v31, v31  }
0x27c: {  	v53 =	vmul.f32 v35, v19;
	v49 =	vmul.f32 v31, v25;
	v32 =	vadd.f32 v47, v32  }
0x27d: {  	v51 =	vmul.f32 v29, v26;
	v29 =	vmul.f32 v29, v29;
	v28 =	vadd.f32 v30, v28  }
0x27e: {  	v55 =	vld [tilespmem:s3+$0x10];
	v60 =	vmul.f32 v57, v23;
	v33 =	vsub.f32 v13, v52;
	v31 =	vadd.f32 v49, v32  }
0x27f: {  	v39 =	vld [tilespmem:s3+$0x20];
	v37 =	vmul.f32 v34, v20;
	v28 =	vadd.f32 v29, v28;
	v32 =	vadd.f32 $0.0e+00, v53  }
0x280: {  	v56 =	vmul.f32 v33, v21;
	v33 =	vmul.f32 v33, v33;
	v30 =	vadd.f32 v51, v31;
	v31 =	vld [tilespmem:s3+$0xFFFFFFF0]  }
0x281: {  	v59 =	vld [tilespmem:s3+$0x30];
	v45 =	vmov s0;
	v32 =	vadd.f32 v37, v32;
	v63 =	vperm.xlane v28, v0;
	s3 =	sadd.s32 $0x80, s3  }
0x282: {  	s9 =	simm.s32 $0x1;
	v34 =	vmul.f32 v34, v34;
	vm0 =	veq.s32 v45, v4;
	v44 =	vld [tilespmem:s3+$0xFFFFFFD0];
	v29 =	vperm.xlane v30, v0  }
0x283: {  	v47 =	vld [tilespmem:s3+$0xFFFFFFE0];
	v32 =	vadd.f32 v56, v32;
	v28 =	vadd.f32 v28, v63;
	v63 =	vmov s9  }
0x284: {  	vm1 =	veq.s32 v63, v4;
	v29 =	vadd.f32 v29, v30;
	v30 =	vmul.f32 v35, v35  }
0x285: {  	v35 =	vsub.f32 v16, v55;
	v46 =	vperm.xlane v28, v1;
	v31 =	vsub.f32 v14, v31  }
0x286: {  	v38 =	vperm.xlane v29, v1;
	v30 =	vadd.f32 v34, v30;
	v34 =	vmul.f32 v57, v57  }
0x287: {  	v55 =	vld [tilespmem:s3+$0x20];
	v62 =	vmul.f32 v35, v24;
	v35 =	vmul.f32 v35, v35;
	v28 =	vadd.f32 v28, v46  }
0x288: {  	v37 =	vsub.f32 v12, v44;
	v51 =	vsub.f32 v13, v47;
	v58 =	vmul.f32 v31, v22  }
0x289: {  	v54 =	vld [tilespmem:s3+$0x10];
	v31 =	vmul.f32 v31, v31;
	v29 =	vadd.f32 v38, v29;
	v30 =	vadd.f32 v33, v30  }
0x28a: {  	v33 =	vsub.f32 v18, v59;
	v36 =	vperm.xlane v28, v2;
	v53 =	vmul.f32 v37, v20  }
0x28b: {  	v37 =	vmul.f32 v37, v37;
	v32 =	vadd.f32 v58, v32;
	v30 =	vadd.f32 v31, v30  }
0x28c: {  	v38 =	vsub.f32 v17, v55;
	v61 =	vperm.xlane v29, v2;
	v31 =	vsub.f32 v17, v39  }
0x28d: {  	v48 =	vld [tilespmem:s3+$0xFFFFFFF0];
	v43 =	vmul.f32 v33, v26;
	v32 =	vadd.f32 v60, v32;
	v30 =	vadd.f32 v34, v30  }
0x28e: {  	v41 =	vld [tilespmem:s3+$0xFFFFFFC0];
	v39 =	vsub.f32 v16, v54;
	v29 =	vadd.f32 v61, v29;
	v40 =	vmul.f32 v31, v25  }
0x28f: {  	v31 =	vmul.f32 v31, v31;
	v32 =	vadd.f32 v62, v32;
	v30 =	vadd.f32 v35, v30  }
0x290: {  	v36 =	vadd.f32 v28, v36;
	v44 =	vmul.f32 v38, v25;
	v42 =	vperm.xlane v29, v3  }
0x291: {  	v32 =	vadd.f32 v40, v32;
	v30 =	vadd.f32 v31, v30;
	v31 =	vmul.f32 v33, v33  }
0x292: {  	v46 =	vmul.f32 v38, v38;
	v29 =	vadd.f32 v42, v29;
	v33 =	vsub.f32 v14, v48  }
0x293: {  	v60 =	vmul.f32 v39, v39;
	v40 =	vld [tilespmem:s3+$0x0];
	v30 =	vadd.f32 v31, v30;
	v31 =	vsub.f32 v11, v41  }
0x294: {  	v57 =	vld [tilespmem:s3+$0x30];
	v61 =	vmul.f32 v39, v24;
	s3 =	sadd.s32 $0x80, s3;
	v42 =	vmul.f32 v51, v51;
	v32 =	vadd.f32 v43, v32  }
0x295: {  	v48 =	vld [tilespmem:s3+$0xFFFFFFD0];
	v29 =	vsel vm0, v29, v27;
	v56 =	vmul.f32 v33, v33;
	v50 =	vmul.f32 v31, v19  }
0x296: {  	vm0 =	vmmov vm0;
	v33 =	vmul.f32 v33, v22;
	v31 =	vmul.f32 v31, v31  }
0x297: {  	v34 =	vperm.xlane v32, v0;
	vm0 =	vmmov vm0;
	v52 =	vadd.f32 $0.0e+00, v50  }
0x298: {  	v49 =	vperm.xlane v30, v0;
	v40 =	vsub.f32 v15, v40;
	v31 =	vadd.f32 v37, v31  }
0x299: {  	v32 =	vadd.f32 v34, v32;
	v34 =	vmul.f32 v51, v21;
	v35 =	vadd.f32 v53, v52  }
0x29a: {  	s11 =	simm.s32 $0x2;
	v55 =	vld [tilespmem:s3+$0x0];
	vm3 =	vmmov vm0;
	v38 =	vsub.f32 v12, v48;
	v31 =	vadd.f32 v42, v31  }
0x29b: {  	v48 =	vmov s11;
	v41 =	vperm.xlane v32, v1;
	v34 =	vadd.f32 v34, v35  }
0x29c: {  	v30 =	vadd.f32 v30, v49;
	v58 =	vmul.f32 v40, v40;
	v31 =	vadd.f32 v56, v31  }
0x29d: {  	v59 =	vmul.f32 v40, v23;
	v32 =	vadd.f32 v41, v32;
	v33 =	vadd.f32 v33, v34  }
0x29e: {  	v37 =	vperm.xlane v36, v3;
	vm2 =	veq.s32 v48, v4;
	v31 =	vadd.f32 v58, v31  }
0x29f: {  	v45 =	vld [tilespmem:s3+$0xFFFFFFC0];
	v42 =	vsub.f32 v15, v55;
	v41 =	vperm.xlane v32, v2;
	v33 =	vadd.f32 v59, v33  }
0x2a0: {  	vm0 =	vmmov vm2;
	v35 =	vsub.f32 v18, v57;
	v31 =	vadd.f32 v60, v31  }
0x2a1: {  	v49 =	vperm.xlane v30, v1;
	v32 =	vadd.f32 v41, v32;
	v33 =	vadd.f32 v61, v33  }
0x2a2: {  	v50 =	vld [tilespmem:s3+$0xFFFFFFE0];
	v47 =	vmul.f32 v35, v26;
	v35 =	vmul.f32 v35, v35;
	v31 =	vadd.f32 v46, v31  }
0x2a3: {  	v57 =	vmul.f32 v38, v20;
	v62 =	vperm.xlane v32, v3;
	v33 =	vadd.f32 v44, v33  }
0x2a4: {  	v51 =	vld [tilespmem:s3+$0xFFFFFFF0];
	v38 =	vmul.f32 v38, v38;
	v28 =	vadd.f32 v35, v31;
	v31 =	vsub.f32 v11, v45  }
0x2a5: {  	v63 =	vmul.f32 v42, v42;
	v32 =	vadd.f32 v62, v32;
	v33 =	vadd.f32 v47, v33  }
0x2a6: {  	v30 =	vadd.f32 v30, v49;
	v53 =	vperm.xlane v28, v0;
	v54 =	vmul.f32 v31, v19  }
0x2a7: {  	v58 =	vld [tilespmem:s3+$0x10];
	v29 =	vsel vm1, v32, v29;
	v32 =	vsub.f32 v13, v50;
	v52 =	vperm.xlane v33, v0  }
0x2a8: {  	v42 =	vmul.f32 v42, v23;
	v56 =	vadd.f32 v28, v53;
	v28 =	vadd.f32 $0.0e+00, v54  }
0x2a9: {  	v34 =	vsub.f32 v14, v51;
	v31 =	vmul.f32 v31, v31;
	v33 =	vadd.f32 v52, v33  }
0x2aa: {  	v44 =	vmul.f32 v32, v32;
	v32 =	vmul.f32 v32, v21;
	v28 =	vadd.f32 v57, v28  }
0x2ab: {  	v40 =	vperm.xlane v30, v2;
	v59 =	vld [tilespmem:s3+$0x20];
	v31 =	vadd.f32 v38, v31;
	v43 =	vperm.xlane v33, v1  }
0x2ac: {  	v61 =	vmul.f32 v34, v22;
	v41 =	vsub.f32 v16, v58;
	v28 =	vadd.f32 v32, v28  }
0x2ad: {  	v60 =	vmul.f32 v34, v34;
	v62 =	vld [tilespmem:s3+$0x30];
	v31 =	vadd.f32 v44, v31;
	v33 =	vadd.f32 v43, v33  }
0x2ae: {  	s3 =	sadd.s32 $0x80, s3;
	v35 =	vadd.f32 v36, v37;
	vm1 =	vmmov vm1;
	v28 =	vadd.f32 v61, v28  }
0x2af: {  	v55 =	vld [tilespmem:s3+$0xFFFFFFE0];
	v45 =	vmul.f32 v41, v41;
	v31 =	vadd.f32 v60, v31;
	v43 =	vperm.xlane v33, v2  }
0x2b0: {  	v39 =	vsub.f32 v17, v59;
	v46 =	vmul.f32 v41, v24;
	v28 =	vadd.f32 v42, v28  }
0x2b1: {  	v58 =	vld [tilespmem:s3+$0xFFFFFFF0];
	vm1 =	vmmov vm1;
	v31 =	vadd.f32 v63, v31;
	v33 =	vadd.f32 v43, v33  }
0x2b2: {  	v49 =	vmul.f32 v39, v25;
	v34 =	vsub.f32 v18, v62;
	v28 =	vadd.f32 v46, v28  }
0x2b3: {  	v50 =	vld [tilespmem:s3+$0xFFFFFFC0];
	v51 =	vmul.f32 v39, v39;
	v31 =	vadd.f32 v45, v31;
	v47 =	vperm.xlane v33, v3  }
0x2b4: {  	v53 =	vld [tilespmem:s3+$0xFFFFFFD0];
	v48 =	vsub.f32 v13, v55;
	v52 =	vmul.f32 v34, v26;
	v32 =	vadd.f32 v49, v28  }
0x2b5: {  	v34 =	vmul.f32 v34, v34;
	v31 =	vadd.f32 v51, v31;
	v33 =	vadd.f32 v47, v33  }
0x2b6: {  	v41 =	vsub.f32 v14, v58;
	v54 =	vperm.xlane v56, v1;
	v61 =	vld [tilespmem:s3+$0x0];
	v39 =	vadd.f32 v52, v32  }
0x2b7: {  	v28 =	vsel vm2, v33, v29;
	v29 =	vadd.f32 v30, v40;
	v30 =	vadd.f32 v34, v31  }
0x2b8: {  	v31 =	vadd.f32 v56, v54;
	v56 =	vsub.f32 v11, v50;
	v57 =	vperm.xlane v39, v0  }
0x2b9: {  	v52 =	vmul.f32 v48, v21;
	v33 =	vsub.f32 v12, v53;
	v40 =	vmul.f32 v48, v48  }
0x2ba: {  	v59 =	vperm.xlane v30, v0;
	v60 =	vmul.f32 v56, v19;
	v62 =	vadd.f32 v57, v39  }
0x2bb: {  	v36 =	vsub.f32 v15, v61;
	v54 =	vmul.f32 v41, v22;
	v50 =	vmul.f32 v33, v20  }
0x2bc: {  	v49 =	vadd.f32 $0.0e+00, v60;
	v38 =	vadd.f32 v30, v59;
	v30 =	vld [tilespmem:s3+$0x10];
	v51 =	vperm.xlane v62, v1  }
0x2bd: {  	vm2 =	vmmov vm3;
	v63 =	vmul.f32 v56, v56;
	v33 =	vmul.f32 v33, v33  }
0x2be: {  	v53 =	vld [tilespmem:s3+$0x20];
	v41 =	vmul.f32 v41, v41;
	v42 =	vadd.f32 v50, v49;
	v37 =	vadd.f32 v51, v62  }
0x2bf: {  	v32 =	vperm.xlane v29, v3;
	v34 =	vperm.xlane v31, v2;
	v33 =	vadd.f32 v33, v63  }
0x2c0: {  	v55 =	vld [tilespmem:s3+$0x30];
	v57 =	vmul.f32 v36, v23;
	v42 =	vadd.f32 v52, v42;
	v45 =	vperm.xlane v37, v2  }
0x2c1: {  	s23 =	simm.s32 $0x3;
	v36 =	vmul.f32 v36, v36;
	v33 =	vadd.f32 v40, v33;
	v30 =	vsub.f32 v16, v30  }
0x2c2: {  	v63 =	vmov s23;
	v56 =	vadd.f32 v54, v42;
	v58 =	vadd.f32 v45, v37  }
0x2c3: {  	v39 =	vsub.f32 v17, v53;
	v33 =	vadd.f32 v41, v33;
	v59 =	vmul.f32 v30, v30  }
0x2c4: {  	v30 =	vmul.f32 v30, v24;
	v60 =	vadd.f32 v57, v56;
	v61 =	vperm.xlane v58, v3  }
0x2c5: {  	vm3 =	veq.s32 v63, v4;
	v62 =	vadd.f32 v36, v33;
	v33 =	vsub.f32 v18, v55  }
0x2c6: {  	s9 =	sadd.s32 $0x80, s3;
	v37 =	vmul.f32 v39, v25;
	v36 =	vadd.f32 v30, v60;
	v30 =	vadd.f32 v61, v58  }
0x2c7: {  	s11 =	simm.s32 $0x6;
	s3 =	simm.s32 $0x4;
	s23 =	simm.s32 $0x5;
	v41 =	vmul.f32 v39, v39;
	v42 =	vld [tilespmem:s9+$0xFFFFFFC0];
	v39 =	vimm.f32 $0.0e+00;
	v40 =	vadd.f32 v59, v62  }
.LBB2_17:
0x2c8: {  	v36 =	vadd.f32 v37, v36;
	v37 =	vmul.f32 v33, v26;
	v28 =	vsel vm3, v30, v28  }
0x2c9: {  	p0 =	sne.s32 s11, $0xF;
	vm4 =	vmmov vm1;
	vm1 =	vmmov vm0;
	vm0 =	vmmov vm3  }
0x2ca: {  	v33 =	vmul.f32 v33, v33;
	v30 =	vld [tilespmem:s9+$0xFFFFFFD0];
	v40 =	vadd.f32 v41, v40;
	v41 =	vperm.xlane v38, v1  }
0x2cb: {  	v39 =	vsel vm2, v35, v39;
	v43 =	vld [tilespmem:s9+$0xFFFFFFE0];
	v36 =	vadd.f32 v37, v36;
	v37 =	vadd.f32 v31, v34  }
0x2cc: {  	vm2 =	vmmov vm4;
	v33 =	vadd.f32 v33, v40;
	v31 =	vadd.f32 v38, v41  }
0x2cd: {  	v38 =	vsub.f32 v11, v42;
	v40 =	vld [tilespmem:s9+$0xFFFFFFF0];
	v41 =	vperm.xlane v36, v0;
	v42 =	vperm.xlane v37, v3  }
0x2ce: {  	v35 =	vadd.f32 v29, v32;
	v29 =	vmovc v37;
	v44 =	vperm.xlane v33, v0;
	v34 =	vperm.xlane v31, v2  }
0x2cf: {  	v37 =	vmul.f32 v38, v19;
	v30 =	vsub.f32 v12, v30;
	v45 =	vld [tilespmem:s9+$0x0];
	v36 =	vadd.f32 v41, v36;
	v32 =	vmovc v42  }
0x2d0: {  	v41 =	vmul.f32 v38, v38;
	v42 =	vsub.f32 v13, v43;
	v38 =	vadd.f32 v33, v44  }
0x2d1: {  	v33 =	vadd.f32 $0.0e+00, v37;
	v37 =	vmul.f32 v30, v20;
	v43 =	vld [tilespmem:s9+$0x10];
	v44 =	vperm.xlane v36, v1  }
0x2d2: {  	v30 =	vmul.f32 v30, v30;
	v46 =	vmul.f32 v42, v42;
	v40 =	vsub.f32 v14, v40  }
0x2d3: {  	v33 =	vadd.f32 v37, v33;
	v37 =	vmul.f32 v42, v21;
	v42 =	vld [tilespmem:s9+$0x20];
	v36 =	vadd.f32 v44, v36  }
0x2d4: {  	v30 =	vadd.f32 v30, v41;
	v41 =	vmul.f32 v40, v40;
	v44 =	vsub.f32 v15, v45  }
0x2d5: {  	v33 =	vadd.f32 v37, v33;
	v37 =	vmul.f32 v40, v22;
	v40 =	vld [tilespmem:s9+$0x30];
	v45 =	vperm.xlane v36, v2  }
0x2d6: {  	v30 =	vadd.f32 v46, v30;
	v46 =	vmul.f32 v44, v44;
	v43 =	vsub.f32 v16, v43  }
0x2d7: {  	v33 =	vadd.f32 v37, v33;
	v37 =	vmul.f32 v44, v23;
	v44 =	vadd.f32 v45, v36  }
.Ltmp6:
0x2d8: {  	v30 =	vadd.f32 v41, v30;
	v41 =	vmul.f32 v43, v43;
	v45 =	vsub.f32 v17, v42;
	(pc) =	sbr.rel @p0 .LBB2_17-.Ltmp6, $4  }
0x2d9: {  	v36 =	vadd.f32 v37, v33;
	v37 =	vmul.f32 v43, v24;
	v42 =	vperm.xlane v44, v3  }
0x2da: {  	v43 =	vadd.f32 v46, v30;
	v46 =	vmov s3;
	s3 =	smov.u32 s23;
	s23 =	smov.u32 s11;
	v33 =	vsub.f32 v18, v40  }
0x2db: {  	s9 =	sadd.s32 $0x80, s9;
	v36 =	vadd.f32 v37, v36;
	v37 =	vmul.f32 v45, v25;
	v30 =	vadd.f32 v42, v44  }
0x2dc: {  	s11 =	sadd.s32 $0x1, s11;
	vm3 =	veq.s32 v46, v4;
	v40 =	vadd.f32 v41, v43;
	v41 =	vmul.f32 v45, v45;
	v42 =	vld [tilespmem:s9+$0xFFFFFFC0]  }
0x2dd: {  	v43 =	vld [tilespmem:s9+$0xFFFFFFD0];
	_ =	sdelay $0x1  }
0x2de: {  	v44 =	vld [tilespmem:s9+$0xFFFFFFE0];
	_ =	sdelay $0x1  }
0x2df: {  	v45 =	vld [tilespmem:s9+$0xFFFFFFF0]  }
0x2e0: {  	v42 =	vsub.f32 v11, v42;
	v43 =	vsub.f32 v12, v43  }
0x2e1: {  	v46 =	vld [tilespmem:s9+$0x0]  }
0x2e2: {  	v44 =	vsub.f32 v13, v44;
	v47 =	vmul.f32 v42, v42;
	v48 =	vmul.f32 v43, v43  }
0x2e3: {  	v49 =	vld [tilespmem:s9+$0x10]  }
0x2e4: {  	v45 =	vsub.f32 v14, v45;
	v50 =	vmul.f32 v44, v44;
	v47 =	vadd.f32 v48, v47  }
0x2e5: {  	v62 =	vld [tilespmem:s9+$0x20]  }
0x2e6: {  	v46 =	vsub.f32 v15, v46;
	v51 =	vmul.f32 v45, v45;
	v47 =	vadd.f32 v50, v47  }
0x2e7: {  	v63 =	vld [tilespmem:s9+$0x30]  }
0x2e8: {  	v49 =	vsub.f32 v16, v49;
	v54 =	vmul.f32 v46, v46;
	v47 =	vadd.f32 v51, v47;
	_ =	sdelay $0x1  }
0x2e9: {  	v55 =	vmul.f32 v49, v49;
	v48 =	vsub.f32 v17, v62;
	v47 =	vadd.f32 v54, v47;
	_ =	sdelay $0x1  }
0x2ea: {  	v50 =	vsub.f32 v18, v63;
	v57 =	vmul.f32 v48, v48;
	v47 =	vadd.f32 v55, v47  }
0x2eb: {  	v56 =	vmul.f32 v33, v33;
	v40 =	vadd.f32 v41, v40  }
0x2ec: {  	v59 =	vmul.f32 v50, v50;
	v58 =	vadd.f32 v57, v47  }
0x2ed: {  	v40 =	vadd.f32 v56, v40  }
0x2ee: {  	v61 =	vperm.xlane v38, v1;
	v31 =	vadd.f32 v31, v34;
	v41 =	vadd.f32 v59, v58  }
0x2ef: {  	v29 =	vadd.f32 v29, v32;
	vm1 =	vmmov vm1;
	v60 =	vperm.xlane v40, v0  }
0x2f0: {  	vm0 =	vmmov vm0;
	vm14 =	vmmov vm3;
	v51 =	vperm.xlane v41, v0  }
0x2f1: {  	vm1 =	vmmov vm1;
	vm0 =	vmmov vm0;
	v63 =	vadd.f32 v40, v60  }
0x2f2: {  	v38 =	vadd.f32 v38, v61;
	vm0 =	vmmov vm0;
	v53 =	vadd.f32 v41, v51  }
0x2f3: {  	v61 =	vmov s23;
	v62 =	vsel vm2, v35, v39;
	v52 =	vperm.xlane v63, v1  }
0x2f4: {  	v29 =	vsel vm1, v29, v62;
	v54 =	vperm.xlane v38, v2;
	v57 =	vperm.xlane v53, v1  }
0x2f5: {  	vm1 =	vmmov vm14;
	v32 =	vadd.f32 v63, v52;
	v55 =	vperm.xlane v31, v3  }
0x2f6: {  	vm1 =	vmmov vm1;
	v56 =	vadd.f32 v38, v54;
	v38 =	vadd.f32 v53, v57  }
0x2f7: {  	v47 =	vmov s3;
	v31 =	vadd.f32 v31, v55;
	v58 =	vperm.xlane v32, v2  }
0x2f8: {  	vm1 =	vmmov vm1;
	vm2 =	veq.s32 v47, v4;
	v60 =	vperm.xlane v38, v2  }
0x2f9: {  	v59 =	vperm.xlane v56, v3;
	v29 =	vsel vm0, v31, v29;
	v32 =	vadd.f32 v32, v58  }
0x2fa: {  	vm4 =	vmmov vm2;
	vm0 =	veq.s32 v61, v4;
	v31 =	vadd.f32 v38, v60  }
0x2fb: {  	vm4 =	vmmov vm4;
	v34 =	vadd.f32 v56, v59;
	v62 =	vperm.xlane v32, v3  }
0x2fc: {  	vm15 =	vmmov vm0;
	vm4 =	vmmov vm4;
	v63 =	vperm.xlane v31, v3  }
0x2fd: {  	v29 =	vsel vm1, v34, v29;
	vm1 =	vmmov vm15;
	v32 =	vadd.f32 v32, v62  }
0x2fe: {  	vm4 =	vmmov vm4;
	vm1 =	vmmov vm1;
	v31 =	vadd.f32 v31, v63  }
0x2ff: {  	vm1 =	vmmov vm1;
	v29 =	vsel vm4, v32, v29  }
0x300: {  	v29 =	vsel vm1, v31, v29  }
0x301: {  	vm1 =	vge.f32 v29, $9.765625000e-04  }
0x302: {  	vm4 =	vge.f32 v29, $3.906250000e-03;
	v35 =	vsel vm1, $0x3D000000, v5  }
0x303: {  	vm5 =	vge.f32 v29, $1.562500000e-02;
	v31 =	vsel vm4, $0x3D800000, v35  }
0x304: {  	vm6 =	vge.f32 v29, $6.250000000e-02;
	v31 =	vsel vm5, $0x3E000000, v31  }
0x305: {  	vm7 =	vge.f32 v29, $2.500000000e-01;
	v31 =	vsel vm6, $0x3E800000, v31  }
0x306: {  	vm8 =	vge.f32 v29, $1.000000000e+00;
	v31 =	vsel vm7, $0x3F000000, v31  }
0x307: {  	vm9 =	vge.f32 v29, $4.000000000e+00;
	v31 =	vsel vm8, $0x3F800000, v31  }
0x308: {  	vm10 =	vge.f32 v29, $1.600000000e+01;
	v31 =	vsel vm9, $0x40000000, v31  }
0x309: {  	vm11 =	vge.f32 v29, $6.400000000e+01;
	v31 =	vsel vm10, $0x40800000, v31  }
0x30a: {  	vm12 =	vge.f32 v29, $2.560000000e+02;
	v31 =	vsel vm11, $0x41000000, v31  }
0x30b: {  	vm13 =	vge.f32 v29, $1.024000000e+03;
	v31 =	vsel vm12, $0x41800000, v31  }
0x30c: {  	vm14 =	vge.f32 v29, $4.096000000e+03;
	v31 =	vsel vm13, $0x42000000, v31  }
0x30d: {  	v31 =	vsel vm14, $0x42800000, v31  }
0x30e: {  	(erf) = vrcp.f32 v31;
	_ =	sdelay $0x8  }
0x30f: {  	v38 =	vpop (erf)  }
0x310: {  	v32 =	vmul.f32 v38, v29;
	_ =	sdelay $0x1  }
0x311: {  	v31 =	vadd.f32 v32, v31;
	_ =	sdelay $0x1  }
0x312: {  	v31 =	vmul.f32 $5.000000000e-01, v31;
	_ =	sdelay $0x1  }
0x313: {  	(erf) = vrcp.f32 v31;
	_ =	sdelay $0x8  }
0x314: {  	v39 =	vpop (erf)  }
0x315: {  	v32 =	vmul.f32 v39, v29;
	_ =	sdelay $0x1  }
0x316: {  	v31 =	vadd.f32 v32, v31;
	_ =	sdelay $0x1  }
0x317: {  	v31 =	vmul.f32 $5.000000000e-01, v31;
	_ =	sdelay $0x1  }
0x318: {  	(erf) = vrcp.f32 v31;
	_ =	sdelay $0x8  }
0x319: {  	v40 =	vpop (erf)  }
0x31a: {  	v41 =	vmul.f32 v42, v19;
	v32 =	vmul.f32 v40, v29;
	_ =	sdelay $0x1  }
0x31b: {  	v42 =	vmul.f32 v43, v20;
	v34 =	vadd.f32 $0.0e+00, v41;
	v31 =	vadd.f32 v32, v31;
	_ =	sdelay $0x1  }
0x31c: {  	v44 =	vmul.f32 v44, v21;
	v43 =	vadd.f32 v42, v34;
	v31 =	vmul.f32 $5.000000000e-01, v31;
	_ =	sdelay $0x1  }
0x31d: {  	v45 =	vmul.f32 v45, v22;
	v32 =	vadd.f32 v44, v43;
	(erf) = vrcp.f32 v31;
	_ =	sdelay $0x1  }
0x31e: {  	v46 =	vmul.f32 v46, v23;
	v32 =	vadd.f32 v45, v32;
	_ =	sdelay $0x1  }
0x31f: {  	v47 =	vmul.f32 v49, v24;
	v32 =	vadd.f32 v46, v32;
	_ =	sdelay $0x1  }
0x320: {  	v49 =	vmul.f32 v48, v25;
	v32 =	vadd.f32 v47, v32  }
0x321: {  	v52 =	vmul.f32 v33, v26;
	v51 =	vadd.f32 v37, v36  }
0x322: {  	v53 =	vmul.f32 v50, v26;
	v32 =	vadd.f32 v49, v32  }
0x323: {  	v33 =	vadd.f32 v52, v51;
	v54 =	vpop (erf)  }
0x324: {  	v32 =	vadd.f32 v53, v32;
	v55 =	vmul.f32 v54, v29  }
0x325: {  	v56 =	vperm.xlane v33, v0  }
0x326: {  	v57 =	vperm.xlane v32, v0;
	v31 =	vadd.f32 v55, v31  }
0x327: {  	v33 =	vadd.f32 v56, v33  }
0x328: {  	v32 =	vadd.f32 v57, v32;
	v31 =	vmul.f32 $5.000000000e-01, v31  }
0x329: {  	v58 =	vperm.xlane v33, v1  }
0x32a: {  	v59 =	vperm.xlane v32, v1;
	v31 =	vsub.f32 $0.0e+00, v31  }
0x32b: {  	v33 =	vadd.f32 v58, v33  }
0x32c: {  	v32 =	vadd.f32 v59, v32;
	v31 =	vmul.f32 $1.442695020e+00, v31  }
0x32d: {  	v34 =	vperm.xlane v33, v2;
	vm15 =	vgt.f32 v29, $0.0e+00  }
0x32e: {  	s23 =	sshll.u32 s14, $0x4;
	v29 =	vperm.xlane v32, v2;
	v31 =	vnsel vm15, $0x0, v31  }
0x32f: {  	s3 =	sand.u32 $0x3FFFFFF0, s23;
	v33 =	vadd.f32 v34, v33;
	(erf) = vpow2.f32 v31  }
0x330: {  	v60 =	vld [tilespmem:s3+$0x4980];
	v29 =	vadd.f32 v29, v32  }
0x331: {  	v61 =	vperm.xlane v33, v3  }
0x332: {  	v62 =	vperm.xlane v29, v3  }
0x333: {  	v32 =	vadd.f32 v61, v33  }
0x334: {  	v28 =	vsel vm3, v30, v28;
	v29 =	vadd.f32 v62, v29  }
0x335: {  	s14 =	sadd.s32 $0x1, s14;
	v63 =	vmul.f32 v60, v6;
	v28 =	vsel vm2, v32, v28  }
0x336: {  	p0 =	sne.s32 s14, $0x8;
	v28 =	vsel vm0, v29, v28  }
.Ltmp7:
0x337: {  	v28 =	vadd.f32 v63, v28;
	(pc) =	sbr.rel @p0 .LBB2_16-.Ltmp7, $3  }
0x338: {  	v29 =	vpop (erf)  }
0x339: {  	v28 =	vmul.f32 v28, v29;
	_ =	sdelay $0x1  }
0x33a: {  	s5 =	sadd.s32 $0x800, s5;
	v10 =	vadd.f32 v29, v10;
	v9 =	vadd.f32 v28, v9  }
0x33b: {  	s3 =	sor.u32 $0x10, s31  }
0x33c: {  	s0 =	simm.s32 $0x0;
	s5 =	sadd.s32 s4, s3  }
0x33d: {  	[tilespmem:s19], [sflag:$0x1] =	stream.linear.gather [hbm4b:s5+s0], $0x80, $0x38;
	[tilespmem:$0x4B00] =	vst v63  }
0x33e: {  	_ =	swait.ge [sflag:s15], $0x80  }
0x33f: {  	[sflag:s15] =	ssyncset.done $0x0  }
0x340: {  	[sflag:s15] =	ssyncadd.s32 $0xFFFFFF80  }
0x341: {  	[tilespmem:s20], [sflag:$0x1] =	stream.indirect.gather [hbm4b:s1+s17], $0x80, s19, s17, $0xb8;
	[tilespmem:$0x4B00] =	vst v63  }
0x342: {  	_ =	swait.ge [sflag:s15], $0x4000  }
0x343: {  	[sflag:s15] =	ssyncset.done $0x0  }
0x344: {  	s3 =	sadd.s32 s6, s3;
	[sflag:s15] =	ssyncadd.s32 $0xFFFFC000  }
0x345: {  	[tilespmem:s21], [sflag:$0x1] =	stream.linear.gather [hbm4b:s3+s0], $0x80, $0x38;
	[tilespmem:$0x4B00] =	vst v63  }
0x346: {  	_ =	swait.ge [sflag:s15], $0x80  }
0x347: {  	[sflag:s15] =	ssyncset.done $0x0  }
0x348: {  	[sflag:s15] =	ssyncadd.s32 $0xFFFFFF80  }
0x349: {  	[tilespmem:s22], [sflag:$0x1] =	stream.indirect.gather [hbm4b:s10+s17], $0x1, s21, s17, $0xb8;
	[tilespmem:$0x4B00] =	vst v63  }
0x34a: {  	_ =	swait.ge [sflag:s15], $0x80  }
0x34b: {  	[sflag:s15] =	ssyncset.done $0x0  }
0x34c: {  	[sflag:s15] =	ssyncadd.s32 $0xFFFFFF80  }
0x34d: {  	v11 =	vld [tilespmem:s30+$0x100]  }
0x34e: {  	v12 =	vld [tilespmem:s30+$0x110]  }
0x34f: {  	v13 =	vld [tilespmem:s30+$0x120]  }
0x350: {  	v14 =	vld [tilespmem:s30+$0x130]  }
0x351: {  	v15 =	vld [tilespmem:s30+$0x140]  }
0x352: {  	v16 =	vld [tilespmem:s30+$0x150]  }
0x353: {  	v17 =	vld [tilespmem:s30+$0x160]  }
0x354: {  	v18 =	vld [tilespmem:s30+$0x170]  }
0x355: {  	v19 =	vld [tilespmem:s30+$0x500]  }
0x356: {  	v20 =	vld [tilespmem:s30+$0x510]  }
0x357: {  	v21 =	vld [tilespmem:s30+$0x520]  }
0x358: {  	v26 =	vld [tilespmem:s30+$0x570]  }
0x359: {  	v22 =	vld [tilespmem:s30+$0x530]  }
0x35a: {  	v23 =	vld [tilespmem:s30+$0x540]  }
0x35b: {  	v24 =	vld [tilespmem:s30+$0x550]  }
0x35c: {  	s14 =	simm.s32 $0x0;
	s5 =	simm.s32 $0x940;
	v25 =	vld [tilespmem:s30+$0x560]  }
.LBB2_20:
0x35d: {  	v27 =	vld [tilespmem:s5+$0xFFFFFFC0]  }
0x35e: {  	v28 =	vld [tilespmem:s5+$0xFFFFFFD0];
	_ =	sdelay $0x2  }
0x35f: {  	v29 =	vld [tilespmem:s5+$0xFFFFFFE0]  }
0x360: {  	v30 =	vld [tilespmem:s5+$0xFFFFFFF0]  }
0x361: {  	s3 =	sadd.s32 $0x80, s5;
	v27 =	vsub.f32 v11, v27;
	v28 =	vsub.f32 v12, v28  }
0x362: {  	v37 =	vld [tilespmem:s3+$0x0]  }
0x363: {  	v32 =	vld [tilespmem:s5+$0x0];
	v31 =	vmul.f32 v27, v19;
	v33 =	vmul.f32 v28, v20  }
0x364: {  	v34 =	vld [tilespmem:s5+$0x10];
	v29 =	vsub.f32 v13, v29;
	v27 =	vmul.f32 v27, v27;
	v28 =	vmul.f32 v28, v28  }
0x365: {  	v30 =	vsub.f32 v14, v30;
	v31 =	vadd.f32 $0.0e+00, v31  }
0x366: {  	v35 =	vld [tilespmem:s5+$0x20];
	v38 =	vmul.f32 v29, v21;
	v29 =	vmul.f32 v29, v29;
	v27 =	vadd.f32 v28, v27  }
0x367: {  	v53 =	vsub.f32 v15, v37;
	v39 =	vmul.f32 v30, v22;
	v31 =	vadd.f32 v33, v31  }
0x368: {  	v45 =	vld [tilespmem:s3+$0xFFFFFFD0];
	v30 =	vmul.f32 v30, v30;
	v28 =	vsub.f32 v15, v32;
	v27 =	vadd.f32 v29, v27  }
0x369: {  	v46 =	vld [tilespmem:s3+$0xFFFFFFF0];
	v29 =	vsub.f32 v16, v34;
	v31 =	vadd.f32 v38, v31  }
0x36a: {  	v40 =	vld [tilespmem:s5+$0x30];
	v41 =	vmul.f32 v28, v23;
	v28 =	vmul.f32 v28, v28;
	v27 =	vadd.f32 v30, v27  }
0x36b: {  	v30 =	vsub.f32 v17, v35;
	v31 =	vadd.f32 v39, v31  }
0x36c: {  	v42 =	vmul.f32 v29, v24;
	v29 =	vmul.f32 v29, v29;
	v27 =	vadd.f32 v28, v27  }
0x36d: {  	v55 =	vld [tilespmem:s3+$0x30];
	v56 =	vmul.f32 v53, v23;
	v32 =	vsub.f32 v12, v45;
	v31 =	vadd.f32 v41, v31  }
0x36e: {  	v44 =	vld [tilespmem:s3+$0xFFFFFFC0];
	v33 =	vsub.f32 v14, v46;
	v27 =	vadd.f32 v29, v27;
	v29 =	vmul.f32 v30, v30  }
0x36f: {  	v28 =	vsub.f32 v18, v40;
	v43 =	vmul.f32 v30, v25;
	v31 =	vadd.f32 v42, v31  }
0x370: {  	v50 =	vmul.f32 v32, v20;
	v32 =	vmul.f32 v32, v32;
	v27 =	vadd.f32 v29, v27;
	v29 =	vld [tilespmem:s3+$0xFFFFFFE0]  }
0x371: {  	v54 =	vmul.f32 v33, v22;
	v39 =	vld [tilespmem:s3+$0x20];
	v30 =	vadd.f32 v43, v31;
	v31 =	vmul.f32 v28, v26  }
0x372: {  	v60 =	vsub.f32 v18, v55;
	v33 =	vmul.f32 v33, v33;
	v28 =	vmul.f32 v28, v28  }
0x373: {  	v40 =	vmov s0;
	v30 =	vadd.f32 v31, v30;
	v31 =	vsub.f32 v11, v44  }
0x374: {  	vm0 =	veq.s32 v40, v4;
	v41 =	vmul.f32 v60, v26;
	v28 =	vadd.f32 v28, v27  }
0x375: {  	v51 =	vld [tilespmem:s3+$0x10];
	v29 =	vsub.f32 v13, v29;
	v47 =	vperm.xlane v30, v0;
	v48 =	vmul.f32 v31, v19  }
0x376: {  	v58 =	vsub.f32 v17, v39;
	v36 =	vperm.xlane v28, v0;
	v31 =	vmul.f32 v31, v31  }
0x377: {  	s3 =	sadd.s32 $0x80, s3;
	v52 =	vmul.f32 v29, v21;
	v30 =	vadd.f32 v47, v30;
	v49 =	vadd.f32 $0.0e+00, v48  }
0x378: {  	v42 =	vld [tilespmem:s3+$0xFFFFFFD0];
	v29 =	vmul.f32 v29, v29;
	v28 =	vadd.f32 v28, v36;
	v31 =	vadd.f32 v32, v31  }
0x379: {  	v61 =	vmul.f32 v58, v25;
	v44 =	vld [tilespmem:s3+$0xFFFFFFE0];
	v34 =	vadd.f32 v50, v49;
	v38 =	vperm.xlane v30, v1  }
0x37a: {  	v40 =	vld [tilespmem:s3+$0x0];
	v29 =	vadd.f32 v29, v31;
	v31 =	vsub.f32 v16, v51;
	v43 =	vperm.xlane v28, v1  }
0x37b: {  	v27 =	vimm.f32 $0.0e+00;
	v34 =	vadd.f32 v52, v34;
	v30 =	vadd.f32 v38, v30  }
0x37c: {  	v32 =	vmul.f32 v53, v53;
	v29 =	vadd.f32 v33, v29;
	v28 =	vadd.f32 v28, v43  }
0x37d: {  	v45 =	vld [tilespmem:s3+$0xFFFFFFF0];
	v59 =	vmul.f32 v31, v24;
	v38 =	vsub.f32 v12, v42;
	v34 =	vadd.f32 v54, v34  }
0x37e: {  	v50 =	vld [tilespmem:s3+$0x10];
	v31 =	vmul.f32 v31, v31;
	v33 =	vsub.f32 v13, v44;
	v29 =	vadd.f32 v32, v29  }
0x37f: {  	v62 =	vld [tilespmem:s3+$0xFFFFFFC0];
	v52 =	vsub.f32 v15, v40;
	v57 =	vperm.xlane v30, v2;
	v34 =	vadd.f32 v56, v34  }
0x380: {  	v39 =	vperm.xlane v28, v2;
	v29 =	vadd.f32 v31, v29;
	v31 =	vmul.f32 v58, v58  }
0x381: {  	v49 =	vmul.f32 v38, v20;
	v38 =	vmul.f32 v38, v38;
	v34 =	vadd.f32 v59, v34  }
0x382: {  	v42 =	vld [tilespmem:s3+$0x20];
	v32 =	vsub.f32 v14, v45;
	v29 =	vadd.f32 v31, v29;
	v31 =	vmul.f32 v60, v60  }
0x383: {  	v51 =	vmul.f32 v33, v21;
	v55 =	vsub.f32 v16, v50;
	v34 =	vadd.f32 v61, v34  }
0x384: {  	v33 =	vmul.f32 v33, v33;
	v54 =	vld [tilespmem:s3+$0x30];
	v29 =	vadd.f32 v31, v29;
	v31 =	vsub.f32 v11, v62  }
0x385: {  	v30 =	vadd.f32 v57, v30;
	v53 =	vmul.f32 v32, v22;
	v32 =	vmul.f32 v32, v32  }
0x386: {  	v56 =	vmul.f32 v52, v23;
	v34 =	vadd.f32 v41, v34;
	v47 =	vmul.f32 v31, v19  }
0x387: {  	v57 =	vmul.f32 v52, v52;
	v58 =	vsub.f32 v17, v42;
	v63 =	vperm.xlane v30, v3  }
0x388: {  	v59 =	vmul.f32 v55, v24;
	v35 =	vperm.xlane v34, v0;
	v48 =	vadd.f32 $0.0e+00, v47  }
0x389: {  	v30 =	vadd.f32 v63, v30;
	v61 =	vsub.f32 v18, v54;
	v31 =	vmul.f32 v31, v31  }
0x38a: {  	s9 =	simm.s32 $0x1;
	v62 =	vmul.f32 v58, v25;
	v34 =	vadd.f32 v35, v34;
	v35 =	vadd.f32 v49, v48  }
0x38b: {  	v63 =	vmov s9;
	v46 =	vperm.xlane v29, v0;
	v31 =	vadd.f32 v38, v31  }
0x38c: {  	vm1 =	veq.s32 v63, v4;
	v41 =	vperm.xlane v34, v1;
	v35 =	vadd.f32 v51, v35  }
0x38d: {  	s3 =	sadd.s32 $0x80, s3;
	v30 =	vsel vm0, v30, v27;
	v29 =	vadd.f32 v29, v46;
	v31 =	vadd.f32 v33, v31  }
0x38e: {  	vm0 =	vmmov vm0;
	v48 =	vld [tilespmem:s3+$0xFFFFFFD0];
	v34 =	vadd.f32 v41, v34;
	v35 =	vadd.f32 v53, v35  }
0x38f: {  	v33 =	vmul.f32 v55, v55;
	v50 =	vperm.xlane v29, v1;
	v55 =	vld [tilespmem:s3+$0x0];
	v31 =	vadd.f32 v32, v31  }
0x390: {  	vm0 =	vmmov vm0;
	v41 =	vperm.xlane v34, v2;
	v35 =	vadd.f32 v56, v35  }
0x391: {  	v47 =	vmul.f32 v61, v26;
	v29 =	vadd.f32 v29, v50;
	v31 =	vadd.f32 v57, v31  }
0x392: {  	v44 =	vld [tilespmem:s3+$0xFFFFFFC0];
	vm3 =	vmmov vm0;
	v34 =	vadd.f32 v41, v34;
	v35 =	vadd.f32 v59, v35  }
0x393: {  	v32 =	vmul.f32 v58, v58;
	v51 =	vld [tilespmem:s3+$0xFFFFFFE0];
	v36 =	vsub.f32 v12, v48;
	v31 =	vadd.f32 v33, v31  }
0x394: {  	v52 =	vld [tilespmem:s3+$0xFFFFFFF0];
	v42 =	vsub.f32 v15, v55;
	v60 =	vperm.xlane v34, v3;
	v46 =	vadd.f32 v62, v35  }
0x395: {  	v49 =	vmul.f32 v61, v61;
	v31 =	vadd.f32 v32, v31;
	v35 =	vadd.f32 v28, v39  }
0x396: {  	v40 =	vperm.xlane v29, v2;
	v45 =	vadd.f32 v60, v34;
	v34 =	vadd.f32 v47, v46  }
0x397: {  	v58 =	vmul.f32 v36, v20;
	v28 =	vadd.f32 v49, v31;
	v31 =	vsub.f32 v11, v44  }
0x398: {  	v56 =	vsub.f32 v13, v51;
	v36 =	vmul.f32 v36, v36;
	v53 =	vperm.xlane v34, v0  }
0x399: {  	v32 =	vsub.f32 v14, v52;
	v54 =	vperm.xlane v28, v0;
	v41 =	vmul.f32 v31, v19  }
0x39a: {  	v63 =	vmul.f32 v42, v42;
	v44 =	vmul.f32 v56, v56;
	v33 =	vadd.f32 v53, v34  }
0x39b: {  	v61 =	vmul.f32 v32, v32;
	v57 =	vadd.f32 v28, v54;
	v28 =	vadd.f32 $0.0e+00, v41  }
0x39c: {  	v29 =	vadd.f32 v29, v40;
	v59 =	vld [tilespmem:s3+$0x10];
	v31 =	vmul.f32 v31, v31;
	v43 =	vperm.xlane v33, v1  }
0x39d: {  	s30 =	simm.s32 $0x2;
	v32 =	vmul.f32 v32, v22;
	v28 =	vadd.f32 v58, v28;
	v34 =	vmul.f32 v56, v21  }
0x39e: {  	v49 =	vmov s30;
	v60 =	vld [tilespmem:s3+$0x20];
	v31 =	vadd.f32 v36, v31;
	v33 =	vadd.f32 v43, v33  }
0x39f: {  	vm2 =	veq.s32 v49, v4;
	v38 =	vperm.xlane v35, v3;
	v28 =	vadd.f32 v34, v28  }
0x3a0: {  	v62 =	vld [tilespmem:s3+$0x30];
	v30 =	vsel vm1, v45, v30;
	v31 =	vadd.f32 v44, v31;
	v43 =	vperm.xlane v33, v2  }
0x3a1: {  	v41 =	vsub.f32 v16, v59;
	v45 =	vmul.f32 v42, v23;
	v28 =	vadd.f32 v32, v28  }
0x3a2: {  	vm0 =	vmmov vm2;
	v31 =	vadd.f32 v61, v31;
	v33 =	vadd.f32 v43, v33  }
0x3a3: {  	v47 =	vmul.f32 v41, v24;
	v39 =	vsub.f32 v17, v60;
	v28 =	vadd.f32 v45, v28  }
0x3a4: {  	s3 =	sadd.s32 $0x80, s3;
	v46 =	vmul.f32 v41, v41;
	v31 =	vadd.f32 v63, v31;
	v48 =	vperm.xlane v33, v3  }
0x3a5: {  	v56 =	vld [tilespmem:s3+$0xFFFFFFE0];
	v34 =	vsub.f32 v18, v62;
	v50 =	vmul.f32 v39, v25;
	v28 =	vadd.f32 v47, v28  }
0x3a6: {  	v52 =	vld [tilespmem:s3+$0xFFFFFFC0];
	v51 =	vmul.f32 v39, v39;
	v31 =	vadd.f32 v46, v31;
	v33 =	vadd.f32 v48, v33  }
0x3a7: {  	vm1 =	vmmov vm1;
	v62 =	vld [tilespmem:s3+$0x0];
	v53 =	vmul.f32 v34, v26;
	v32 =	vadd.f32 v50, v28  }
0x3a8: {  	v54 =	vmul.f32 v34, v34;
	v31 =	vadd.f32 v51, v31;
	v28 =	vsel vm2, v33, v30;
	v30 =	vld [tilespmem:s3+$0xFFFFFFD0]  }
0x3a9: {  	v35 =	vadd.f32 v35, v38;
	v55 =	vperm.xlane v57, v1;
	v58 =	vld [tilespmem:s3+$0xFFFFFFF0];
	v41 =	vadd.f32 v53, v32  }
0x3aa: {  	vm1 =	vmmov vm1;
	v36 =	vsub.f32 v13, v56;
	v33 =	vadd.f32 v54, v31  }
0x3ab: {  	v31 =	vadd.f32 v57, v55;
	v57 =	vsub.f32 v11, v52;
	v59 =	vperm.xlane v41, v0  }
0x3ac: {  	v45 =	vmul.f32 v36, v36;
	v36 =	vmul.f32 v36, v21;
	v43 =	vsub.f32 v15, v62  }
0x3ad: {  	v61 =	vmul.f32 v57, v19;
	v40 =	vadd.f32 v59, v41;
	v30 =	vsub.f32 v12, v30  }
0x3ae: {  	v39 =	vsub.f32 v14, v58;
	v56 =	vmul.f32 v43, v43;
	v60 =	vperm.xlane v33, v0  }
0x3af: {  	v50 =	vld [tilespmem:s3+$0x10];
	v48 =	vadd.f32 $0.0e+00, v61;
	v51 =	vperm.xlane v40, v1;
	v49 =	vmul.f32 v30, v20  }
0x3b0: {  	v63 =	vmul.f32 v57, v57;
	v37 =	vadd.f32 v33, v60;
	v30 =	vmul.f32 v30, v30  }
0x3b1: {  	v32 =	vperm.xlane v29, v3;
	v52 =	vld [tilespmem:s3+$0x20];
	v40 =	vadd.f32 v51, v40;
	v33 =	vadd.f32 v49, v48  }
0x3b2: {  	v53 =	vmul.f32 v39, v39;
	vm2 =	vmmov vm3;
	v30 =	vadd.f32 v30, v63  }
0x3b3: {  	v54 =	vmul.f32 v39, v22;
	v55 =	vld [tilespmem:s3+$0x30];
	v44 =	vperm.xlane v40, v2;
	v33 =	vadd.f32 v36, v33  }
0x3b4: {  	v42 =	vsub.f32 v16, v50;
	v34 =	vperm.xlane v31, v2;
	v30 =	vadd.f32 v45, v30  }
0x3b5: {  	v57 =	vmul.f32 v43, v23;
	v40 =	vadd.f32 v44, v40;
	v33 =	vadd.f32 v54, v33  }
0x3b6: {  	v58 =	vmul.f32 v42, v42;
	v59 =	vsub.f32 v17, v52;
	v30 =	vadd.f32 v53, v30  }
0x3b7: {  	v60 =	vmul.f32 v42, v24;
	v61 =	vperm.xlane v40, v3;
	v36 =	vadd.f32 v57, v33  }
0x3b8: {  	s31 =	simm.s32 $0x3;
	v38 =	vmul.f32 v59, v25;
	v62 =	vadd.f32 v56, v30;
	v33 =	vsub.f32 v18, v55  }
0x3b9: {  	s9 =	sadd.s32 $0x80, s3;
	v63 =	vmov s31;
	v30 =	vadd.f32 v61, v40;
	v36 =	vadd.f32 v60, v36  }
0x3ba: {  	s23 =	simm.s32 $0x5;
	s11 =	simm.s32 $0x6;
	s3 =	simm.s32 $0x4;
	v41 =	vld [tilespmem:s9+$0xFFFFFFC0];
	vm3 =	veq.s32 v63, v4;
	v40 =	vmul.f32 v59, v59;
	v39 =	vadd.f32 v58, v62  }
.LBB2_21:
0x3bb: {  	v36 =	vadd.f32 v38, v36;
	v38 =	vmul.f32 v33, v26;
	v28 =	vsel vm3, v30, v28  }
0x3bc: {  	p0 =	sne.s32 s11, $0xF;
	vm4 =	vmmov vm1;
	vm1 =	vmmov vm0;
	vm0 =	vmmov vm3  }
0x3bd: {  	v33 =	vmul.f32 v33, v33;
	v30 =	vld [tilespmem:s9+$0xFFFFFFD0];
	v39 =	vadd.f32 v40, v39;
	v40 =	vperm.xlane v37, v1  }
0x3be: {  	v27 =	vsel vm2, v35, v27;
	v42 =	vld [tilespmem:s9+$0xFFFFFFE0];
	v36 =	vadd.f32 v38, v36;
	v38 =	vadd.f32 v31, v34  }
0x3bf: {  	vm2 =	vmmov vm4;
	v33 =	vadd.f32 v33, v39;
	v31 =	vadd.f32 v37, v40  }
0x3c0: {  	v37 =	vsub.f32 v11, v41;
	v39 =	vld [tilespmem:s9+$0xFFFFFFF0];
	v40 =	vperm.xlane v36, v0;
	v41 =	vperm.xlane v38, v3  }
0x3c1: {  	v35 =	vadd.f32 v29, v32;
	v29 =	vmovc v38;
	v43 =	vperm.xlane v33, v0;
	v34 =	vperm.xlane v31, v2  }
0x3c2: {  	v38 =	vmul.f32 v37, v19;
	v30 =	vsub.f32 v12, v30;
	v44 =	vld [tilespmem:s9+$0x0];
	v36 =	vadd.f32 v40, v36;
	v32 =	vmovc v41  }
0x3c3: {  	v40 =	vmul.f32 v37, v37;
	v41 =	vsub.f32 v13, v42;
	v37 =	vadd.f32 v33, v43  }
0x3c4: {  	v33 =	vadd.f32 $0.0e+00, v38;
	v38 =	vmul.f32 v30, v20;
	v42 =	vld [tilespmem:s9+$0x10];
	v43 =	vperm.xlane v36, v1  }
0x3c5: {  	v30 =	vmul.f32 v30, v30;
	v45 =	vmul.f32 v41, v41;
	v39 =	vsub.f32 v14, v39  }
0x3c6: {  	v33 =	vadd.f32 v38, v33;
	v38 =	vmul.f32 v41, v21;
	v41 =	vld [tilespmem:s9+$0x20];
	v36 =	vadd.f32 v43, v36  }
0x3c7: {  	v30 =	vadd.f32 v30, v40;
	v40 =	vmul.f32 v39, v39;
	v43 =	vsub.f32 v15, v44  }
0x3c8: {  	v33 =	vadd.f32 v38, v33;
	v38 =	vmul.f32 v39, v22;
	v39 =	vld [tilespmem:s9+$0x30];
	v44 =	vperm.xlane v36, v2  }
0x3c9: {  	v30 =	vadd.f32 v45, v30;
	v45 =	vmul.f32 v43, v43;
	v42 =	vsub.f32 v16, v42  }
0x3ca: {  	v33 =	vadd.f32 v38, v33;
	v38 =	vmul.f32 v43, v23;
	v43 =	vadd.f32 v44, v36  }
.Ltmp8:
0x3cb: {  	v30 =	vadd.f32 v40, v30;
	v40 =	vmul.f32 v42, v42;
	v44 =	vsub.f32 v17, v41;
	(pc) =	sbr.rel @p0 .LBB2_21-.Ltmp8, $4  }
0x3cc: {  	v36 =	vadd.f32 v38, v33;
	v38 =	vmul.f32 v42, v24;
	v41 =	vperm.xlane v43, v3  }
0x3cd: {  	v42 =	vadd.f32 v45, v30;
	v45 =	vmov s3;
	s3 =	smov.u32 s23;
	s23 =	smov.u32 s11;
	v33 =	vsub.f32 v18, v39  }
0x3ce: {  	s9 =	sadd.s32 $0x80, s9;
	v36 =	vadd.f32 v38, v36;
	v38 =	vmul.f32 v44, v25;
	v30 =	vadd.f32 v41, v43  }
0x3cf: {  	s11 =	sadd.s32 $0x1, s11;
	vm3 =	veq.s32 v45, v4;
	v39 =	vadd.f32 v40, v42;
	v40 =	vmul.f32 v44, v44;
	v41 =	vld [tilespmem:s9+$0xFFFFFFC0]  }
0x3d0: {  	v42 =	vld [tilespmem:s9+$0xFFFFFFD0];
	_ =	sdelay $0x1  }
0x3d1: {  	v43 =	vld [tilespmem:s9+$0xFFFFFFE0];
	_ =	sdelay $0x1  }
0x3d2: {  	v44 =	vld [tilespmem:s9+$0xFFFFFFF0]  }
0x3d3: {  	v41 =	vsub.f32 v11, v41;
	v42 =	vsub.f32 v12, v42  }
0x3d4: {  	v45 =	vld [tilespmem:s9+$0x0]  }
0x3d5: {  	v43 =	vsub.f32 v13, v43;
	v46 =	vmul.f32 v41, v41;
	v47 =	vmul.f32 v42, v42  }
0x3d6: {  	v48 =	vld [tilespmem:s9+$0x10]  }
0x3d7: {  	v44 =	vsub.f32 v14, v44;
	v49 =	vmul.f32 v43, v43;
	v46 =	vadd.f32 v47, v46  }
0x3d8: {  	v53 =	vld [tilespmem:s9+$0x20]  }
0x3d9: {  	v45 =	vsub.f32 v15, v45;
	v50 =	vmul.f32 v44, v44;
	v46 =	vadd.f32 v49, v46  }
0x3da: {  	v54 =	vld [tilespmem:s9+$0x30]  }
0x3db: {  	v48 =	vsub.f32 v16, v48;
	v55 =	vmul.f32 v45, v45;
	v46 =	vadd.f32 v50, v46;
	_ =	sdelay $0x1  }
0x3dc: {  	v56 =	vmul.f32 v48, v48;
	v47 =	vsub.f32 v17, v53;
	v46 =	vadd.f32 v55, v46;
	_ =	sdelay $0x1  }
0x3dd: {  	v49 =	vsub.f32 v18, v54;
	v58 =	vmul.f32 v47, v47;
	v46 =	vadd.f32 v56, v46  }
0x3de: {  	v57 =	vmul.f32 v33, v33;
	v39 =	vadd.f32 v40, v39  }
0x3df: {  	v60 =	vmul.f32 v49, v49;
	v59 =	vadd.f32 v58, v46  }
0x3e0: {  	v39 =	vadd.f32 v57, v39  }
0x3e1: {  	v62 =	vperm.xlane v37, v1;
	v31 =	vadd.f32 v31, v34;
	v40 =	vadd.f32 v60, v59  }
0x3e2: {  	v27 =	vsel vm2, v35, v27;
	v29 =	vadd.f32 v29, v32;
	v61 =	vperm.xlane v39, v0  }
0x3e3: {  	vm1 =	vmmov vm1;
	vm0 =	vmmov vm0;
	v51 =	vperm.xlane v40, v0  }
0x3e4: {  	vm14 =	vmmov vm3;
	vm1 =	vmmov vm1;
	v63 =	vadd.f32 v39, v61  }
0x3e5: {  	vm0 =	vmmov vm0;
	v27 =	vsel vm1, v29, v27;
	v53 =	vadd.f32 v40, v51  }
0x3e6: {  	vm1 =	vmmov vm14;
	v52 =	vperm.xlane v63, v1;
	v46 =	vadd.f32 v37, v62  }
0x3e7: {  	vm0 =	vmmov vm0;
	vm1 =	vmmov vm1;
	v57 =	vperm.xlane v53, v1  }
0x3e8: {  	vm1 =	vmmov vm1;
	v32 =	vadd.f32 v63, v52;
	v54 =	vperm.xlane v46, v2  }
0x3e9: {  	v61 =	vmov s23;
	v55 =	vperm.xlane v31, v3;
	v35 =	vadd.f32 v53, v57  }
0x3ea: {  	v50 =	vmov s3;
	v58 =	vperm.xlane v32, v2;
	v56 =	vadd.f32 v46, v54  }
0x3eb: {  	vm2 =	veq.s32 v50, v4;
	v31 =	vadd.f32 v31, v55;
	v60 =	vperm.xlane v35, v2  }
0x3ec: {  	vm4 =	vmmov vm2;
	v32 =	vadd.f32 v32, v58;
	v59 =	vperm.xlane v56, v3  }
0x3ed: {  	vm4 =	vmmov vm4;
	v27 =	vsel vm0, v31, v27;
	v31 =	vadd.f32 v35, v60  }
0x3ee: {  	vm0 =	veq.s32 v61, v4;
	v62 =	vperm.xlane v32, v3;
	v29 =	vadd.f32 v56, v59  }
0x3ef: {  	vm4 =	vmmov vm4;
	vm15 =	vmmov vm0;
	v63 =	vperm.xlane v31, v3  }
0x3f0: {  	v32 =	vadd.f32 v32, v62;
	v27 =	vsel vm1, v29, v27;
	vm1 =	vmmov vm15  }
0x3f1: {  	vm4 =	vmmov vm4;
	vm1 =	vmmov vm1;
	v29 =	vadd.f32 v31, v63  }
0x3f2: {  	v27 =	vsel vm4, v32, v27;
	vm1 =	vmmov vm1  }
0x3f3: {  	v27 =	vsel vm1, v29, v27  }
0x3f4: {  	vm1 =	vge.f32 v27, $9.765625000e-04  }
0x3f5: {  	vm4 =	vge.f32 v27, $3.906250000e-03;
	v34 =	vsel vm1, $0x3D000000, v5  }
0x3f6: {  	vm5 =	vge.f32 v27, $1.562500000e-02;
	v29 =	vsel vm4, $0x3D800000, v34  }
0x3f7: {  	vm6 =	vge.f32 v27, $6.250000000e-02;
	v29 =	vsel vm5, $0x3E000000, v29  }
0x3f8: {  	vm7 =	vge.f32 v27, $2.500000000e-01;
	v29 =	vsel vm6, $0x3E800000, v29  }
0x3f9: {  	vm8 =	vge.f32 v27, $1.000000000e+00;
	v29 =	vsel vm7, $0x3F000000, v29  }
0x3fa: {  	vm9 =	vge.f32 v27, $4.000000000e+00;
	v29 =	vsel vm8, $0x3F800000, v29  }
0x3fb: {  	vm10 =	vge.f32 v27, $1.600000000e+01;
	v29 =	vsel vm9, $0x40000000, v29  }
0x3fc: {  	vm11 =	vge.f32 v27, $6.400000000e+01;
	v29 =	vsel vm10, $0x40800000, v29  }
0x3fd: {  	vm12 =	vge.f32 v27, $2.560000000e+02;
	v29 =	vsel vm11, $0x41000000, v29  }
0x3fe: {  	vm13 =	vge.f32 v27, $1.024000000e+03;
	v29 =	vsel vm12, $0x41800000, v29  }
0x3ff: {  	vm14 =	vge.f32 v27, $4.096000000e+03;
	v29 =	vsel vm13, $0x42000000, v29  }
0x400: {  	v29 =	vsel vm14, $0x42800000, v29  }
0x401: {  	(erf) = vrcp.f32 v29;
	_ =	sdelay $0x8  }
0x402: {  	v35 =	vpop (erf)  }
0x403: {  	v31 =	vmul.f32 v35, v27;
	_ =	sdelay $0x1  }
0x404: {  	v29 =	vadd.f32 v31, v29;
	_ =	sdelay $0x1  }
0x405: {  	v29 =	vmul.f32 $5.000000000e-01, v29;
	_ =	sdelay $0x1  }
0x406: {  	(erf) = vrcp.f32 v29;
	_ =	sdelay $0x8  }
0x407: {  	v37 =	vpop (erf)  }
0x408: {  	v31 =	vmul.f32 v37, v27;
	_ =	sdelay $0x1  }
0x409: {  	v29 =	vadd.f32 v31, v29;
	_ =	sdelay $0x1  }
0x40a: {  	v29 =	vmul.f32 $5.000000000e-01, v29;
	_ =	sdelay $0x1  }
0x40b: {  	(erf) = vrcp.f32 v29;
	_ =	sdelay $0x8  }
0x40c: {  	v39 =	vpop (erf)  }
0x40d: {  	v40 =	vmul.f32 v41, v19;
	v31 =	vmul.f32 v39, v27;
	_ =	sdelay $0x1  }
0x40e: {  	v41 =	vmul.f32 v42, v20;
	v32 =	vadd.f32 $0.0e+00, v40;
	v29 =	vadd.f32 v31, v29;
	_ =	sdelay $0x1  }
0x40f: {  	v43 =	vmul.f32 v43, v21;
	v42 =	vadd.f32 v41, v32;
	v29 =	vmul.f32 $5.000000000e-01, v29;
	_ =	sdelay $0x1  }
0x410: {  	v44 =	vmul.f32 v44, v22;
	v31 =	vadd.f32 v43, v42;
	(erf) = vrcp.f32 v29;
	_ =	sdelay $0x1  }
0x411: {  	v46 =	vmul.f32 v45, v23;
	v31 =	vadd.f32 v44, v31;
	_ =	sdelay $0x1  }
0x412: {  	v48 =	vmul.f32 v48, v24;
	v31 =	vadd.f32 v46, v31;
	_ =	sdelay $0x1  }
0x413: {  	v50 =	vmul.f32 v47, v25;
	v31 =	vadd.f32 v48, v31  }
0x414: {  	v52 =	vmul.f32 v33, v26;
	v51 =	vadd.f32 v38, v36  }
0x415: {  	v53 =	vmul.f32 v49, v26;
	v31 =	vadd.f32 v50, v31  }
0x416: {  	v33 =	vadd.f32 v52, v51;
	v54 =	vpop (erf)  }
0x417: {  	v31 =	vadd.f32 v53, v31;
	v55 =	vmul.f32 v54, v27  }
0x418: {  	v56 =	vperm.xlane v33, v0  }
0x419: {  	v57 =	vperm.xlane v31, v0;
	v29 =	vadd.f32 v55, v29  }
0x41a: {  	v58 =	vadd.f32 v56, v33  }
0x41b: {  	v31 =	vadd.f32 v57, v31;
	v29 =	vmul.f32 $5.000000000e-01, v29  }
0x41c: {  	v33 =	vperm.xlane v58, v1  }
0x41d: {  	v59 =	vperm.xlane v31, v1;
	v29 =	vsub.f32 $0.0e+00, v29  }
0x41e: {  	v32 =	vadd.f32 v33, v58  }
0x41f: {  	v31 =	vadd.f32 v59, v31;
	v29 =	vmul.f32 $1.442695020e+00, v29  }
0x420: {  	v33 =	vperm.xlane v32, v2;
	vm15 =	vgt.f32 v27, $0.0e+00  }
0x421: {  	s31 =	sshll.u32 s14, $0x4;
	v27 =	vperm.xlane v31, v2;
	v29 =	vnsel vm15, $0x0, v29  }
0x422: {  	s3 =	sand.u32 $0x3FFFFFF0, s31;
	v32 =	vadd.f32 v33, v32;
	(erf) = vpow2.f32 v29  }
0x423: {  	v60 =	vld [tilespmem:s3+$0x4980];
	v27 =	vadd.f32 v27, v31  }
0x424: {  	v61 =	vperm.xlane v32, v3  }
0x425: {  	v62 =	vperm.xlane v27, v3  }
0x426: {  	v31 =	vadd.f32 v61, v32  }
0x427: {  	v28 =	vsel vm3, v30, v28;
	v27 =	vadd.f32 v62, v27  }
0x428: {  	s14 =	sadd.s32 $0x1, s14;
	v28 =	vsel vm2, v31, v28;
	v29 =	vmul.f32 v60, v6  }
0x429: {  	p0 =	sne.s32 s14, $0x8;
	v27 =	vsel vm0, v27, v28  }
.Ltmp9:
0x42a: {  	v27 =	vadd.f32 v29, v27;
	(pc) =	sbr.rel @p0 .LBB2_20-.Ltmp9, $3  }
0x42b: {  	v63 =	vpop (erf)  }
0x42c: {  	v27 =	vmul.f32 v27, v63;
	_ =	sdelay $0x1  }
0x42d: {  	s5 =	sadd.s32 $0x800, s5;
	v10 =	vadd.f32 v63, v10;
	v9 =	vadd.f32 v27, v9  }
0x42e: {  	_ = 	snop  }
0x42f: {  	v11 =	vperm.xlane v10, v0;
	_ =	sdelay $0x1  }
0x430: {  	v10 =	vadd.f32 v11, v10;
	_ =	sdelay $0x1  }
0x431: {  	v11 =	vperm.xlane v10, v1;
	_ =	sdelay $0x1  }
0x432: {  	v10 =	vadd.f32 v11, v10;
	_ =	sdelay $0x1  }
0x433: {  	v11 =	vperm.xlane v10, v2;
	_ =	sdelay $0x1  }
0x434: {  	v10 =	vadd.f32 v11, v10  }
0x435: {  	v12 =	vperm.xlane v9, v0  }
0x436: {  	v11 =	vperm.xlane v10, v3  }
0x437: {  	v9 =	vadd.f32 v12, v9  }
0x438: {  	v10 =	vadd.f32 v11, v10  }
0x439: {  	v11 =	vperm.xlane v9, v1  }
0x43a: {  	v10 =	vadd.f32 $2.943035600e+00, v10  }
0x43b: {  	v9 =	vadd.f32 v11, v9  }
0x43c: {  	(erf) = vrcp.f32 v10  }
0x43d: {  	v10 =	vperm.xlane v9, v2;
	_ =	sdelay $0x1  }
0x43e: {  	v9 =	vadd.f32 v10, v9;
	_ =	sdelay $0x1  }
0x43f: {  	v10 =	vperm.xlane v9, v3  }
0x440: {  	s29 =	sadd.s32 $0x1, s29  }
0x441: {  	p0 =	sne.s32 s29, $0x4  }
.Ltmp10:
0x442: {  	v9 =	vadd.f32 v10, v9;
	(pc) =	sbr.rel @p0 .LBB2_15-.Ltmp10, $3  }
0x443: {  	v10 =	vpop (erf)  }
0x444: {  	v9 =	vmul.f32 v9, v10;
	_ =	sdelay $0x1  }
0x445: {  	v8 =	vadd.f32 v9, v8  }
0x446: {  	v9 =	vmov s26;
	s26 =	sadd.s32 $0x1, s26  }
0x447: {  	p0 =	sne.s32 s26, $0x10  }
.Ltmp11:
0x448: {  	_ = 	snop;
	(pc) =	sbr.rel @p0 .LBB2_14-.Ltmp11, $4  }
0x449: {  	_ = 	snop  }
0x44a: {  	v8 =	vmul.f32 $2.500000000e-01, v8  }
0x44b: {  	vm0 =	veq.s32 v9, v4  }
0x44c: {  	v7 =	vsel vm0, v8, v7  }
0x44d: {  	v6 =	vsub.f32 $0.0e+00, v7;
	_ =	sdelay $0x1  }
0x44e: {  	v6 =	vmul.f32 $1.442695020e+00, v6;
	_ =	sdelay $0x1  }
0x44f: {  	(erf) = vpow2.f32 v6;
	_ =	sdelay $0x8  }
0x450: {  	v6 =	vpop (erf)  }
0x451: {  	v6 =	vadd.f32 $1.000000000e+00, v6;
	_ =	sdelay $0x1  }
0x452: {  	(erf) = vrcp.f32 v6;
	_ =	sdelay $0x7  }
0x453: {  	s24 =	sadd.s32 $0x1, s24  }
0x454: {  	s11 =	simm.s32 $0x0;
	p0 =	sne.s32 s24, s12;
	v6 =	vpop (erf)  }
.Ltmp12:
0x455: {  	s0 =	rddreg [dreg:$0x6];
	s3 =	simm.s32 $0x4A80;
	[tilespmem:$0x4A90] =	vst v6;
	(pc) =	sbr.rel @p0 .LBB2_1-.Ltmp12, $4  }
0x456: {  	[hbm4b:s0+s11] =	stream.linear.scatter [tilespmem:s3], [sflag:$0x1], $0x20, $0x38;
	[tilespmem:$0x4B00] =	vst v63  }
0x457: {  	_ =	swait.ge [sflag:s15], $0x20  }
0x458: {  	[sflag:s15] =	ssyncset.done $0x0  }
0x459: {  	[sflag:s15] =	ssyncadd.s32 $0xFFFFFFE0  }
0x45a: {  	_ =	sfence.sel $0x180000  }
0x45b: {  	[bflag:$0x0] =	sbarrier.arrive $0xFFFF  }
0x45c: {  	_ =	strace $0x90000047  }
0x45d: {  	s0 =	stileid.u32;
	[bflag:$0x2] =	sbarrier.arrive $0xFFFF  }
0x45e: {  	p0 =	sne.s32 s0, $0x0;
	s0 =	rddreg [dreg:$0x4]  }
0x45f: {  	s0 =	sadd.s32 @!p0 $0x100000, s0  }
0x460: {  	[sflag:s0] =	ssyncadd.tile.s32 @!p0 $0x1;
	_ =	shalt  }
.Lfunc_end2:
_tile_overlayer_lowered:
.L_overlay_start_2:
0x461: {  	(tag) =	ssettag $0x2  }
0x462: {  	s0 =	rddreg [dreg:$0x0];
	s2 =	stileid.u32  }
0x463: {  	s1 =	rddreg [dreg:$0x1];
	p0 =	sne.s32 s2, $0x0  }
0x464: {  	s3 =	rddreg [dreg:$0x2];
	[bflag:$0x3] =	sbarrier.arrive $0xFFFF;
	s2 =	simm.s32 @!p0 $0x1C01  }
0x465: {  	[timem:s3], [sflag:s2] =	dma.local @!p0 [hbm:s0], s1  }
0x466: {  	s0 =	simm.s32 @!p0 $0x1  }
0x467: {  	_ =	swait.ge @!p0 [sflag:s0], s1  }
0x468: {  	s1 =	ssub.s32 @!p0 $0x0, s1;
	[sflag:s0] =	ssyncset.done @!p0 $0x0  }
0x469: {  	[sflag:s0] =	ssyncadd.s32 @!p0 s1  }
0x46a: {  	[bflag:$0x3] =	sbarrier.arrive $0xFFFF  }
0x46b: {  	_ =	shalt  }

</sc_bundles>
